<compile_context>
chip_gen: v7x
topology: tpu7x:2x2x1
jax: 0.10.2.dev20260603
libtpu: 0.0.44.dev20260713+nightly
codegen_flags: <defaults>
</compile_context>

<pallas_src>
import functools

import jax
import jax.numpy as jnp
from jax import lax
from jax.experimental import pallas as pl
from jax.experimental.pallas import tpu as pltpu
from jax.experimental.pallas import tpu_sc as plsc

N = 10000
E = 320000
D = 128

NC = 2
NS = 16
NW = NC * NS
CHUNK = 128
CH = 80
PIECE = 16
NPIECE = CH // PIECE
EPAD = NW * CH * CHUNK
NPAD = 10240
DUMMY = N
ROWS_PER_TILE = NPAD // NS

_MESH = plsc.VectorSubcoreMesh(core_axis_name="c", subcore_axis_name="s")



def _sc_degree(dst_w, ones_hbm, zeros16_hbm):

    @functools.partial(
        pl.kernel,
        out_type=jax.ShapeDtypeStruct((NC, NPAD, D), jnp.float32),
        mesh=_MESH,
        scratch_types=[
            pltpu.VMEM((CH, CHUNK), jnp.int32),
            pltpu.VMEM((CHUNK, D), jnp.float32),
            pltpu.VMEM_SHARED((NPAD, D), jnp.float32),
        ],
    )
    def k(dst_hbm, ones_h, zeros_h, out_hbm, dst_v, ones_v, dacc):
        c = lax.axis_index("c")
        s = lax.axis_index("s")
        w = s * NC + c
        stripe = s * ROWS_PER_TILE

        pltpu.sync_copy(dst_hbm.at[w], dst_v)
        pltpu.sync_copy(ones_h, ones_v)

        for b in range(ROWS_PER_TILE // CHUNK):
            pltpu.sync_copy(zeros_h,
                            dacc.at[pl.ds(stripe + b * CHUNK, CHUNK)])
        plsc.subcore_barrier()

        def body(j, carry):
            pltpu.sync_copy(ones_v, dacc.at[dst_v.at[j]], add=True)
            return carry

        lax.fori_loop(0, CH, body, 0)
        plsc.subcore_barrier()
        pltpu.sync_copy(dacc.at[pl.ds(stripe, ROWS_PER_TILE)],
                        out_hbm.at[c, pl.ds(stripe, ROWS_PER_TILE)])

    return k(dst_w, ones_hbm, zeros16_hbm)


def _sc_scatter(g, src_w, dst_w, zeros_hbm):

    @functools.partial(
        pl.kernel,
        out_type=jax.ShapeDtypeStruct((NC, NPAD, D), jnp.float32),
        mesh=_MESH,
        scratch_types=[
            pltpu.VMEM((PIECE, CHUNK), jnp.int32),
            pltpu.VMEM((PIECE, CHUNK), jnp.int32),
            pltpu.VMEM((CHUNK, D), jnp.float32),
            pltpu.VMEM((CHUNK, D), jnp.float32),
            pltpu.SemaphoreType.DMA,
            pltpu.SemaphoreType.DMA,
            pltpu.VMEM_SHARED((NPAD, D), jnp.float32),
        ],
    )
    def k(g_hbm, src_hbm, dst_hbm, zeros_h, out_hbm,
          src_v, dst_v, buf0, buf1, sem0, sem1, acc):
        c = lax.axis_index("c")
        s = lax.axis_index("s")
        w = s * NC + c
        stripe = s * ROWS_PER_TILE

        for b in range(ROWS_PER_TILE // CHUNK):
            pltpu.sync_copy(zeros_h,
                            acc.at[pl.ds(stripe + b * CHUNK, CHUNK)])
        plsc.subcore_barrier()

        def piece(q, carry):
            pltpu.sync_copy(src_hbm.at[w, pl.ds(q * PIECE, PIECE)], src_v)
            pltpu.sync_copy(dst_hbm.at[w, pl.ds(q * PIECE, PIECE)], dst_v)
            pltpu.async_copy(g_hbm.at[src_v.at[0]], buf0, sem0)

            def pair(p, c2):
                j = 2 * p
                pltpu.async_copy(g_hbm.at[src_v.at[j + 1]], buf1, sem1)
                pltpu.make_async_copy(g_hbm.at[src_v.at[j]], buf0, sem0).wait()
                pltpu.sync_copy(buf0, acc.at[dst_v.at[j]], add=True)

                @pl.when(j + 2 < PIECE)
                def _():
                    pltpu.async_copy(g_hbm.at[src_v.at[j + 2]], buf0, sem0)

                pltpu.make_async_copy(g_hbm.at[src_v.at[j + 1]], buf1,
                                      sem1).wait()
                pltpu.sync_copy(buf1, acc.at[dst_v.at[j + 1]], add=True)
                return c2

            lax.fori_loop(0, PIECE // 2, pair, 0)
            return carry

        lax.fori_loop(0, NPIECE, piece, 0)

        plsc.subcore_barrier()
        pltpu.sync_copy(acc.at[pl.ds(stripe, ROWS_PER_TILE)],
                        out_hbm.at[c, pl.ds(stripe, ROWS_PER_TILE)])

    return k(g, src_w, dst_w, zeros_hbm)



def _tc_dis(dega):

    def body(dega_ref, dis_ref):
        deg = dega_ref[0, :, 0:1] + dega_ref[1, :, 0:1] + 1.0
        dis_ref[...] = lax.rsqrt(deg)

    return pl.pallas_call(
        body,
        out_shape=jax.ShapeDtypeStruct((NPAD, 1), jnp.float32),
    )(dega)


_BLK = 1280
_GRID = NPAD // _BLK


def _tc_matmul_scale(x, w, dis):

    def body(x_ref, w_ref, dis_ref, g_ref):
        h = jnp.dot(x_ref[...], w_ref[...], preferred_element_type=jnp.float32)
        g_ref[...] = dis_ref[...] * h

    return pl.pallas_call(
        body,
        grid=(_GRID,),
        in_specs=[
            pl.BlockSpec((_BLK, D), lambda i: (i, 0)),
            pl.BlockSpec((D, D), lambda i: (0, 0)),
            pl.BlockSpec((_BLK, 1), lambda i: (i, 0)),
        ],
        out_specs=pl.BlockSpec((_BLK, D), lambda i: (i, 0)),
        out_shape=jax.ShapeDtypeStruct((NPAD, D), jnp.float32),
    )(x, w, dis)


def _tc_combine_matmul(acc, g_prev, dis, w):

    def body(acc_ref, g_ref, dis_ref, w_ref, out_ref):
        pre = dis_ref[...] * (acc_ref[0] + acc_ref[1] + g_ref[...])
        x2 = jnp.maximum(pre, 0.0)
        h = jnp.dot(x2, w_ref[...], preferred_element_type=jnp.float32)
        out_ref[...] = dis_ref[...] * h

    return pl.pallas_call(
        body,
        grid=(_GRID,),
        in_specs=[
            pl.BlockSpec((NC, _BLK, D), lambda i: (0, i, 0)),
            pl.BlockSpec((_BLK, D), lambda i: (i, 0)),
            pl.BlockSpec((_BLK, 1), lambda i: (i, 0)),
            pl.BlockSpec((D, D), lambda i: (0, 0)),
        ],
        out_specs=pl.BlockSpec((_BLK, D), lambda i: (i, 0)),
        out_shape=jax.ShapeDtypeStruct((NPAD, D), jnp.float32),
    )(acc, g_prev, dis, w)


def _tc_final(acc, g_prev, dis):

    def body(acc_ref, g_ref, dis_ref, out_ref):
        out_ref[...] = dis_ref[...] * (acc_ref[0] + acc_ref[1] + g_ref[...])

    return pl.pallas_call(
        body,
        grid=(_GRID,),
        in_specs=[
            pl.BlockSpec((NC, _BLK, D), lambda i: (0, i, 0)),
            pl.BlockSpec((_BLK, D), lambda i: (i, 0)),
            pl.BlockSpec((_BLK, 1), lambda i: (i, 0)),
        ],
        out_specs=pl.BlockSpec((_BLK, D), lambda i: (i, 0)),
        out_shape=jax.ShapeDtypeStruct((NPAD, D), jnp.float32),
    )(acc, g_prev, dis)



def kernel(x, edge_index, W0, W1, W2):
    x_p = jnp.zeros((NPAD, D), jnp.float32).at[:N].set(x)
    src = jnp.full((EPAD,), DUMMY, jnp.int32).at[:E].set(edge_index[0])
    dst = jnp.full((EPAD,), DUMMY, jnp.int32).at[:E].set(edge_index[1])
    src_w = src.reshape(NW, CH, CHUNK)
    dst_w = dst.reshape(NW, CH, CHUNK)
    onesD = jnp.ones((CHUNK, D), jnp.float32)
    zerosD = jnp.zeros((CHUNK, D), jnp.float32)

    dega = _sc_degree(dst_w, onesD, zerosD)
    dis = _tc_dis(dega)

    g0 = _tc_matmul_scale(x_p, W0, dis)
    acc0 = _sc_scatter(g0, src_w, dst_w, zerosD)
    g1 = _tc_combine_matmul(acc0, g0, dis, W1)
    acc1 = _sc_scatter(g1, src_w, dst_w, zerosD)
    g2 = _tc_combine_matmul(acc1, g1, dis, W2)
    acc2 = _sc_scatter(g2, src_w, dst_w, zerosD)

    out_p = _tc_final(acc2, g2, dis)
    return out_p[:N]

# --- scband reference (transcript-rebuilt; emitter-appended) ---
"""Pipeline reference for scband-gcn-base-19825569038949 (READ-ONLY COPY).

The authoritative reference and input builder live on the scoring server;
editing this copy changes nothing except your own understanding.
"""

import jax, jax.numpy as jnp
import numpy as np

N = 10000
E = 320000
D_IN = 128
D_HID = 128


def gcn_conv(x, edge_index, W):
    # Faithful PyG-style GCNConv (bias=False): add self-loops, symmetric
    # degree normalization, linear transform, scatter-add aggregation.
    n = x.shape[0]
    loop = jnp.arange(n, dtype=edge_index.dtype)
    src = jnp.concatenate([edge_index[0], loop])
    dst = jnp.concatenate([edge_index[1], loop])
    deg = jnp.zeros((n,), dtype=x.dtype).at[dst].add(1.0)
    deg_inv_sqrt = jnp.where(deg > 0, deg ** -0.5, 0.0)
    norm = deg_inv_sqrt[src] * deg_inv_sqrt[dst]
    h = x @ W
    msg = h[src] * norm[:, None]
    out = jnp.zeros((n, W.shape[1]), dtype=x.dtype).at[dst].add(msg)
    return out


def setup_inputs(seed: int = 0) -> dict:
    key = jax.random.key(seed)
    k1, k2, k3, k4, k5 = jax.random.split(key, 5)
    x = jax.random.normal(k1, (N, D_IN), dtype=jnp.float32)
    edge_index = jax.random.randint(k2, (2, E), 0, N, dtype=jnp.int32)
    s = 1.0 / np.sqrt(D_IN)
    W0 = jax.random.uniform(k3, (D_IN, D_HID), dtype=jnp.float32, minval=-s, maxval=s)
    W1 = jax.random.uniform(k4, (D_HID, D_HID), dtype=jnp.float32, minval=-s, maxval=s)
    W2 = jax.random.uniform(k5, (D_HID, D_HID), dtype=jnp.float32, minval=-s, maxval=s)
    return {"x": x, "edge_index": edge_index, "W0": W0, "W1": W1, "W2": W2}


def reference(x, edge_index, W0, W1, W2):
    # GCN_base with n_layers=2 builds 3 GCNConv layers. dropout p=0.0 is
    # identity; act is relu. Last layer has no activation.
    h = gcn_conv(x, edge_index, W0)
    h = jax.nn.relu(h)
    # dropout(p=0.0) == identity
    h = gcn_conv(h, edge_index, W1)
    h = jax.nn.relu(h)
    # dropout(p=0.0) == identity
    h = gcn_conv(h, edge_index, W2)
    return h

if __name__ == "__main__":
    import jax
    _d = setup_inputs()
    print(jax.jit(kernel)(*tuple(_d.values())))

</pallas_src>

<mosaic_0001>
#map = affine_map<(d0, d1) -> (0, 0)>
#map1 = affine_map<(d0, d1) -> (0, 0, 0)>
module attributes {stable_mosaic.version = 14 : i64} {
  func.func @k(%arg0: i32, %arg1: i32, %arg2: memref<10240x128xf32, #tpu.memory_space<hbm>>, %arg3: memref<32x80x128xi32, #tpu.memory_space<hbm>>, %arg4: memref<32x80x128xi32, #tpu.memory_space<hbm>>, %arg5: memref<128x128xf32, #tpu.memory_space<hbm>>, %arg6: memref<2x10240x128xf32, #tpu.memory_space<hbm>>, %arg7: memref<16x128xi32, #tpu.memory_space<vmem>>, %arg8: memref<16x128xi32, #tpu.memory_space<vmem>>, %arg9: memref<128x128xf32, #tpu.memory_space<vmem>>, %arg10: memref<128x128xf32, #tpu.memory_space<vmem>>, %arg11: memref<!tpu.dma_semaphore, #tpu.memory_space<semaphore_mem>>, %arg12: memref<!tpu.dma_semaphore, #tpu.memory_space<semaphore_mem>>, %arg13: memref<10240x128xf32, #tpu.memory_space<vmem_shared>>) attributes {dimension_semantics = [#tpu.dimension_semantics<core_parallel>, #tpu.dimension_semantics<subcore_parallel>], iteration_bounds = array<i64: 2, 16>, scalar_prefetch = 0 : i64, scratch_operands = 7 : i64, tpu.core_type = #tpu.core_type<sc_vector_subcore>, window_params = [{transform_indices = #map}, {transform_indices = #map1}, {transform_indices = #map1}, {transform_indices = #map}, {transform_indices = #map1}]} {
    %mul3A = arith.constant 2 : i32
    %mul3A_0 = arith.muli %arg1, %mul3A : i32
    %add3A = arith.addi %mul3A_0, %arg0 : i32
    %mul3A_1 = arith.constant 640 : i32
    %mul3A_2 = arith.muli %arg1, %mul3A_1 : i32
    %add3A_3 = arith.constant 0 : i32
    %add3A_4 = arith.addi %mul3A_2, %add3A_3 : i32
    "tpu.region"() ({
      %run_scoped3A = tpu.sem_alloc : memref<!tpu.dma_semaphore, #tpu.memory_space<semaphore_mem>>
      %dma_start3A = arith.constant 0 : i32
      %dma_start3A_19 = tpu.memref_slice %arg13[%add3A_4, %dma_start3A] : memref<10240x128xf32, #tpu.memory_space<vmem_shared>> -> memref<128x128xf32, #tpu.memory_space<vmem_shared>>
      tpu.enqueue_dma source(%arg5 : memref<128x128xf32, #tpu.memory_space<hbm>>) target(%dma_start3A_19 : memref<128x128xf32, #tpu.memory_space<vmem_shared>>) target_semaphore(%run_scoped3A : memref<!tpu.dma_semaphore, #tpu.memory_space<semaphore_mem>>)
      %dma_wait3A = arith.constant 0 : i32
      %dma_wait3A_20 = tpu.memref_slice %arg13[%add3A_4, %dma_wait3A] : memref<10240x128xf32, #tpu.memory_space<vmem_shared>> -> memref<128x128xf32, #tpu.memory_space<vmem_shared>>
      tpu.wait_dma2 semaphore(%run_scoped3A : memref<!tpu.dma_semaphore, #tpu.memory_space<semaphore_mem>>) src(%arg5 : memref<128x128xf32, #tpu.memory_space<hbm>>) dst(%dma_wait3A_20 : memref<128x128xf32, #tpu.memory_space<vmem_shared>>)
      tpu.yield
    }) : () -> ()
    %add3A_5 = arith.constant 128 : i32
    %add3A_6 = arith.addi %mul3A_2, %add3A_5 : i32
    "tpu.region"() ({
      %run_scoped3A = tpu.sem_alloc : memref<!tpu.dma_semaphore, #tpu.memory_space<semaphore_mem>>
      %dma_start3A = arith.constant 0 : i32
      %dma_start3A_19 = tpu.memref_slice %arg13[%add3A_6, %dma_start3A] : memref<10240x128xf32, #tpu.memory_space<vmem_shared>> -> memref<128x128xf32, #tpu.memory_space<vmem_shared>>
      tpu.enqueue_dma source(%arg5 : memref<128x128xf32, #tpu.memory_space<hbm>>) target(%dma_start3A_19 : memref<128x128xf32, #tpu.memory_space<vmem_shared>>) target_semaphore(%run_scoped3A : memref<!tpu.dma_semaphore, #tpu.memory_space<semaphore_mem>>)
      %dma_wait3A = arith.constant 0 : i32
      %dma_wait3A_20 = tpu.memref_slice %arg13[%add3A_6, %dma_wait3A] : memref<10240x128xf32, #tpu.memory_space<vmem_shared>> -> memref<128x128xf32, #tpu.memory_space<vmem_shared>>
      tpu.wait_dma2 semaphore(%run_scoped3A : memref<!tpu.dma_semaphore, #tpu.memory_space<semaphore_mem>>) src(%arg5 : memref<128x128xf32, #tpu.memory_space<hbm>>) dst(%dma_wait3A_20 : memref<128x128xf32, #tpu.memory_space<vmem_shared>>)
      tpu.yield
    }) : () -> ()
    %add3A_7 = arith.constant 256 : i32
    %add3A_8 = arith.addi %mul3A_2, %add3A_7 : i32
    "tpu.region"() ({
      %run_scoped3A = tpu.sem_alloc : memref<!tpu.dma_semaphore, #tpu.memory_space<semaphore_mem>>
      %dma_start3A = arith.constant 0 : i32
      %dma_start3A_19 = tpu.memref_slice %arg13[%add3A_8, %dma_start3A] : memref<10240x128xf32, #tpu.memory_space<vmem_shared>> -> memref<128x128xf32, #tpu.memory_space<vmem_shared>>
      tpu.enqueue_dma source(%arg5 : memref<128x128xf32, #tpu.memory_space<hbm>>) target(%dma_start3A_19 : memref<128x128xf32, #tpu.memory_space<vmem_shared>>) target_semaphore(%run_scoped3A : memref<!tpu.dma_semaphore, #tpu.memory_space<semaphore_mem>>)
      %dma_wait3A = arith.constant 0 : i32
      %dma_wait3A_20 = tpu.memref_slice %arg13[%add3A_8, %dma_wait3A] : memref<10240x128xf32, #tpu.memory_space<vmem_shared>> -> memref<128x128xf32, #tpu.memory_space<vmem_shared>>
      tpu.wait_dma2 semaphore(%run_scoped3A : memref<!tpu.dma_semaphore, #tpu.memory_space<semaphore_mem>>) src(%arg5 : memref<128x128xf32, #tpu.memory_space<hbm>>) dst(%dma_wait3A_20 : memref<128x128xf32, #tpu.memory_space<vmem_shared>>)
      tpu.yield
    }) : () -> ()
    %add3A_9 = arith.constant 384 : i32
    %add3A_10 = arith.addi %mul3A_2, %add3A_9 : i32
    "tpu.region"() ({
      %run_scoped3A = tpu.sem_alloc : memref<!tpu.dma_semaphore, #tpu.memory_space<semaphore_mem>>
      %dma_start3A = arith.constant 0 : i32
      %dma_start3A_19 = tpu.memref_slice %arg13[%add3A_10, %dma_start3A] : memref<10240x128xf32, #tpu.memory_space<vmem_shared>> -> memref<128x128xf32, #tpu.memory_space<vmem_shared>>
      tpu.enqueue_dma source(%arg5 : memref<128x128xf32, #tpu.memory_space<hbm>>) target(%dma_start3A_19 : memref<128x128xf32, #tpu.memory_space<vmem_shared>>) target_semaphore(%run_scoped3A : memref<!tpu.dma_semaphore, #tpu.memory_space<semaphore_mem>>)
      %dma_wait3A = arith.constant 0 : i32
      %dma_wait3A_20 = tpu.memref_slice %arg13[%add3A_10, %dma_wait3A] : memref<10240x128xf32, #tpu.memory_space<vmem_shared>> -> memref<128x128xf32, #tpu.memory_space<vmem_shared>>
      tpu.wait_dma2 semaphore(%run_scoped3A : memref<!tpu.dma_semaphore, #tpu.memory_space<semaphore_mem>>) src(%arg5 : memref<128x128xf32, #tpu.memory_space<hbm>>) dst(%dma_wait3A_20 : memref<128x128xf32, #tpu.memory_space<vmem_shared>>)
      tpu.yield
    }) : () -> ()
    %add3A_11 = arith.constant 512 : i32
    %add3A_12 = arith.addi %mul3A_2, %add3A_11 : i32
    "tpu.region"() ({
      %run_scoped3A = tpu.sem_alloc : memref<!tpu.dma_semaphore, #tpu.memory_space<semaphore_mem>>
      %dma_start3A = arith.constant 0 : i32
      %dma_start3A_19 = tpu.memref_slice %arg13[%add3A_12, %dma_start3A] : memref<10240x128xf32, #tpu.memory_space<vmem_shared>> -> memref<128x128xf32, #tpu.memory_space<vmem_shared>>
      tpu.enqueue_dma source(%arg5 : memref<128x128xf32, #tpu.memory_space<hbm>>) target(%dma_start3A_19 : memref<128x128xf32, #tpu.memory_space<vmem_shared>>) target_semaphore(%run_scoped3A : memref<!tpu.dma_semaphore, #tpu.memory_space<semaphore_mem>>)
      %dma_wait3A = arith.constant 0 : i32
      %dma_wait3A_20 = tpu.memref_slice %arg13[%add3A_12, %dma_wait3A] : memref<10240x128xf32, #tpu.memory_space<vmem_shared>> -> memref<128x128xf32, #tpu.memory_space<vmem_shared>>
      tpu.wait_dma2 semaphore(%run_scoped3A : memref<!tpu.dma_semaphore, #tpu.memory_space<semaphore_mem>>) src(%arg5 : memref<128x128xf32, #tpu.memory_space<hbm>>) dst(%dma_wait3A_20 : memref<128x128xf32, #tpu.memory_space<vmem_shared>>)
      tpu.yield
    }) : () -> ()
    %barrier3A = arith.constant 0 : index
    tpu.barrier barrier_id(%barrier3A)
    %scan3A = arith.constant 0 : i32
    %scan3A_13 = arith.constant 0 : i32
    %scan3A_14 = arith.constant 5 : i32
    %scan3A_15 = arith.addi %scan3A_13, %scan3A_14 : i32
    %scan3A_16 = arith.constant 1 : i32
    scf.for %scan3A_19 = %scan3A_13 to %scan3A_15 step %scan3A_16  : i32 {
      %mul3A_20 = arith.constant 16 : i32
      %mul3A_21 = arith.muli %scan3A_19, %mul3A_20 : i32
      "tpu.region"() ({
        %run_scoped3A = tpu.sem_alloc : memref<!tpu.dma_semaphore, #tpu.memory_space<semaphore_mem>>
        %dma_start3A_36 = arith.constant 0 : i32
        %dma_start3A_37 = tpu.memref_slice %arg3[%add3A, %mul3A_21, %dma_start3A_36] : memref<32x80x128xi32, #tpu.memory_space<hbm>> -> memref<1x16x128xi32, #tpu.memory_space<hbm>>
        %dma_start3A_38 = tpu.memref_squeeze %dma_start3A_37 : memref<1x16x128xi32, #tpu.memory_space<hbm>> -> memref<16x128xi32, #tpu.memory_space<hbm>>
        %dma_start3A_39 = arith.constant 0 : i32
        %dma_start3A_40 = tpu.memref_slice %arg3[%add3A, %mul3A_21, %dma_start3A_39] : memref<32x80x128xi32, #tpu.memory_space<hbm>> -> memref<1x16x128xi32, #tpu.memory_space<hbm>>
        %dma_start3A_41 = tpu.memref_squeeze %dma_start3A_40 : memref<1x16x128xi32, #tpu.memory_space<hbm>> -> memref<16x128xi32, #tpu.memory_space<hbm>>
        tpu.enqueue_dma source(%dma_start3A_41 : memref<16x128xi32, #tpu.memory_space<hbm>>) target(%arg7 : memref<16x128xi32, #tpu.memory_space<vmem>>) target_semaphore(%run_scoped3A : memref<!tpu.dma_semaphore, #tpu.memory_space<semaphore_mem>>)
        %dma_wait3A = arith.constant 0 : i32
        %dma_wait3A_42 = tpu.memref_slice %arg3[%add3A, %mul3A_21, %dma_wait3A] : memref<32x80x128xi32, #tpu.memory_space<hbm>> -> memref<1x16x128xi32, #tpu.memory_space<hbm>>
        %dma_wait3A_43 = tpu.memref_squeeze %dma_wait3A_42 : memref<1x16x128xi32, #tpu.memory_space<hbm>> -> memref<16x128xi32, #tpu.memory_space<hbm>>
        %dma_wait3A_44 = arith.constant 0 : i32
        %dma_wait3A_45 = tpu.memref_slice %arg3[%add3A, %mul3A_21, %dma_wait3A_44] : memref<32x80x128xi32, #tpu.memory_space<hbm>> -> memref<1x16x128xi32, #tpu.memory_space<hbm>>
        %dma_wait3A_46 = tpu.memref_squeeze %dma_wait3A_45 : memref<1x16x128xi32, #tpu.memory_space<hbm>> -> memref<16x128xi32, #tpu.memory_space<hbm>>
        tpu.wait_dma2 semaphore(%run_scoped3A : memref<!tpu.dma_semaphore, #tpu.memory_space<semaphore_mem>>) src(%dma_wait3A_46 : memref<16x128xi32, #tpu.memory_space<hbm>>) dst(%arg7 : memref<16x128xi32, #tpu.memory_space<vmem>>)
        tpu.yield
      }) : () -> ()
      %mul3A_22 = arith.constant 16 : i32
      %mul3A_23 = arith.muli %scan3A_19, %mul3A_22 : i32
      "tpu.region"() ({
        %run_scoped3A = tpu.sem_alloc : memref<!tpu.dma_semaphore, #tpu.memory_space<semaphore_mem>>
        %dma_start3A_36 = arith.constant 0 : i32
        %dma_start3A_37 = tpu.memref_slice %arg4[%add3A, %mul3A_23, %dma_start3A_36] : memref<32x80x128xi32, #tpu.memory_space<hbm>> -> memref<1x16x128xi32, #tpu.memory_space<hbm>>
        %dma_start3A_38 = tpu.memref_squeeze %dma_start3A_37 : memref<1x16x128xi32, #tpu.memory_space<hbm>> -> memref<16x128xi32, #tpu.memory_space<hbm>>
        %dma_start3A_39 = arith.constant 0 : i32
        %dma_start3A_40 = tpu.memref_slice %arg4[%add3A, %mul3A_23, %dma_start3A_39] : memref<32x80x128xi32, #tpu.memory_space<hbm>> -> memref<1x16x128xi32, #tpu.memory_space<hbm>>
        %dma_start3A_41 = tpu.memref_squeeze %dma_start3A_40 : memref<1x16x128xi32, #tpu.memory_space<hbm>> -> memref<16x128xi32, #tpu.memory_space<hbm>>
        tpu.enqueue_dma source(%dma_start3A_41 : memref<16x128xi32, #tpu.memory_space<hbm>>) target(%arg8 : memref<16x128xi32, #tpu.memory_space<vmem>>) target_semaphore(%run_scoped3A : memref<!tpu.dma_semaphore, #tpu.memory_space<semaphore_mem>>)
        %dma_wait3A = arith.constant 0 : i32
        %dma_wait3A_42 = tpu.memref_slice %arg4[%add3A, %mul3A_23, %dma_wait3A] : memref<32x80x128xi32, #tpu.memory_space<hbm>> -> memref<1x16x128xi32, #tpu.memory_space<hbm>>
        %dma_wait3A_43 = tpu.memref_squeeze %dma_wait3A_42 : memref<1x16x128xi32, #tpu.memory_space<hbm>> -> memref<16x128xi32, #tpu.memory_space<hbm>>
        %dma_wait3A_44 = arith.constant 0 : i32
        %dma_wait3A_45 = tpu.memref_slice %arg4[%add3A, %mul3A_23, %dma_wait3A_44] : memref<32x80x128xi32, #tpu.memory_space<hbm>> -> memref<1x16x128xi32, #tpu.memory_space<hbm>>
        %dma_wait3A_46 = tpu.memref_squeeze %dma_wait3A_45 : memref<1x16x128xi32, #tpu.memory_space<hbm>> -> memref<16x128xi32, #tpu.memory_space<hbm>>
        tpu.wait_dma2 semaphore(%run_scoped3A : memref<!tpu.dma_semaphore, #tpu.memory_space<semaphore_mem>>) src(%dma_wait3A_46 : memref<16x128xi32, #tpu.memory_space<hbm>>) dst(%arg8 : memref<16x128xi32, #tpu.memory_space<vmem>>)
        tpu.yield
      }) : () -> ()
      %dma_start3A = arith.constant 0 : i32
      %dma_start3A_24 = arith.constant 0 : i32
      %dma_start3A_25 = tpu.memref_slice %arg7[%dma_start3A, %dma_start3A_24] : memref<16x128xi32, #tpu.memory_space<vmem>> -> memref<1x128xi32, #tpu.memory_space<vmem>>
      %dma_start3A_26 = tpu.memref_squeeze %dma_start3A_25 : memref<1x128xi32, #tpu.memory_space<vmem>> -> memref<128xi32, #tpu.memory_space<vmem>>
      %dma_start3A_27 = arith.constant 0 : i32
      %dma_start3A_28 = arith.constant 0 : i32
      %dma_start3A_29 = tpu.memref_slice %arg2[%dma_start3A_27, %dma_start3A_28] : memref<10240x128xf32, #tpu.memory_space<hbm>> -> memref<10240x128xf32, #tpu.memory_space<hbm>>
      tpu.enqueue_indirect_dma source(%dma_start3A_29 : memref<10240x128xf32, #tpu.memory_space<hbm>>) target(%arg9 : memref<128x128xf32, #tpu.memory_space<vmem>>) offsets(%dma_start3A_26 : memref<128xi32, #tpu.memory_space<vmem>>) semaphore(%arg11 : memref<!tpu.dma_semaphore, #tpu.memory_space<semaphore_mem>>)
      %scan3A_30 = arith.constant 0 : i32
      %scan3A_31 = arith.constant 0 : i32
      %scan3A_32 = arith.constant 8 : i32
      %scan3A_33 = arith.addi %scan3A_31, %scan3A_32 : i32
      %scan3A_34 = arith.constant 1 : i32
      scf.for %scan3A_36 = %scan3A_31 to %scan3A_33 step %scan3A_34  : i32 {
        %mul3A_37 = arith.constant 2 : i32
        %mul3A_38 = arith.muli %mul3A_37, %scan3A_36 : i32
        %add3A_39 = arith.constant 1 : i32
        %add3A_40 = arith.addi %mul3A_38, %add3A_39 : i32
        %dma_start3A_41 = arith.constant 0 : i32
        %dma_start3A_42 = tpu.memref_slice %arg7[%add3A_40, %dma_start3A_41] : memref<16x128xi32, #tpu.memory_space<vmem>> -> memref<1x128xi32, #tpu.memory_space<vmem>>
        %dma_start3A_43 = tpu.memref_squeeze %dma_start3A_42 : memref<1x128xi32, #tpu.memory_space<vmem>> -> memref<128xi32, #tpu.memory_space<vmem>>
        %dma_start3A_44 = arith.constant 0 : i32
        %dma_start3A_45 = arith.constant 0 : i32
        %dma_start3A_46 = tpu.memref_slice %arg2[%dma_start3A_44, %dma_start3A_45] : memref<10240x128xf32, #tpu.memory_space<hbm>> -> memref<10240x128xf32, #tpu.memory_space<hbm>>
        tpu.enqueue_indirect_dma source(%dma_start3A_46 : memref<10240x128xf32, #tpu.memory_space<hbm>>) target(%arg10 : memref<128x128xf32, #tpu.memory_space<vmem>>) offsets(%dma_start3A_43 : memref<128xi32, #tpu.memory_space<vmem>>) semaphore(%arg12 : memref<!tpu.dma_semaphore, #tpu.memory_space<semaphore_mem>>)
        %dma_wait3A = arith.constant 0 : i32
        %dma_wait3A_47 = tpu.memref_slice %arg7[%mul3A_38, %dma_wait3A] : memref<16x128xi32, #tpu.memory_space<vmem>> -> memref<1x128xi32, #tpu.memory_space<vmem>>
        %dma_wait3A_48 = tpu.memref_squeeze %dma_wait3A_47 : memref<1x128xi32, #tpu.memory_space<vmem>> -> memref<128xi32, #tpu.memory_space<vmem>>
        %dma_wait3A_49 = arith.constant 0 : i32
        %dma_wait3A_50 = arith.constant 0 : i32
        %dma_wait3A_51 = tpu.memref_slice %arg2[%dma_wait3A_49, %dma_wait3A_50] : memref<10240x128xf32, #tpu.memory_space<hbm>> -> memref<10240x128xf32, #tpu.memory_space<hbm>>
        tpu.wait_indirect_dma semaphore(%arg11 : memref<!tpu.dma_semaphore, #tpu.memory_space<semaphore_mem>>) src(%dma_wait3A_51 : memref<10240x128xf32, #tpu.memory_space<hbm>>) dst(%arg9 : memref<128x128xf32, #tpu.memory_space<vmem>>)
        "tpu.region"() ({
          %run_scoped3A = tpu.sem_alloc : memref<!tpu.dma_semaphore, #tpu.memory_space<semaphore_mem>>
          %dma_start3A_66 = arith.constant 0 : i32
          %dma_start3A_67 = tpu.memref_slice %arg8[%mul3A_38, %dma_start3A_66] : memref<16x128xi32, #tpu.memory_space<vmem>> -> memref<1x128xi32, #tpu.memory_space<vmem>>
          %dma_start3A_68 = tpu.memref_squeeze %dma_start3A_67 : memref<1x128xi32, #tpu.memory_space<vmem>> -> memref<128xi32, #tpu.memory_space<vmem>>
          %dma_start3A_69 = arith.constant 0 : i32
          %dma_start3A_70 = arith.constant 0 : i32
          %dma_start3A_71 = tpu.memref_slice %arg13[%dma_start3A_69, %dma_start3A_70] : memref<10240x128xf32, #tpu.memory_space<vmem_shared>> -> memref<10240x128xf32, #tpu.memory_space<vmem_shared>>
          tpu.enqueue_indirect_dma source(%arg9 : memref<128x128xf32, #tpu.memory_space<vmem>>) target(%dma_start3A_71 : memref<10240x128xf32, #tpu.memory_space<vmem_shared>>) offsets(%dma_start3A_68 : memref<128xi32, #tpu.memory_space<vmem>>) semaphore(%run_scoped3A : memref<!tpu.dma_semaphore, #tpu.memory_space<semaphore_mem>>) {add = true}
          %dma_wait3A_72 = arith.constant 0 : i32
          %dma_wait3A_73 = tpu.memref_slice %arg8[%mul3A_38, %dma_wait3A_72] : memref<16x128xi32, #tpu.memory_space<vmem>> -> memref<1x128xi32, #tpu.memory_space<vmem>>
          %dma_wait3A_74 = tpu.memref_squeeze %dma_wait3A_73 : memref<1x128xi32, #tpu.memory_space<vmem>> -> memref<128xi32, #tpu.memory_space<vmem>>
          %dma_wait3A_75 = arith.constant 0 : i32
          %dma_wait3A_76 = arith.constant 0 : i32
          %dma_wait3A_77 = tpu.memref_slice %arg13[%dma_wait3A_75, %dma_wait3A_76] : memref<10240x128xf32, #tpu.memory_space<vmem_shared>> -> memref<10240x128xf32, #tpu.memory_space<vmem_shared>>
          tpu.wait_indirect_dma semaphore(%run_scoped3A : memref<!tpu.dma_semaphore, #tpu.memory_space<semaphore_mem>>) src(%arg9 : memref<128x128xf32, #tpu.memory_space<vmem>>) dst(%dma_wait3A_77 : memref<10240x128xf32, #tpu.memory_space<vmem_shared>>)
          tpu.yield
        }) : () -> ()
        %add3A_52 = arith.constant 2 : i32
        %add3A_53 = arith.addi %mul3A_38, %add3A_52 : i32
        %lt3A = arith.constant 16 : i32
        %lt3A_54 = arith.cmpi slt, %add3A_53, %lt3A : i32
        %convert_element_type3A = arith.extui %lt3A_54 : i1 to i32
        %cond3A = arith.constant 0 : i32
        %cond3A_55 = arith.cmpi ne, %convert_element_type3A, %cond3A : i32
        scf.if %cond3A_55 {
          %add3A_66 = arith.constant 2 : i32
          %add3A_67 = arith.addi %mul3A_38, %add3A_66 : i32
          %dma_start3A_68 = arith.constant 0 : i32
          %dma_start3A_69 = tpu.memref_slice %arg7[%add3A_67, %dma_start3A_68] : memref<16x128xi32, #tpu.memory_space<vmem>> -> memref<1x128xi32, #tpu.memory_space<vmem>>
          %dma_start3A_70 = tpu.memref_squeeze %dma_start3A_69 : memref<1x128xi32, #tpu.memory_space<vmem>> -> memref<128xi32, #tpu.memory_space<vmem>>
          %dma_start3A_71 = arith.constant 0 : i32
          %dma_start3A_72 = arith.constant 0 : i32
          %dma_start3A_73 = tpu.memref_slice %arg2[%dma_start3A_71, %dma_start3A_72] : memref<10240x128xf32, #tpu.memory_space<hbm>> -> memref<10240x128xf32, #tpu.memory_space<hbm>>
          tpu.enqueue_indirect_dma source(%dma_start3A_73 : memref<10240x128xf32, #tpu.memory_space<hbm>>) target(%arg9 : memref<128x128xf32, #tpu.memory_space<vmem>>) offsets(%dma_start3A_70 : memref<128xi32, #tpu.memory_space<vmem>>) semaphore(%arg11 : memref<!tpu.dma_semaphore, #tpu.memory_space<semaphore_mem>>)
        } else {
        }
        %add3A_56 = arith.constant 1 : i32
        %add3A_57 = arith.addi %mul3A_38, %add3A_56 : i32
        %dma_wait3A_58 = arith.constant 0 : i32
        %dma_wait3A_59 = tpu.memref_slice %arg7[%add3A_57, %dma_wait3A_58] : memref<16x128xi32, #tpu.memory_space<vmem>> -> memref<1x128xi32, #tpu.memory_space<vmem>>
        %dma_wait3A_60 = tpu.memref_squeeze %dma_wait3A_59 : memref<1x128xi32, #tpu.memory_space<vmem>> -> memref<128xi32, #tpu.memory_space<vmem>>
        %dma_wait3A_61 = arith.constant 0 : i32
        %dma_wait3A_62 = arith.constant 0 : i32
        %dma_wait3A_63 = tpu.memref_slice %arg2[%dma_wait3A_61, %dma_wait3A_62] : memref<10240x128xf32, #tpu.memory_space<hbm>> -> memref<10240x128xf32, #tpu.memory_space<hbm>>
        tpu.wait_indirect_dma semaphore(%arg12 : memref<!tpu.dma_semaphore, #tpu.memory_space<semaphore_mem>>) src(%dma_wait3A_63 : memref<10240x128xf32, #tpu.memory_space<hbm>>) dst(%arg10 : memref<128x128xf32, #tpu.memory_space<vmem>>)
        %add3A_64 = arith.constant 1 : i32
        %add3A_65 = arith.addi %mul3A_38, %add3A_64 : i32
        "tpu.region"() ({
          %run_scoped3A = tpu.sem_alloc : memref<!tpu.dma_semaphore, #tpu.memory_space<semaphore_mem>>
          %dma_start3A_66 = arith.constant 0 : i32
          %dma_start3A_67 = tpu.memref_slice %arg8[%add3A_65, %dma_start3A_66] : memref<16x128xi32, #tpu.memory_space<vmem>> -> memref<1x128xi32, #tpu.memory_space<vmem>>
          %dma_start3A_68 = tpu.memref_squeeze %dma_start3A_67 : memref<1x128xi32, #tpu.memory_space<vmem>> -> memref<128xi32, #tpu.memory_space<vmem>>
          %dma_start3A_69 = arith.constant 0 : i32
          %dma_start3A_70 = arith.constant 0 : i32
          %dma_start3A_71 = tpu.memref_slice %arg13[%dma_start3A_69, %dma_start3A_70] : memref<10240x128xf32, #tpu.memory_space<vmem_shared>> -> memref<10240x128xf32, #tpu.memory_space<vmem_shared>>
          tpu.enqueue_indirect_dma source(%arg10 : memref<128x128xf32, #tpu.memory_space<vmem>>) target(%dma_start3A_71 : memref<10240x128xf32, #tpu.memory_space<vmem_shared>>) offsets(%dma_start3A_68 : memref<128xi32, #tpu.memory_space<vmem>>) semaphore(%run_scoped3A : memref<!tpu.dma_semaphore, #tpu.memory_space<semaphore_mem>>) {add = true}
          %dma_wait3A_72 = arith.constant 0 : i32
          %dma_wait3A_73 = tpu.memref_slice %arg8[%add3A_65, %dma_wait3A_72] : memref<16x128xi32, #tpu.memory_space<vmem>> -> memref<1x128xi32, #tpu.memory_space<vmem>>
          %dma_wait3A_74 = tpu.memref_squeeze %dma_wait3A_73 : memref<1x128xi32, #tpu.memory_space<vmem>> -> memref<128xi32, #tpu.memory_space<vmem>>
          %dma_wait3A_75 = arith.constant 0 : i32
          %dma_wait3A_76 = arith.constant 0 : i32
          %dma_wait3A_77 = tpu.memref_slice %arg13[%dma_wait3A_75, %dma_wait3A_76] : memref<10240x128xf32, #tpu.memory_space<vmem_shared>> -> memref<10240x128xf32, #tpu.memory_space<vmem_shared>>
          tpu.wait_indirect_dma semaphore(%run_scoped3A : memref<!tpu.dma_semaphore, #tpu.memory_space<semaphore_mem>>) src(%arg10 : memref<128x128xf32, #tpu.memory_space<vmem>>) dst(%dma_wait3A_77 : memref<10240x128xf32, #tpu.memory_space<vmem_shared>>)
          tpu.yield
        }) : () -> ()
      }
      %scan3A_35 = arith.constant 8 : i32
    }
    %scan3A_17 = arith.constant 5 : i32
    %barrier3A_18 = arith.constant 0 : index
    tpu.barrier barrier_id(%barrier3A_18)
    "tpu.region"() ({
      %run_scoped3A = tpu.sem_alloc : memref<!tpu.dma_semaphore, #tpu.memory_space<semaphore_mem>>
      %dma_start3A = arith.constant 0 : i32
      %dma_start3A_19 = tpu.memref_slice %arg6[%arg0, %mul3A_2, %dma_start3A] : memref<2x10240x128xf32, #tpu.memory_space<hbm>> -> memref<1x640x128xf32, #tpu.memory_space<hbm>>
      %dma_start3A_20 = tpu.memref_squeeze %dma_start3A_19 : memref<1x640x128xf32, #tpu.memory_space<hbm>> -> memref<640x128xf32, #tpu.memory_space<hbm>>
      %dma_start3A_21 = arith.constant 0 : i32
      %dma_start3A_22 = tpu.memref_slice %arg13[%mul3A_2, %dma_start3A_21] : memref<10240x128xf32, #tpu.memory_space<vmem_shared>> -> memref<640x128xf32, #tpu.memory_space<vmem_shared>>
      tpu.enqueue_dma source(%dma_start3A_22 : memref<640x128xf32, #tpu.memory_space<vmem_shared>>) target(%dma_start3A_20 : memref<640x128xf32, #tpu.memory_space<hbm>>) target_semaphore(%run_scoped3A : memref<!tpu.dma_semaphore, #tpu.memory_space<semaphore_mem>>)
      %dma_wait3A = arith.constant 0 : i32
      %dma_wait3A_23 = tpu.memref_slice %arg6[%arg0, %mul3A_2, %dma_wait3A] : memref<2x10240x128xf32, #tpu.memory_space<hbm>> -> memref<1x640x128xf32, #tpu.memory_space<hbm>>
      %dma_wait3A_24 = tpu.memref_squeeze %dma_wait3A_23 : memref<1x640x128xf32, #tpu.memory_space<hbm>> -> memref<640x128xf32, #tpu.memory_space<hbm>>
      %dma_wait3A_25 = arith.constant 0 : i32
      %dma_wait3A_26 = tpu.memref_slice %arg13[%mul3A_2, %dma_wait3A_25] : memref<10240x128xf32, #tpu.memory_space<vmem_shared>> -> memref<640x128xf32, #tpu.memory_space<vmem_shared>>
      tpu.wait_dma2 semaphore(%run_scoped3A : memref<!tpu.dma_semaphore, #tpu.memory_space<semaphore_mem>>) src(%dma_wait3A_26 : memref<640x128xf32, #tpu.memory_space<vmem_shared>>) dst(%dma_wait3A_24 : memref<640x128xf32, #tpu.memory_space<hbm>>)
      tpu.yield
    }) : () -> ()
    return
  }
}

#map = affine_map<(d0, d1) -> (0, 0, 0)>
#map1 = affine_map<(d0, d1) -> (0, 0)>
module attributes {stable_mosaic.version = 14 : i64} {
  func.func @k(%arg0: i32, %arg1: i32, %arg2: memref<32x80x128xi32, #tpu.memory_space<hbm>>, %arg3: memref<128x128xf32, #tpu.memory_space<hbm>>, %arg4: memref<128x128xf32, #tpu.memory_space<hbm>>, %arg5: memref<2x10240x128xf32, #tpu.memory_space<hbm>>, %arg6: memref<80x128xi32, #tpu.memory_space<vmem>>, %arg7: memref<128x128xf32, #tpu.memory_space<vmem>>, %arg8: memref<10240x128xf32, #tpu.memory_space<vmem_shared>>) attributes {dimension_semantics = [#tpu.dimension_semantics<core_parallel>, #tpu.dimension_semantics<subcore_parallel>], iteration_bounds = array<i64: 2, 16>, scalar_prefetch = 0 : i64, scratch_operands = 3 : i64, tpu.core_type = #tpu.core_type<sc_vector_subcore>, window_params = [{transform_indices = #map}, {transform_indices = #map1}, {transform_indices = #map1}, {transform_indices = #map}]} {
    %mul3A = arith.constant 2 : i32
    %mul3A_0 = arith.muli %arg1, %mul3A : i32
    %add3A = arith.addi %mul3A_0, %arg0 : i32
    %mul3A_1 = arith.constant 640 : i32
    %mul3A_2 = arith.muli %arg1, %mul3A_1 : i32
    "tpu.region"() ({
      %run_scoped3A = tpu.sem_alloc : memref<!tpu.dma_semaphore, #tpu.memory_space<semaphore_mem>>
      %dma_start3A = arith.constant 0 : i32
      %dma_start3A_19 = arith.constant 0 : i32
      %dma_start3A_20 = tpu.memref_slice %arg2[%add3A, %dma_start3A, %dma_start3A_19] : memref<32x80x128xi32, #tpu.memory_space<hbm>> -> memref<1x80x128xi32, #tpu.memory_space<hbm>>
      %dma_start3A_21 = tpu.memref_squeeze %dma_start3A_20 : memref<1x80x128xi32, #tpu.memory_space<hbm>> -> memref<80x128xi32, #tpu.memory_space<hbm>>
      %dma_start3A_22 = arith.constant 0 : i32
      %dma_start3A_23 = arith.constant 0 : i32
      %dma_start3A_24 = tpu.memref_slice %arg2[%add3A, %dma_start3A_22, %dma_start3A_23] : memref<32x80x128xi32, #tpu.memory_space<hbm>> -> memref<1x80x128xi32, #tpu.memory_space<hbm>>
      %dma_start3A_25 = tpu.memref_squeeze %dma_start3A_24 : memref<1x80x128xi32, #tpu.memory_space<hbm>> -> memref<80x128xi32, #tpu.memory_space<hbm>>
      tpu.enqueue_dma source(%dma_start3A_25 : memref<80x128xi32, #tpu.memory_space<hbm>>) target(%arg6 : memref<80x128xi32, #tpu.memory_space<vmem>>) target_semaphore(%run_scoped3A : memref<!tpu.dma_semaphore, #tpu.memory_space<semaphore_mem>>)
      %dma_wait3A = arith.constant 0 : i32
      %dma_wait3A_26 = arith.constant 0 : i32
      %dma_wait3A_27 = tpu.memref_slice %arg2[%add3A, %dma_wait3A, %dma_wait3A_26] : memref<32x80x128xi32, #tpu.memory_space<hbm>> -> memref<1x80x128xi32, #tpu.memory_space<hbm>>
      %dma_wait3A_28 = tpu.memref_squeeze %dma_wait3A_27 : memref<1x80x128xi32, #tpu.memory_space<hbm>> -> memref<80x128xi32, #tpu.memory_space<hbm>>
      %dma_wait3A_29 = arith.constant 0 : i32
      %dma_wait3A_30 = arith.constant 0 : i32
      %dma_wait3A_31 = tpu.memref_slice %arg2[%add3A, %dma_wait3A_29, %dma_wait3A_30] : memref<32x80x128xi32, #tpu.memory_space<hbm>> -> memref<1x80x128xi32, #tpu.memory_space<hbm>>
      %dma_wait3A_32 = tpu.memref_squeeze %dma_wait3A_31 : memref<1x80x128xi32, #tpu.memory_space<hbm>> -> memref<80x128xi32, #tpu.memory_space<hbm>>
      tpu.wait_dma2 semaphore(%run_scoped3A : memref<!tpu.dma_semaphore, #tpu.memory_space<semaphore_mem>>) src(%dma_wait3A_32 : memref<80x128xi32, #tpu.memory_space<hbm>>) dst(%arg6 : memref<80x128xi32, #tpu.memory_space<vmem>>)
      tpu.yield
    }) : () -> ()
    "tpu.region"() ({
      %run_scoped3A = tpu.sem_alloc : memref<!tpu.dma_semaphore, #tpu.memory_space<semaphore_mem>>
      tpu.enqueue_dma source(%arg3 : memref<128x128xf32, #tpu.memory_space<hbm>>) target(%arg7 : memref<128x128xf32, #tpu.memory_space<vmem>>) target_semaphore(%run_scoped3A : memref<!tpu.dma_semaphore, #tpu.memory_space<semaphore_mem>>)
      tpu.wait_dma2 semaphore(%run_scoped3A : memref<!tpu.dma_semaphore, #tpu.memory_space<semaphore_mem>>) src(%arg3 : memref<128x128xf32, #tpu.memory_space<hbm>>) dst(%arg7 : memref<128x128xf32, #tpu.memory_space<vmem>>)
      tpu.yield
    }) : () -> ()
    %add3A_3 = arith.constant 0 : i32
    %add3A_4 = arith.addi %mul3A_2, %add3A_3 : i32
    "tpu.region"() ({
      %run_scoped3A = tpu.sem_alloc : memref<!tpu.dma_semaphore, #tpu.memory_space<semaphore_mem>>
      %dma_start3A = arith.constant 0 : i32
      %dma_start3A_19 = tpu.memref_slice %arg8[%add3A_4, %dma_start3A] : memref<10240x128xf32, #tpu.memory_space<vmem_shared>> -> memref<128x128xf32, #tpu.memory_space<vmem_shared>>
      tpu.enqueue_dma source(%arg4 : memref<128x128xf32, #tpu.memory_space<hbm>>) target(%dma_start3A_19 : memref<128x128xf32, #tpu.memory_space<vmem_shared>>) target_semaphore(%run_scoped3A : memref<!tpu.dma_semaphore, #tpu.memory_space<semaphore_mem>>)
      %dma_wait3A = arith.constant 0 : i32
      %dma_wait3A_20 = tpu.memref_slice %arg8[%add3A_4, %dma_wait3A] : memref<10240x128xf32, #tpu.memory_space<vmem_shared>> -> memref<128x128xf32, #tpu.memory_space<vmem_shared>>
      tpu.wait_dma2 semaphore(%run_scoped3A : memref<!tpu.dma_semaphore, #tpu.memory_space<semaphore_mem>>) src(%arg4 : memref<128x128xf32, #tpu.memory_space<hbm>>) dst(%dma_wait3A_20 : memref<128x128xf32, #tpu.memory_space<vmem_shared>>)
      tpu.yield
    }) : () -> ()
    %add3A_5 = arith.constant 128 : i32
    %add3A_6 = arith.addi %mul3A_2, %add3A_5 : i32
    "tpu.region"() ({
      %run_scoped3A = tpu.sem_alloc : memref<!tpu.dma_semaphore, #tpu.memory_space<semaphore_mem>>
      %dma_start3A = arith.constant 0 : i32
      %dma_start3A_19 = tpu.memref_slice %arg8[%add3A_6, %dma_start3A] : memref<10240x128xf32, #tpu.memory_space<vmem_shared>> -> memref<128x128xf32, #tpu.memory_space<vmem_shared>>
      tpu.enqueue_dma source(%arg4 : memref<128x128xf32, #tpu.memory_space<hbm>>) target(%dma_start3A_19 : memref<128x128xf32, #tpu.memory_space<vmem_shared>>) target_semaphore(%run_scoped3A : memref<!tpu.dma_semaphore, #tpu.memory_space<semaphore_mem>>)
      %dma_wait3A = arith.constant 0 : i32
      %dma_wait3A_20 = tpu.memref_slice %arg8[%add3A_6, %dma_wait3A] : memref<10240x128xf32, #tpu.memory_space<vmem_shared>> -> memref<128x128xf32, #tpu.memory_space<vmem_shared>>
      tpu.wait_dma2 semaphore(%run_scoped3A : memref<!tpu.dma_semaphore, #tpu.memory_space<semaphore_mem>>) src(%arg4 : memref<128x128xf32, #tpu.memory_space<hbm>>) dst(%dma_wait3A_20 : memref<128x128xf32, #tpu.memory_space<vmem_shared>>)
      tpu.yield
    }) : () -> ()
    %add3A_7 = arith.constant 256 : i32
    %add3A_8 = arith.addi %mul3A_2, %add3A_7 : i32
    "tpu.region"() ({
      %run_scoped3A = tpu.sem_alloc : memref<!tpu.dma_semaphore, #tpu.memory_space<semaphore_mem>>
      %dma_start3A = arith.constant 0 : i32
      %dma_start3A_19 = tpu.memref_slice %arg8[%add3A_8, %dma_start3A] : memref<10240x128xf32, #tpu.memory_space<vmem_shared>> -> memref<128x128xf32, #tpu.memory_space<vmem_shared>>
      tpu.enqueue_dma source(%arg4 : memref<128x128xf32, #tpu.memory_space<hbm>>) target(%dma_start3A_19 : memref<128x128xf32, #tpu.memory_space<vmem_shared>>) target_semaphore(%run_scoped3A : memref<!tpu.dma_semaphore, #tpu.memory_space<semaphore_mem>>)
      %dma_wait3A = arith.constant 0 : i32
      %dma_wait3A_20 = tpu.memref_slice %arg8[%add3A_8, %dma_wait3A] : memref<10240x128xf32, #tpu.memory_space<vmem_shared>> -> memref<128x128xf32, #tpu.memory_space<vmem_shared>>
      tpu.wait_dma2 semaphore(%run_scoped3A : memref<!tpu.dma_semaphore, #tpu.memory_space<semaphore_mem>>) src(%arg4 : memref<128x128xf32, #tpu.memory_space<hbm>>) dst(%dma_wait3A_20 : memref<128x128xf32, #tpu.memory_space<vmem_shared>>)
      tpu.yield
    }) : () -> ()
    %add3A_9 = arith.constant 384 : i32
    %add3A_10 = arith.addi %mul3A_2, %add3A_9 : i32
    "tpu.region"() ({
      %run_scoped3A = tpu.sem_alloc : memref<!tpu.dma_semaphore, #tpu.memory_space<semaphore_mem>>
      %dma_start3A = arith.constant 0 : i32
      %dma_start3A_19 = tpu.memref_slice %arg8[%add3A_10, %dma_start3A] : memref<10240x128xf32, #tpu.memory_space<vmem_shared>> -> memref<128x128xf32, #tpu.memory_space<vmem_shared>>
      tpu.enqueue_dma source(%arg4 : memref<128x128xf32, #tpu.memory_space<hbm>>) target(%dma_start3A_19 : memref<128x128xf32, #tpu.memory_space<vmem_shared>>) target_semaphore(%run_scoped3A : memref<!tpu.dma_semaphore, #tpu.memory_space<semaphore_mem>>)
      %dma_wait3A = arith.constant 0 : i32
      %dma_wait3A_20 = tpu.memref_slice %arg8[%add3A_10, %dma_wait3A] : memref<10240x128xf32, #tpu.memory_space<vmem_shared>> -> memref<128x128xf32, #tpu.memory_space<vmem_shared>>
      tpu.wait_dma2 semaphore(%run_scoped3A : memref<!tpu.dma_semaphore, #tpu.memory_space<semaphore_mem>>) src(%arg4 : memref<128x128xf32, #tpu.memory_space<hbm>>) dst(%dma_wait3A_20 : memref<128x128xf32, #tpu.memory_space<vmem_shared>>)
      tpu.yield
    }) : () -> ()
    %add3A_11 = arith.constant 512 : i32
    %add3A_12 = arith.addi %mul3A_2, %add3A_11 : i32
    "tpu.region"() ({
      %run_scoped3A = tpu.sem_alloc : memref<!tpu.dma_semaphore, #tpu.memory_space<semaphore_mem>>
      %dma_start3A = arith.constant 0 : i32
      %dma_start3A_19 = tpu.memref_slice %arg8[%add3A_12, %dma_start3A] : memref<10240x128xf32, #tpu.memory_space<vmem_shared>> -> memref<128x128xf32, #tpu.memory_space<vmem_shared>>
      tpu.enqueue_dma source(%arg4 : memref<128x128xf32, #tpu.memory_space<hbm>>) target(%dma_start3A_19 : memref<128x128xf32, #tpu.memory_space<vmem_shared>>) target_semaphore(%run_scoped3A : memref<!tpu.dma_semaphore, #tpu.memory_space<semaphore_mem>>)
      %dma_wait3A = arith.constant 0 : i32
      %dma_wait3A_20 = tpu.memref_slice %arg8[%add3A_12, %dma_wait3A] : memref<10240x128xf32, #tpu.memory_space<vmem_shared>> -> memref<128x128xf32, #tpu.memory_space<vmem_shared>>
      tpu.wait_dma2 semaphore(%run_scoped3A : memref<!tpu.dma_semaphore, #tpu.memory_space<semaphore_mem>>) src(%arg4 : memref<128x128xf32, #tpu.memory_space<hbm>>) dst(%dma_wait3A_20 : memref<128x128xf32, #tpu.memory_space<vmem_shared>>)
      tpu.yield
    }) : () -> ()
    %barrier3A = arith.constant 0 : index
    tpu.barrier barrier_id(%barrier3A)
    %scan3A = arith.constant 0 : i32
    %scan3A_13 = arith.constant 0 : i32
    %scan3A_14 = arith.constant 80 : i32
    %scan3A_15 = arith.addi %scan3A_13, %scan3A_14 : i32
    %scan3A_16 = arith.constant 1 : i32
    scf.for %scan3A_19 = %scan3A_13 to %scan3A_15 step %scan3A_16  : i32 {
      "tpu.region"() ({
        %run_scoped3A = tpu.sem_alloc : memref<!tpu.dma_semaphore, #tpu.memory_space<semaphore_mem>>
        %dma_start3A = arith.constant 0 : i32
        %dma_start3A_20 = tpu.memref_slice %arg6[%scan3A_19, %dma_start3A] : memref<80x128xi32, #tpu.memory_space<vmem>> -> memref<1x128xi32, #tpu.memory_space<vmem>>
        %dma_start3A_21 = tpu.memref_squeeze %dma_start3A_20 : memref<1x128xi32, #tpu.memory_space<vmem>> -> memref<128xi32, #tpu.memory_space<vmem>>
        %dma_start3A_22 = arith.constant 0 : i32
        %dma_start3A_23 = arith.constant 0 : i32
        %dma_start3A_24 = tpu.memref_slice %arg8[%dma_start3A_22, %dma_start3A_23] : memref<10240x128xf32, #tpu.memory_space<vmem_shared>> -> memref<10240x128xf32, #tpu.memory_space<vmem_shared>>
        tpu.enqueue_indirect_dma source(%arg7 : memref<128x128xf32, #tpu.memory_space<vmem>>) target(%dma_start3A_24 : memref<10240x128xf32, #tpu.memory_space<vmem_shared>>) offsets(%dma_start3A_21 : memref<128xi32, #tpu.memory_space<vmem>>) semaphore(%run_scoped3A : memref<!tpu.dma_semaphore, #tpu.memory_space<semaphore_mem>>) {add = true}
        %dma_wait3A = arith.constant 0 : i32
        %dma_wait3A_25 = tpu.memref_slice %arg6[%scan3A_19, %dma_wait3A] : memref<80x128xi32, #tpu.memory_space<vmem>> -> memref<1x128xi32, #tpu.memory_space<vmem>>
        %dma_wait3A_26 = tpu.memref_squeeze %dma_wait3A_25 : memref<1x128xi32, #tpu.memory_space<vmem>> -> memref<128xi32, #tpu.memory_space<vmem>>
        %dma_wait3A_27 = arith.constant 0 : i32
        %dma_wait3A_28 = arith.constant 0 : i32
        %dma_wait3A_29 = tpu.memref_slice %arg8[%dma_wait3A_27, %dma_wait3A_28] : memref<10240x128xf32, #tpu.memory_space<vmem_shared>> -> memref<10240x128xf32, #tpu.memory_space<vmem_shared>>
        tpu.wait_indirect_dma semaphore(%run_scoped3A : memref<!tpu.dma_semaphore, #tpu.memory_space<semaphore_mem>>) src(%arg7 : memref<128x128xf32, #tpu.memory_space<vmem>>) dst(%dma_wait3A_29 : memref<10240x128xf32, #tpu.memory_space<vmem_shared>>)
        tpu.yield
      }) : () -> ()
    }
    %scan3A_17 = arith.constant 80 : i32
    %barrier3A_18 = arith.constant 0 : index
    tpu.barrier barrier_id(%barrier3A_18)
    "tpu.region"() ({
      %run_scoped3A = tpu.sem_alloc : memref<!tpu.dma_semaphore, #tpu.memory_space<semaphore_mem>>
      %dma_start3A = arith.constant 0 : i32
      %dma_start3A_19 = tpu.memref_slice %arg5[%arg0, %mul3A_2, %dma_start3A] : memref<2x10240x128xf32, #tpu.memory_space<hbm>> -> memref<1x640x128xf32, #tpu.memory_space<hbm>>
      %dma_start3A_20 = tpu.memref_squeeze %dma_start3A_19 : memref<1x640x128xf32, #tpu.memory_space<hbm>> -> memref<640x128xf32, #tpu.memory_space<hbm>>
      %dma_start3A_21 = arith.constant 0 : i32
      %dma_start3A_22 = tpu.memref_slice %arg8[%mul3A_2, %dma_start3A_21] : memref<10240x128xf32, #tpu.memory_space<vmem_shared>> -> memref<640x128xf32, #tpu.memory_space<vmem_shared>>
      tpu.enqueue_dma source(%dma_start3A_22 : memref<640x128xf32, #tpu.memory_space<vmem_shared>>) target(%dma_start3A_20 : memref<640x128xf32, #tpu.memory_space<hbm>>) target_semaphore(%run_scoped3A : memref<!tpu.dma_semaphore, #tpu.memory_space<semaphore_mem>>)
      %dma_wait3A = arith.constant 0 : i32
      %dma_wait3A_23 = tpu.memref_slice %arg5[%arg0, %mul3A_2, %dma_wait3A] : memref<2x10240x128xf32, #tpu.memory_space<hbm>> -> memref<1x640x128xf32, #tpu.memory_space<hbm>>
      %dma_wait3A_24 = tpu.memref_squeeze %dma_wait3A_23 : memref<1x640x128xf32, #tpu.memory_space<hbm>> -> memref<640x128xf32, #tpu.memory_space<hbm>>
      %dma_wait3A_25 = arith.constant 0 : i32
      %dma_wait3A_26 = tpu.memref_slice %arg8[%mul3A_2, %dma_wait3A_25] : memref<10240x128xf32, #tpu.memory_space<vmem_shared>> -> memref<640x128xf32, #tpu.memory_space<vmem_shared>>
      tpu.wait_dma2 semaphore(%run_scoped3A : memref<!tpu.dma_semaphore, #tpu.memory_space<semaphore_mem>>) src(%dma_wait3A_26 : memref<640x128xf32, #tpu.memory_space<vmem_shared>>) dst(%dma_wait3A_24 : memref<640x128xf32, #tpu.memory_space<hbm>>)
      tpu.yield
    }) : () -> ()
    return
  }
}

#map = affine_map<(d0, d1) -> (0, 0)>
#map1 = affine_map<(d0, d1) -> (0, 0, 0)>
module attributes {stable_mosaic.version = 14 : i64} {
  func.func @k(%arg0: i32, %arg1: i32, %arg2: memref<10240x128xf32, #tpu.memory_space<hbm>>, %arg3: memref<32x80x128xi32, #tpu.memory_space<hbm>>, %arg4: memref<32x80x128xi32, #tpu.memory_space<hbm>>, %arg5: memref<128x128xf32, #tpu.memory_space<hbm>>, %arg6: memref<2x10240x128xf32, #tpu.memory_space<hbm>>, %arg7: memref<16x128xi32, #tpu.memory_space<vmem>>, %arg8: memref<16x128xi32, #tpu.memory_space<vmem>>, %arg9: memref<128x128xf32, #tpu.memory_space<vmem>>, %arg10: memref<128x128xf32, #tpu.memory_space<vmem>>, %arg11: memref<!tpu.dma_semaphore, #tpu.memory_space<semaphore_mem>>, %arg12: memref<!tpu.dma_semaphore, #tpu.memory_space<semaphore_mem>>, %arg13: memref<10240x128xf32, #tpu.memory_space<vmem_shared>>) attributes {dimension_semantics = [#tpu.dimension_semantics<core_parallel>, #tpu.dimension_semantics<subcore_parallel>], iteration_bounds = array<i64: 2, 16>, scalar_prefetch = 0 : i64, scratch_operands = 7 : i64, tpu.core_type = #tpu.core_type<sc_vector_subcore>, window_params = [{transform_indices = #map}, {transform_indices = #map1}, {transform_indices = #map1}, {transform_indices = #map}, {transform_indices = #map1}]} {
    %mul3A = arith.constant 2 : i32
    %mul3A_0 = arith.muli %arg1, %mul3A : i32
    %add3A = arith.addi %mul3A_0, %arg0 : i32
    %mul3A_1 = arith.constant 640 : i32
    %mul3A_2 = arith.muli %arg1, %mul3A_1 : i32
    %add3A_3 = arith.constant 0 : i32
    %add3A_4 = arith.addi %mul3A_2, %add3A_3 : i32
    "tpu.region"() ({
      %run_scoped3A = tpu.sem_alloc : memref<!tpu.dma_semaphore, #tpu.memory_space<semaphore_mem>>
      %dma_start3A = arith.constant 0 : i32
      %dma_start3A_19 = tpu.memref_slice %arg13[%add3A_4, %dma_start3A] : memref<10240x128xf32, #tpu.memory_space<vmem_shared>> -> memref<128x128xf32, #tpu.memory_space<vmem_shared>>
      tpu.enqueue_dma source(%arg5 : memref<128x128xf32, #tpu.memory_space<hbm>>) target(%dma_start3A_19 : memref<128x128xf32, #tpu.memory_space<vmem_shared>>) target_semaphore(%run_scoped3A : memref<!tpu.dma_semaphore, #tpu.memory_space<semaphore_mem>>)
      %dma_wait3A = arith.constant 0 : i32
      %dma_wait3A_20 = tpu.memref_slice %arg13[%add3A_4, %dma_wait3A] : memref<10240x128xf32, #tpu.memory_space<vmem_shared>> -> memref<128x128xf32, #tpu.memory_space<vmem_shared>>
      tpu.wait_dma2 semaphore(%run_scoped3A : memref<!tpu.dma_semaphore, #tpu.memory_space<semaphore_mem>>) src(%arg5 : memref<128x128xf32, #tpu.memory_space<hbm>>) dst(%dma_wait3A_20 : memref<128x128xf32, #tpu.memory_space<vmem_shared>>)
      tpu.yield
    }) : () -> ()
    %add3A_5 = arith.constant 128 : i32
    %add3A_6 = arith.addi %mul3A_2, %add3A_5 : i32
    "tpu.region"() ({
      %run_scoped3A = tpu.sem_alloc : memref<!tpu.dma_semaphore, #tpu.memory_space<semaphore_mem>>
      %dma_start3A = arith.constant 0 : i32
      %dma_start3A_19 = tpu.memref_slice %arg13[%add3A_6, %dma_start3A] : memref<10240x128xf32, #tpu.memory_space<vmem_shared>> -> memref<128x128xf32, #tpu.memory_space<vmem_shared>>
      tpu.enqueue_dma source(%arg5 : memref<128x128xf32, #tpu.memory_space<hbm>>) target(%dma_start3A_19 : memref<128x128xf32, #tpu.memory_space<vmem_shared>>) target_semaphore(%run_scoped3A : memref<!tpu.dma_semaphore, #tpu.memory_space<semaphore_mem>>)
      %dma_wait3A = arith.constant 0 : i32
      %dma_wait3A_20 = tpu.memref_slice %arg13[%add3A_6, %dma_wait3A] : memref<10240x128xf32, #tpu.memory_space<vmem_shared>> -> memref<128x128xf32, #tpu.memory_space<vmem_shared>>
      tpu.wait_dma2 semaphore(%run_scoped3A : memref<!tpu.dma_semaphore, #tpu.memory_space<semaphore_mem>>) src(%arg5 : memref<128x128xf32, #tpu.memory_space<hbm>>) dst(%dma_wait3A_20 : memref<128x128xf32, #tpu.memory_space<vmem_shared>>)
      tpu.yield
    }) : () -> ()
    %add3A_7 = arith.constant 256 : i32
    %add3A_8 = arith.addi %mul3A_2, %add3A_7 : i32
    "tpu.region"() ({
      %run_scoped3A = tpu.sem_alloc : memref<!tpu.dma_semaphore, #tpu.memory_space<semaphore_mem>>
      %dma_start3A = arith.constant 0 : i32
      %dma_start3A_19 = tpu.memref_slice %arg13[%add3A_8, %dma_start3A] : memref<10240x128xf32, #tpu.memory_space<vmem_shared>> -> memref<128x128xf32, #tpu.memory_space<vmem_shared>>
      tpu.enqueue_dma source(%arg5 : memref<128x128xf32, #tpu.memory_space<hbm>>) target(%dma_start3A_19 : memref<128x128xf32, #tpu.memory_space<vmem_shared>>) target_semaphore(%run_scoped3A : memref<!tpu.dma_semaphore, #tpu.memory_space<semaphore_mem>>)
      %dma_wait3A = arith.constant 0 : i32
      %dma_wait3A_20 = tpu.memref_slice %arg13[%add3A_8, %dma_wait3A] : memref<10240x128xf32, #tpu.memory_space<vmem_shared>> -> memref<128x128xf32, #tpu.memory_space<vmem_shared>>
      tpu.wait_dma2 semaphore(%run_scoped3A : memref<!tpu.dma_semaphore, #tpu.memory_space<semaphore_mem>>) src(%arg5 : memref<128x128xf32, #tpu.memory_space<hbm>>) dst(%dma_wait3A_20 : memref<128x128xf32, #tpu.memory_space<vmem_shared>>)
      tpu.yield
    }) : () -> ()
    %add3A_9 = arith.constant 384 : i32
    %add3A_10 = arith.addi %mul3A_2, %add3A_9 : i32
    "tpu.region"() ({
      %run_scoped3A = tpu.sem_alloc : memref<!tpu.dma_semaphore, #tpu.memory_space<semaphore_mem>>
      %dma_start3A = arith.constant 0 : i32
      %dma_start3A_19 = tpu.memref_slice %arg13[%add3A_10, %dma_start3A] : memref<10240x128xf32, #tpu.memory_space<vmem_shared>> -> memref<128x128xf32, #tpu.memory_space<vmem_shared>>
      tpu.enqueue_dma source(%arg5 : memref<128x128xf32, #tpu.memory_space<hbm>>) target(%dma_start3A_19 : memref<128x128xf32, #tpu.memory_space<vmem_shared>>) target_semaphore(%run_scoped3A : memref<!tpu.dma_semaphore, #tpu.memory_space<semaphore_mem>>)
      %dma_wait3A = arith.constant 0 : i32
      %dma_wait3A_20 = tpu.memref_slice %arg13[%add3A_10, %dma_wait3A] : memref<10240x128xf32, #tpu.memory_space<vmem_shared>> -> memref<128x128xf32, #tpu.memory_space<vmem_shared>>
      tpu.wait_dma2 semaphore(%run_scoped3A : memref<!tpu.dma_semaphore, #tpu.memory_space<semaphore_mem>>) src(%arg5 : memref<128x128xf32, #tpu.memory_space<hbm>>) dst(%dma_wait3A_20 : memref<128x128xf32, #tpu.memory_space<vmem_shared>>)
      tpu.yield
    }) : () -> ()
    %add3A_11 = arith.constant 512 : i32
    %add3A_12 = arith.addi %mul3A_2, %add3A_11 : i32
    "tpu.region"() ({
      %run_scoped3A = tpu.sem_alloc : memref<!tpu.dma_semaphore, #tpu.memory_space<semaphore_mem>>
      %dma_start3A = arith.constant 0 : i32
      %dma_start3A_19 = tpu.memref_slice %arg13[%add3A_12, %dma_start3A] : memref<10240x128xf32, #tpu.memory_space<vmem_shared>> -> memref<128x128xf32, #tpu.memory_space<vmem_shared>>
      tpu.enqueue_dma source(%arg5 : memref<128x128xf32, #tpu.memory_space<hbm>>) target(%dma_start3A_19 : memref<128x128xf32, #tpu.memory_space<vmem_shared>>) target_semaphore(%run_scoped3A : memref<!tpu.dma_semaphore, #tpu.memory_space<semaphore_mem>>)
      %dma_wait3A = arith.constant 0 : i32
      %dma_wait3A_20 = tpu.memref_slice %arg13[%add3A_12, %dma_wait3A] : memref<10240x128xf32, #tpu.memory_space<vmem_shared>> -> memref<128x128xf32, #tpu.memory_space<vmem_shared>>
      tpu.wait_dma2 semaphore(%run_scoped3A : memref<!tpu.dma_semaphore, #tpu.memory_space<semaphore_mem>>) src(%arg5 : memref<128x128xf32, #tpu.memory_space<hbm>>) dst(%dma_wait3A_20 : memref<128x128xf32, #tpu.memory_space<vmem_shared>>)
      tpu.yield
    }) : () -> ()
    %barrier3A = arith.constant 0 : index
    tpu.barrier barrier_id(%barrier3A)
    %scan3A = arith.constant 0 : i32
    %scan3A_13 = arith.constant 0 : i32
    %scan3A_14 = arith.constant 5 : i32
    %scan3A_15 = arith.addi %scan3A_13, %scan3A_14 : i32
    %scan3A_16 = arith.constant 1 : i32
    scf.for %scan3A_19 = %scan3A_13 to %scan3A_15 step %scan3A_16  : i32 {
      %mul3A_20 = arith.constant 16 : i32
      %mul3A_21 = arith.muli %scan3A_19, %mul3A_20 : i32
      "tpu.region"() ({
        %run_scoped3A = tpu.sem_alloc : memref<!tpu.dma_semaphore, #tpu.memory_space<semaphore_mem>>
        %dma_start3A_36 = arith.constant 0 : i32
        %dma_start3A_37 = tpu.memref_slice %arg3[%add3A, %mul3A_21, %dma_start3A_36] : memref<32x80x128xi32, #tpu.memory_space<hbm>> -> memref<1x16x128xi32, #tpu.memory_space<hbm>>
        %dma_start3A_38 = tpu.memref_squeeze %dma_start3A_37 : memref<1x16x128xi32, #tpu.memory_space<hbm>> -> memref<16x128xi32, #tpu.memory_space<hbm>>
        %dma_start3A_39 = arith.constant 0 : i32
        %dma_start3A_40 = tpu.memref_slice %arg3[%add3A, %mul3A_21, %dma_start3A_39] : memref<32x80x128xi32, #tpu.memory_space<hbm>> -> memref<1x16x128xi32, #tpu.memory_space<hbm>>
        %dma_start3A_41 = tpu.memref_squeeze %dma_start3A_40 : memref<1x16x128xi32, #tpu.memory_space<hbm>> -> memref<16x128xi32, #tpu.memory_space<hbm>>
        tpu.enqueue_dma source(%dma_start3A_41 : memref<16x128xi32, #tpu.memory_space<hbm>>) target(%arg7 : memref<16x128xi32, #tpu.memory_space<vmem>>) target_semaphore(%run_scoped3A : memref<!tpu.dma_semaphore, #tpu.memory_space<semaphore_mem>>)
        %dma_wait3A = arith.constant 0 : i32
        %dma_wait3A_42 = tpu.memref_slice %arg3[%add3A, %mul3A_21, %dma_wait3A] : memref<32x80x128xi32, #tpu.memory_space<hbm>> -> memref<1x16x128xi32, #tpu.memory_space<hbm>>
        %dma_wait3A_43 = tpu.memref_squeeze %dma_wait3A_42 : memref<1x16x128xi32, #tpu.memory_space<hbm>> -> memref<16x128xi32, #tpu.memory_space<hbm>>
        %dma_wait3A_44 = arith.constant 0 : i32
        %dma_wait3A_45 = tpu.memref_slice %arg3[%add3A, %mul3A_21, %dma_wait3A_44] : memref<32x80x128xi32, #tpu.memory_space<hbm>> -> memref<1x16x128xi32, #tpu.memory_space<hbm>>
        %dma_wait3A_46 = tpu.memref_squeeze %dma_wait3A_45 : memref<1x16x128xi32, #tpu.memory_space<hbm>> -> memref<16x128xi32, #tpu.memory_space<hbm>>
        tpu.wait_dma2 semaphore(%run_scoped3A : memref<!tpu.dma_semaphore, #tpu.memory_space<semaphore_mem>>) src(%dma_wait3A_46 : memref<16x128xi32, #tpu.memory_space<hbm>>) dst(%arg7 : memref<16x128xi32, #tpu.memory_space<vmem>>)
        tpu.yield
      }) : () -> ()
      %mul3A_22 = arith.constant 16 : i32
      %mul3A_23 = arith.muli %scan3A_19, %mul3A_22 : i32
      "tpu.region"() ({
        %run_scoped3A = tpu.sem_alloc : memref<!tpu.dma_semaphore, #tpu.memory_space<semaphore_mem>>
        %dma_start3A_36 = arith.constant 0 : i32
        %dma_start3A_37 = tpu.memref_slice %arg4[%add3A, %mul3A_23, %dma_start3A_36] : memref<32x80x128xi32, #tpu.memory_space<hbm>> -> memref<1x16x128xi32, #tpu.memory_space<hbm>>
        %dma_start3A_38 = tpu.memref_squeeze %dma_start3A_37 : memref<1x16x128xi32, #tpu.memory_space<hbm>> -> memref<16x128xi32, #tpu.memory_space<hbm>>
        %dma_start3A_39 = arith.constant 0 : i32
        %dma_start3A_40 = tpu.memref_slice %arg4[%add3A, %mul3A_23, %dma_start3A_39] : memref<32x80x128xi32, #tpu.memory_space<hbm>> -> memref<1x16x128xi32, #tpu.memory_space<hbm>>
        %dma_start3A_41 = tpu.memref_squeeze %dma_start3A_40 : memref<1x16x128xi32, #tpu.memory_space<hbm>> -> memref<16x128xi32, #tpu.memory_space<hbm>>
        tpu.enqueue_dma source(%dma_start3A_41 : memref<16x128xi32, #tpu.memory_space<hbm>>) target(%arg8 : memref<16x128xi32, #tpu.memory_space<vmem>>) target_semaphore(%run_scoped3A : memref<!tpu.dma_semaphore, #tpu.memory_space<semaphore_mem>>)
        %dma_wait3A = arith.constant 0 : i32
        %dma_wait3A_42 = tpu.memref_slice %arg4[%add3A, %mul3A_23, %dma_wait3A] : memref<32x80x128xi32, #tpu.memory_space<hbm>> -> memref<1x16x128xi32, #tpu.memory_space<hbm>>
        %dma_wait3A_43 = tpu.memref_squeeze %dma_wait3A_42 : memref<1x16x128xi32, #tpu.memory_space<hbm>> -> memref<16x128xi32, #tpu.memory_space<hbm>>
        %dma_wait3A_44 = arith.constant 0 : i32
        %dma_wait3A_45 = tpu.memref_slice %arg4[%add3A, %mul3A_23, %dma_wait3A_44] : memref<32x80x128xi32, #tpu.memory_space<hbm>> -> memref<1x16x128xi32, #tpu.memory_space<hbm>>
        %dma_wait3A_46 = tpu.memref_squeeze %dma_wait3A_45 : memref<1x16x128xi32, #tpu.memory_space<hbm>> -> memref<16x128xi32, #tpu.memory_space<hbm>>
        tpu.wait_dma2 semaphore(%run_scoped3A : memref<!tpu.dma_semaphore, #tpu.memory_space<semaphore_mem>>) src(%dma_wait3A_46 : memref<16x128xi32, #tpu.memory_space<hbm>>) dst(%arg8 : memref<16x128xi32, #tpu.memory_space<vmem>>)
        tpu.yield
      }) : () -> ()
      %dma_start3A = arith.constant 0 : i32
      %dma_start3A_24 = arith.constant 0 : i32
      %dma_start3A_25 = tpu.memref_slice %arg7[%dma_start3A, %dma_start3A_24] : memref<16x128xi32, #tpu.memory_space<vmem>> -> memref<1x128xi32, #tpu.memory_space<vmem>>
      %dma_start3A_26 = tpu.memref_squeeze %dma_start3A_25 : memref<1x128xi32, #tpu.memory_space<vmem>> -> memref<128xi32, #tpu.memory_space<vmem>>
      %dma_start3A_27 = arith.constant 0 : i32
      %dma_start3A_28 = arith.constant 0 : i32
      %dma_start3A_29 = tpu.memref_slice %arg2[%dma_start3A_27, %dma_start3A_28] : memref<10240x128xf32, #tpu.memory_space<hbm>> -> memref<10240x128xf32, #tpu.memory_space<hbm>>
      tpu.enqueue_indirect_dma source(%dma_start3A_29 : memref<10240x128xf32, #tpu.memory_space<hbm>>) target(%arg9 : memref<128x128xf32, #tpu.memory_space<vmem>>) offsets(%dma_start3A_26 : memref<128xi32, #tpu.memory_space<vmem>>) semaphore(%arg11 : memref<!tpu.dma_semaphore, #tpu.memory_space<semaphore_mem>>)
      %scan3A_30 = arith.constant 0 : i32
      %scan3A_31 = arith.constant 0 : i32
      %scan3A_32 = arith.constant 8 : i32
      %scan3A_33 = arith.addi %scan3A_31, %scan3A_32 : i32
      %scan3A_34 = arith.constant 1 : i32
      scf.for %scan3A_36 = %scan3A_31 to %scan3A_33 step %scan3A_34  : i32 {
        %mul3A_37 = arith.constant 2 : i32
        %mul3A_38 = arith.muli %mul3A_37, %scan3A_36 : i32
        %add3A_39 = arith.constant 1 : i32
        %add3A_40 = arith.addi %mul3A_38, %add3A_39 : i32
        %dma_start3A_41 = arith.constant 0 : i32
        %dma_start3A_42 = tpu.memref_slice %arg7[%add3A_40, %dma_start3A_41] : memref<16x128xi32, #tpu.memory_space<vmem>> -> memref<1x128xi32, #tpu.memory_space<vmem>>
        %dma_start3A_43 = tpu.memref_squeeze %dma_start3A_42 : memref<1x128xi32, #tpu.memory_space<vmem>> -> memref<128xi32, #tpu.memory_space<vmem>>
        %dma_start3A_44 = arith.constant 0 : i32
        %dma_start3A_45 = arith.constant 0 : i32
        %dma_start3A_46 = tpu.memref_slice %arg2[%dma_start3A_44, %dma_start3A_45] : memref<10240x128xf32, #tpu.memory_space<hbm>> -> memref<10240x128xf32, #tpu.memory_space<hbm>>
        tpu.enqueue_indirect_dma source(%dma_start3A_46 : memref<10240x128xf32, #tpu.memory_space<hbm>>) target(%arg10 : memref<128x128xf32, #tpu.memory_space<vmem>>) offsets(%dma_start3A_43 : memref<128xi32, #tpu.memory_space<vmem>>) semaphore(%arg12 : memref<!tpu.dma_semaphore, #tpu.memory_space<semaphore_mem>>)
        %dma_wait3A = arith.constant 0 : i32
        %dma_wait3A_47 = tpu.memref_slice %arg7[%mul3A_38, %dma_wait3A] : memref<16x128xi32, #tpu.memory_space<vmem>> -> memref<1x128xi32, #tpu.memory_space<vmem>>
        %dma_wait3A_48 = tpu.memref_squeeze %dma_wait3A_47 : memref<1x128xi32, #tpu.memory_space<vmem>> -> memref<128xi32, #tpu.memory_space<vmem>>
        %dma_wait3A_49 = arith.constant 0 : i32
        %dma_wait3A_50 = arith.constant 0 : i32
        %dma_wait3A_51 = tpu.memref_slice %arg2[%dma_wait3A_49, %dma_wait3A_50] : memref<10240x128xf32, #tpu.memory_space<hbm>> -> memref<10240x128xf32, #tpu.memory_space<hbm>>
        tpu.wait_indirect_dma semaphore(%arg11 : memref<!tpu.dma_semaphore, #tpu.memory_space<semaphore_mem>>) src(%dma_wait3A_51 : memref<10240x128xf32, #tpu.memory_space<hbm>>) dst(%arg9 : memref<128x128xf32, #tpu.memory_space<vmem>>)
        "tpu.region"() ({
          %run_scoped3A = tpu.sem_alloc : memref<!tpu.dma_semaphore, #tpu.memory_space<semaphore_mem>>
          %dma_start3A_66 = arith.constant 0 : i32
          %dma_start3A_67 = tpu.memref_slice %arg8[%mul3A_38, %dma_start3A_66] : memref<16x128xi32, #tpu.memory_space<vmem>> -> memref<1x128xi32, #tpu.memory_space<vmem>>
          %dma_start3A_68 = tpu.memref_squeeze %dma_start3A_67 : memref<1x128xi32, #tpu.memory_space<vmem>> -> memref<128xi32, #tpu.memory_space<vmem>>
          %dma_start3A_69 = arith.constant 0 : i32
          %dma_start3A_70 = arith.constant 0 : i32
          %dma_start3A_71 = tpu.memref_slice %arg13[%dma_start3A_69, %dma_start3A_70] : memref<10240x128xf32, #tpu.memory_space<vmem_shared>> -> memref<10240x128xf32, #tpu.memory_space<vmem_shared>>
          tpu.enqueue_indirect_dma source(%arg9 : memref<128x128xf32, #tpu.memory_space<vmem>>) target(%dma_start3A_71 : memref<10240x128xf32, #tpu.memory_space<vmem_shared>>) offsets(%dma_start3A_68 : memref<128xi32, #tpu.memory_space<vmem>>) semaphore(%run_scoped3A : memref<!tpu.dma_semaphore, #tpu.memory_space<semaphore_mem>>) {add = true}
          %dma_wait3A_72 = arith.constant 0 : i32
          %dma_wait3A_73 = tpu.memref_slice %arg8[%mul3A_38, %dma_wait3A_72] : memref<16x128xi32, #tpu.memory_space<vmem>> -> memref<1x128xi32, #tpu.memory_space<vmem>>
          %dma_wait3A_74 = tpu.memref_squeeze %dma_wait3A_73 : memref<1x128xi32, #tpu.memory_space<vmem>> -> memref<128xi32, #tpu.memory_space<vmem>>
          %dma_wait3A_75 = arith.constant 0 : i32
          %dma_wait3A_76 = arith.constant 0 : i32
          %dma_wait3A_77 = tpu.memref_slice %arg13[%dma_wait3A_75, %dma_wait3A_76] : memref<10240x128xf32, #tpu.memory_space<vmem_shared>> -> memref<10240x128xf32, #tpu.memory_space<vmem_shared>>
          tpu.wait_indirect_dma semaphore(%run_scoped3A : memref<!tpu.dma_semaphore, #tpu.memory_space<semaphore_mem>>) src(%arg9 : memref<128x128xf32, #tpu.memory_space<vmem>>) dst(%dma_wait3A_77 : memref<10240x128xf32, #tpu.memory_space<vmem_shared>>)
          tpu.yield
        }) : () -> ()
        %add3A_52 = arith.constant 2 : i32
        %add3A_53 = arith.addi %mul3A_38, %add3A_52 : i32
        %lt3A = arith.constant 16 : i32
        %lt3A_54 = arith.cmpi slt, %add3A_53, %lt3A : i32
        %convert_element_type3A = arith.extui %lt3A_54 : i1 to i32
        %cond3A = arith.constant 0 : i32
        %cond3A_55 = arith.cmpi ne, %convert_element_type3A, %cond3A : i32
        scf.if %cond3A_55 {
          %add3A_66 = arith.constant 2 : i32
          %add3A_67 = arith.addi %mul3A_38, %add3A_66 : i32
          %dma_start3A_68 = arith.constant 0 : i32
          %dma_start3A_69 = tpu.memref_slice %arg7[%add3A_67, %dma_start3A_68] : memref<16x128xi32, #tpu.memory_space<vmem>> -> memref<1x128xi32, #tpu.memory_space<vmem>>
          %dma_start3A_70 = tpu.memref_squeeze %dma_start3A_69 : memref<1x128xi32, #tpu.memory_space<vmem>> -> memref<128xi32, #tpu.memory_space<vmem>>
          %dma_start3A_71 = arith.constant 0 : i32
          %dma_start3A_72 = arith.constant 0 : i32
          %dma_start3A_73 = tpu.memref_slice %arg2[%dma_start3A_71, %dma_start3A_72] : memref<10240x128xf32, #tpu.memory_space<hbm>> -> memref<10240x128xf32, #tpu.memory_space<hbm>>
          tpu.enqueue_indirect_dma source(%dma_start3A_73 : memref<10240x128xf32, #tpu.memory_space<hbm>>) target(%arg9 : memref<128x128xf32, #tpu.memory_space<vmem>>) offsets(%dma_start3A_70 : memref<128xi32, #tpu.memory_space<vmem>>) semaphore(%arg11 : memref<!tpu.dma_semaphore, #tpu.memory_space<semaphore_mem>>)
        } else {
        }
        %add3A_56 = arith.constant 1 : i32
        %add3A_57 = arith.addi %mul3A_38, %add3A_56 : i32
        %dma_wait3A_58 = arith.constant 0 : i32
        %dma_wait3A_59 = tpu.memref_slice %arg7[%add3A_57, %dma_wait3A_58] : memref<16x128xi32, #tpu.memory_space<vmem>> -> memref<1x128xi32, #tpu.memory_space<vmem>>
        %dma_wait3A_60 = tpu.memref_squeeze %dma_wait3A_59 : memref<1x128xi32, #tpu.memory_space<vmem>> -> memref<128xi32, #tpu.memory_space<vmem>>
        %dma_wait3A_61 = arith.constant 0 : i32
        %dma_wait3A_62 = arith.constant 0 : i32
        %dma_wait3A_63 = tpu.memref_slice %arg2[%dma_wait3A_61, %dma_wait3A_62] : memref<10240x128xf32, #tpu.memory_space<hbm>> -> memref<10240x128xf32, #tpu.memory_space<hbm>>
        tpu.wait_indirect_dma semaphore(%arg12 : memref<!tpu.dma_semaphore, #tpu.memory_space<semaphore_mem>>) src(%dma_wait3A_63 : memref<10240x128xf32, #tpu.memory_space<hbm>>) dst(%arg10 : memref<128x128xf32, #tpu.memory_space<vmem>>)
        %add3A_64 = arith.constant 1 : i32
        %add3A_65 = arith.addi %mul3A_38, %add3A_64 : i32
        "tpu.region"() ({
          %run_scoped3A = tpu.sem_alloc : memref<!tpu.dma_semaphore, #tpu.memory_space<semaphore_mem>>
          %dma_start3A_66 = arith.constant 0 : i32
          %dma_start3A_67 = tpu.memref_slice %arg8[%add3A_65, %dma_start3A_66] : memref<16x128xi32, #tpu.memory_space<vmem>> -> memref<1x128xi32, #tpu.memory_space<vmem>>
          %dma_start3A_68 = tpu.memref_squeeze %dma_start3A_67 : memref<1x128xi32, #tpu.memory_space<vmem>> -> memref<128xi32, #tpu.memory_space<vmem>>
          %dma_start3A_69 = arith.constant 0 : i32
          %dma_start3A_70 = arith.constant 0 : i32
          %dma_start3A_71 = tpu.memref_slice %arg13[%dma_start3A_69, %dma_start3A_70] : memref<10240x128xf32, #tpu.memory_space<vmem_shared>> -> memref<10240x128xf32, #tpu.memory_space<vmem_shared>>
          tpu.enqueue_indirect_dma source(%arg10 : memref<128x128xf32, #tpu.memory_space<vmem>>) target(%dma_start3A_71 : memref<10240x128xf32, #tpu.memory_space<vmem_shared>>) offsets(%dma_start3A_68 : memref<128xi32, #tpu.memory_space<vmem>>) semaphore(%run_scoped3A : memref<!tpu.dma_semaphore, #tpu.memory_space<semaphore_mem>>) {add = true}
          %dma_wait3A_72 = arith.constant 0 : i32
          %dma_wait3A_73 = tpu.memref_slice %arg8[%add3A_65, %dma_wait3A_72] : memref<16x128xi32, #tpu.memory_space<vmem>> -> memref<1x128xi32, #tpu.memory_space<vmem>>
          %dma_wait3A_74 = tpu.memref_squeeze %dma_wait3A_73 : memref<1x128xi32, #tpu.memory_space<vmem>> -> memref<128xi32, #tpu.memory_space<vmem>>
          %dma_wait3A_75 = arith.constant 0 : i32
          %dma_wait3A_76 = arith.constant 0 : i32
          %dma_wait3A_77 = tpu.memref_slice %arg13[%dma_wait3A_75, %dma_wait3A_76] : memref<10240x128xf32, #tpu.memory_space<vmem_shared>> -> memref<10240x128xf32, #tpu.memory_space<vmem_shared>>
          tpu.wait_indirect_dma semaphore(%run_scoped3A : memref<!tpu.dma_semaphore, #tpu.memory_space<semaphore_mem>>) src(%arg10 : memref<128x128xf32, #tpu.memory_space<vmem>>) dst(%dma_wait3A_77 : memref<10240x128xf32, #tpu.memory_space<vmem_shared>>)
          tpu.yield
        }) : () -> ()
      }
      %scan3A_35 = arith.constant 8 : i32
    }
    %scan3A_17 = arith.constant 5 : i32
    %barrier3A_18 = arith.constant 0 : index
    tpu.barrier barrier_id(%barrier3A_18)
    "tpu.region"() ({
      %run_scoped3A = tpu.sem_alloc : memref<!tpu.dma_semaphore, #tpu.memory_space<semaphore_mem>>
      %dma_start3A = arith.constant 0 : i32
      %dma_start3A_19 = tpu.memref_slice %arg6[%arg0, %mul3A_2, %dma_start3A] : memref<2x10240x128xf32, #tpu.memory_space<hbm>> -> memref<1x640x128xf32, #tpu.memory_space<hbm>>
      %dma_start3A_20 = tpu.memref_squeeze %dma_start3A_19 : memref<1x640x128xf32, #tpu.memory_space<hbm>> -> memref<640x128xf32, #tpu.memory_space<hbm>>
      %dma_start3A_21 = arith.constant 0 : i32
      %dma_start3A_22 = tpu.memref_slice %arg13[%mul3A_2, %dma_start3A_21] : memref<10240x128xf32, #tpu.memory_space<vmem_shared>> -> memref<640x128xf32, #tpu.memory_space<vmem_shared>>
      tpu.enqueue_dma source(%dma_start3A_22 : memref<640x128xf32, #tpu.memory_space<vmem_shared>>) target(%dma_start3A_20 : memref<640x128xf32, #tpu.memory_space<hbm>>) target_semaphore(%run_scoped3A : memref<!tpu.dma_semaphore, #tpu.memory_space<semaphore_mem>>)
      %dma_wait3A = arith.constant 0 : i32
      %dma_wait3A_23 = tpu.memref_slice %arg6[%arg0, %mul3A_2, %dma_wait3A] : memref<2x10240x128xf32, #tpu.memory_space<hbm>> -> memref<1x640x128xf32, #tpu.memory_space<hbm>>
      %dma_wait3A_24 = tpu.memref_squeeze %dma_wait3A_23 : memref<1x640x128xf32, #tpu.memory_space<hbm>> -> memref<640x128xf32, #tpu.memory_space<hbm>>
      %dma_wait3A_25 = arith.constant 0 : i32
      %dma_wait3A_26 = tpu.memref_slice %arg13[%mul3A_2, %dma_wait3A_25] : memref<10240x128xf32, #tpu.memory_space<vmem_shared>> -> memref<640x128xf32, #tpu.memory_space<vmem_shared>>
      tpu.wait_dma2 semaphore(%run_scoped3A : memref<!tpu.dma_semaphore, #tpu.memory_space<semaphore_mem>>) src(%dma_wait3A_26 : memref<640x128xf32, #tpu.memory_space<vmem_shared>>) dst(%dma_wait3A_24 : memref<640x128xf32, #tpu.memory_space<hbm>>)
      tpu.yield
    }) : () -> ()
    return
  }
}

#map = affine_map<(d0, d1) -> (0, 0)>
#map1 = affine_map<(d0, d1) -> (0, 0, 0)>
module attributes {stable_mosaic.version = 14 : i64} {
  func.func @k(%arg0: i32, %arg1: i32, %arg2: memref<10240x128xf32, #tpu.memory_space<hbm>>, %arg3: memref<32x80x128xi32, #tpu.memory_space<hbm>>, %arg4: memref<32x80x128xi32, #tpu.memory_space<hbm>>, %arg5: memref<128x128xf32, #tpu.memory_space<hbm>>, %arg6: memref<2x10240x128xf32, #tpu.memory_space<hbm>>, %arg7: memref<16x128xi32, #tpu.memory_space<vmem>>, %arg8: memref<16x128xi32, #tpu.memory_space<vmem>>, %arg9: memref<128x128xf32, #tpu.memory_space<vmem>>, %arg10: memref<128x128xf32, #tpu.memory_space<vmem>>, %arg11: memref<!tpu.dma_semaphore, #tpu.memory_space<semaphore_mem>>, %arg12: memref<!tpu.dma_semaphore, #tpu.memory_space<semaphore_mem>>, %arg13: memref<10240x128xf32, #tpu.memory_space<vmem_shared>>) attributes {dimension_semantics = [#tpu.dimension_semantics<core_parallel>, #tpu.dimension_semantics<subcore_parallel>], iteration_bounds = array<i64: 2, 16>, scalar_prefetch = 0 : i64, scratch_operands = 7 : i64, tpu.core_type = #tpu.core_type<sc_vector_subcore>, window_params = [{transform_indices = #map}, {transform_indices = #map1}, {transform_indices = #map1}, {transform_indices = #map}, {transform_indices = #map1}]} {
    %mul3A = arith.constant 2 : i32
    %mul3A_0 = arith.muli %arg1, %mul3A : i32
    %add3A = arith.addi %mul3A_0, %arg0 : i32
    %mul3A_1 = arith.constant 640 : i32
    %mul3A_2 = arith.muli %arg1, %mul3A_1 : i32
    %add3A_3 = arith.constant 0 : i32
    %add3A_4 = arith.addi %mul3A_2, %add3A_3 : i32
    "tpu.region"() ({
      %run_scoped3A = tpu.sem_alloc : memref<!tpu.dma_semaphore, #tpu.memory_space<semaphore_mem>>
      %dma_start3A = arith.constant 0 : i32
      %dma_start3A_19 = tpu.memref_slice %arg13[%add3A_4, %dma_start3A] : memref<10240x128xf32, #tpu.memory_space<vmem_shared>> -> memref<128x128xf32, #tpu.memory_space<vmem_shared>>
      tpu.enqueue_dma source(%arg5 : memref<128x128xf32, #tpu.memory_space<hbm>>) target(%dma_start3A_19 : memref<128x128xf32, #tpu.memory_space<vmem_shared>>) target_semaphore(%run_scoped3A : memref<!tpu.dma_semaphore, #tpu.memory_space<semaphore_mem>>)
      %dma_wait3A = arith.constant 0 : i32
      %dma_wait3A_20 = tpu.memref_slice %arg13[%add3A_4, %dma_wait3A] : memref<10240x128xf32, #tpu.memory_space<vmem_shared>> -> memref<128x128xf32, #tpu.memory_space<vmem_shared>>
      tpu.wait_dma2 semaphore(%run_scoped3A : memref<!tpu.dma_semaphore, #tpu.memory_space<semaphore_mem>>) src(%arg5 : memref<128x128xf32, #tpu.memory_space<hbm>>) dst(%dma_wait3A_20 : memref<128x128xf32, #tpu.memory_space<vmem_shared>>)
      tpu.yield
    }) : () -> ()
    %add3A_5 = arith.constant 128 : i32
    %add3A_6 = arith.addi %mul3A_2, %add3A_5 : i32
    "tpu.region"() ({
      %run_scoped3A = tpu.sem_alloc : memref<!tpu.dma_semaphore, #tpu.memory_space<semaphore_mem>>
      %dma_start3A = arith.constant 0 : i32
      %dma_start3A_19 = tpu.memref_slice %arg13[%add3A_6, %dma_start3A] : memref<10240x128xf32, #tpu.memory_space<vmem_shared>> -> memref<128x128xf32, #tpu.memory_space<vmem_shared>>
      tpu.enqueue_dma source(%arg5 : memref<128x128xf32, #tpu.memory_space<hbm>>) target(%dma_start3A_19 : memref<128x128xf32, #tpu.memory_space<vmem_shared>>) target_semaphore(%run_scoped3A : memref<!tpu.dma_semaphore, #tpu.memory_space<semaphore_mem>>)
      %dma_wait3A = arith.constant 0 : i32
      %dma_wait3A_20 = tpu.memref_slice %arg13[%add3A_6, %dma_wait3A] : memref<10240x128xf32, #tpu.memory_space<vmem_shared>> -> memref<128x128xf32, #tpu.memory_space<vmem_shared>>
      tpu.wait_dma2 semaphore(%run_scoped3A : memref<!tpu.dma_semaphore, #tpu.memory_space<semaphore_mem>>) src(%arg5 : memref<128x128xf32, #tpu.memory_space<hbm>>) dst(%dma_wait3A_20 : memref<128x128xf32, #tpu.memory_space<vmem_shared>>)
      tpu.yield
    }) : () -> ()
    %add3A_7 = arith.constant 256 : i32
    %add3A_8 = arith.addi %mul3A_2, %add3A_7 : i32
    "tpu.region"() ({
      %run_scoped3A = tpu.sem_alloc : memref<!tpu.dma_semaphore, #tpu.memory_space<semaphore_mem>>
      %dma_start3A = arith.constant 0 : i32
      %dma_start3A_19 = tpu.memref_slice %arg13[%add3A_8, %dma_start3A] : memref<10240x128xf32, #tpu.memory_space<vmem_shared>> -> memref<128x128xf32, #tpu.memory_space<vmem_shared>>
      tpu.enqueue_dma source(%arg5 : memref<128x128xf32, #tpu.memory_space<hbm>>) target(%dma_start3A_19 : memref<128x128xf32, #tpu.memory_space<vmem_shared>>) target_semaphore(%run_scoped3A : memref<!tpu.dma_semaphore, #tpu.memory_space<semaphore_mem>>)
      %dma_wait3A = arith.constant 0 : i32
      %dma_wait3A_20 = tpu.memref_slice %arg13[%add3A_8, %dma_wait3A] : memref<10240x128xf32, #tpu.memory_space<vmem_shared>> -> memref<128x128xf32, #tpu.memory_space<vmem_shared>>
      tpu.wait_dma2 semaphore(%run_scoped3A : memref<!tpu.dma_semaphore, #tpu.memory_space<semaphore_mem>>) src(%arg5 : memref<128x128xf32, #tpu.memory_space<hbm>>) dst(%dma_wait3A_20 : memref<128x128xf32, #tpu.memory_space<vmem_shared>>)
      tpu.yield
    }) : () -> ()
    %add3A_9 = arith.constant 384 : i32
    %add3A_10 = arith.addi %mul3A_2, %add3A_9 : i32
    "tpu.region"() ({
      %run_scoped3A = tpu.sem_alloc : memref<!tpu.dma_semaphore, #tpu.memory_space<semaphore_mem>>
      %dma_start3A = arith.constant 0 : i32
      %dma_start3A_19 = tpu.memref_slice %arg13[%add3A_10, %dma_start3A] : memref<10240x128xf32, #tpu.memory_space<vmem_shared>> -> memref<128x128xf32, #tpu.memory_space<vmem_shared>>
      tpu.enqueue_dma source(%arg5 : memref<128x128xf32, #tpu.memory_space<hbm>>) target(%dma_start3A_19 : memref<128x128xf32, #tpu.memory_space<vmem_shared>>) target_semaphore(%run_scoped3A : memref<!tpu.dma_semaphore, #tpu.memory_space<semaphore_mem>>)
      %dma_wait3A = arith.constant 0 : i32
      %dma_wait3A_20 = tpu.memref_slice %arg13[%add3A_10, %dma_wait3A] : memref<10240x128xf32, #tpu.memory_space<vmem_shared>> -> memref<128x128xf32, #tpu.memory_space<vmem_shared>>
      tpu.wait_dma2 semaphore(%run_scoped3A : memref<!tpu.dma_semaphore, #tpu.memory_space<semaphore_mem>>) src(%arg5 : memref<128x128xf32, #tpu.memory_space<hbm>>) dst(%dma_wait3A_20 : memref<128x128xf32, #tpu.memory_space<vmem_shared>>)
      tpu.yield
    }) : () -> ()
    %add3A_11 = arith.constant 512 : i32
    %add3A_12 = arith.addi %mul3A_2, %add3A_11 : i32
    "tpu.region"() ({
      %run_scoped3A = tpu.sem_alloc : memref<!tpu.dma_semaphore, #tpu.memory_space<semaphore_mem>>
      %dma_start3A = arith.constant 0 : i32
      %dma_start3A_19 = tpu.memref_slice %arg13[%add3A_12, %dma_start3A] : memref<10240x128xf32, #tpu.memory_space<vmem_shared>> -> memref<128x128xf32, #tpu.memory_space<vmem_shared>>
      tpu.enqueue_dma source(%arg5 : memref<128x128xf32, #tpu.memory_space<hbm>>) target(%dma_start3A_19 : memref<128x128xf32, #tpu.memory_space<vmem_shared>>) target_semaphore(%run_scoped3A : memref<!tpu.dma_semaphore, #tpu.memory_space<semaphore_mem>>)
      %dma_wait3A = arith.constant 0 : i32
      %dma_wait3A_20 = tpu.memref_slice %arg13[%add3A_12, %dma_wait3A] : memref<10240x128xf32, #tpu.memory_space<vmem_shared>> -> memref<128x128xf32, #tpu.memory_space<vmem_shared>>
      tpu.wait_dma2 semaphore(%run_scoped3A : memref<!tpu.dma_semaphore, #tpu.memory_space<semaphore_mem>>) src(%arg5 : memref<128x128xf32, #tpu.memory_space<hbm>>) dst(%dma_wait3A_20 : memref<128x128xf32, #tpu.memory_space<vmem_shared>>)
      tpu.yield
    }) : () -> ()
    %barrier3A = arith.constant 0 : index
    tpu.barrier barrier_id(%barrier3A)
    %scan3A = arith.constant 0 : i32
    %scan3A_13 = arith.constant 0 : i32
    %scan3A_14 = arith.constant 5 : i32
    %scan3A_15 = arith.addi %scan3A_13, %scan3A_14 : i32
    %scan3A_16 = arith.constant 1 : i32
    scf.for %scan3A_19 = %scan3A_13 to %scan3A_15 step %scan3A_16  : i32 {
      %mul3A_20 = arith.constant 16 : i32
      %mul3A_21 = arith.muli %scan3A_19, %mul3A_20 : i32
      "tpu.region"() ({
        %run_scoped3A = tpu.sem_alloc : memref<!tpu.dma_semaphore, #tpu.memory_space<semaphore_mem>>
        %dma_start3A_36 = arith.constant 0 : i32
        %dma_start3A_37 = tpu.memref_slice %arg3[%add3A, %mul3A_21, %dma_start3A_36] : memref<32x80x128xi32, #tpu.memory_space<hbm>> -> memref<1x16x128xi32, #tpu.memory_space<hbm>>
        %dma_start3A_38 = tpu.memref_squeeze %dma_start3A_37 : memref<1x16x128xi32, #tpu.memory_space<hbm>> -> memref<16x128xi32, #tpu.memory_space<hbm>>
        %dma_start3A_39 = arith.constant 0 : i32
        %dma_start3A_40 = tpu.memref_slice %arg3[%add3A, %mul3A_21, %dma_start3A_39] : memref<32x80x128xi32, #tpu.memory_space<hbm>> -> memref<1x16x128xi32, #tpu.memory_space<hbm>>
        %dma_start3A_41 = tpu.memref_squeeze %dma_start3A_40 : memref<1x16x128xi32, #tpu.memory_space<hbm>> -> memref<16x128xi32, #tpu.memory_space<hbm>>
        tpu.enqueue_dma source(%dma_start3A_41 : memref<16x128xi32, #tpu.memory_space<hbm>>) target(%arg7 : memref<16x128xi32, #tpu.memory_space<vmem>>) target_semaphore(%run_scoped3A : memref<!tpu.dma_semaphore, #tpu.memory_space<semaphore_mem>>)
        %dma_wait3A = arith.constant 0 : i32
        %dma_wait3A_42 = tpu.memref_slice %arg3[%add3A, %mul3A_21, %dma_wait3A] : memref<32x80x128xi32, #tpu.memory_space<hbm>> -> memref<1x16x128xi32, #tpu.memory_space<hbm>>
        %dma_wait3A_43 = tpu.memref_squeeze %dma_wait3A_42 : memref<1x16x128xi32, #tpu.memory_space<hbm>> -> memref<16x128xi32, #tpu.memory_space<hbm>>
        %dma_wait3A_44 = arith.constant 0 : i32
        %dma_wait3A_45 = tpu.memref_slice %arg3[%add3A, %mul3A_21, %dma_wait3A_44] : memref<32x80x128xi32, #tpu.memory_space<hbm>> -> memref<1x16x128xi32, #tpu.memory_space<hbm>>
        %dma_wait3A_46 = tpu.memref_squeeze %dma_wait3A_45 : memref<1x16x128xi32, #tpu.memory_space<hbm>> -> memref<16x128xi32, #tpu.memory_space<hbm>>
        tpu.wait_dma2 semaphore(%run_scoped3A : memref<!tpu.dma_semaphore, #tpu.memory_space<semaphore_mem>>) src(%dma_wait3A_46 : memref<16x128xi32, #tpu.memory_space<hbm>>) dst(%arg7 : memref<16x128xi32, #tpu.memory_space<vmem>>)
        tpu.yield
      }) : () -> ()
      %mul3A_22 = arith.constant 16 : i32
      %mul3A_23 = arith.muli %scan3A_19, %mul3A_22 : i32
      "tpu.region"() ({
        %run_scoped3A = tpu.sem_alloc : memref<!tpu.dma_semaphore, #tpu.memory_space<semaphore_mem>>
        %dma_start3A_36 = arith.constant 0 : i32
        %dma_start3A_37 = tpu.memref_slice %arg4[%add3A, %mul3A_23, %dma_start3A_36] : memref<32x80x128xi32, #tpu.memory_space<hbm>> -> memref<1x16x128xi32, #tpu.memory_space<hbm>>
        %dma_start3A_38 = tpu.memref_squeeze %dma_start3A_37 : memref<1x16x128xi32, #tpu.memory_space<hbm>> -> memref<16x128xi32, #tpu.memory_space<hbm>>
        %dma_start3A_39 = arith.constant 0 : i32
        %dma_start3A_40 = tpu.memref_slice %arg4[%add3A, %mul3A_23, %dma_start3A_39] : memref<32x80x128xi32, #tpu.memory_space<hbm>> -> memref<1x16x128xi32, #tpu.memory_space<hbm>>
        %dma_start3A_41 = tpu.memref_squeeze %dma_start3A_40 : memref<1x16x128xi32, #tpu.memory_space<hbm>> -> memref<16x128xi32, #tpu.memory_space<hbm>>
        tpu.enqueue_dma source(%dma_start3A_41 : memref<16x128xi32, #tpu.memory_space<hbm>>) target(%arg8 : memref<16x128xi32, #tpu.memory_space<vmem>>) target_semaphore(%run_scoped3A : memref<!tpu.dma_semaphore, #tpu.memory_space<semaphore_mem>>)
        %dma_wait3A = arith.constant 0 : i32
        %dma_wait3A_42 = tpu.memref_slice %arg4[%add3A, %mul3A_23, %dma_wait3A] : memref<32x80x128xi32, #tpu.memory_space<hbm>> -> memref<1x16x128xi32, #tpu.memory_space<hbm>>
        %dma_wait3A_43 = tpu.memref_squeeze %dma_wait3A_42 : memref<1x16x128xi32, #tpu.memory_space<hbm>> -> memref<16x128xi32, #tpu.memory_space<hbm>>
        %dma_wait3A_44 = arith.constant 0 : i32
        %dma_wait3A_45 = tpu.memref_slice %arg4[%add3A, %mul3A_23, %dma_wait3A_44] : memref<32x80x128xi32, #tpu.memory_space<hbm>> -> memref<1x16x128xi32, #tpu.memory_space<hbm>>
        %dma_wait3A_46 = tpu.memref_squeeze %dma_wait3A_45 : memref<1x16x128xi32, #tpu.memory_space<hbm>> -> memref<16x128xi32, #tpu.memory_space<hbm>>
        tpu.wait_dma2 semaphore(%run_scoped3A : memref<!tpu.dma_semaphore, #tpu.memory_space<semaphore_mem>>) src(%dma_wait3A_46 : memref<16x128xi32, #tpu.memory_space<hbm>>) dst(%arg8 : memref<16x128xi32, #tpu.memory_space<vmem>>)
        tpu.yield
      }) : () -> ()
      %dma_start3A = arith.constant 0 : i32
      %dma_start3A_24 = arith.constant 0 : i32
      %dma_start3A_25 = tpu.memref_slice %arg7[%dma_start3A, %dma_start3A_24] : memref<16x128xi32, #tpu.memory_space<vmem>> -> memref<1x128xi32, #tpu.memory_space<vmem>>
      %dma_start3A_26 = tpu.memref_squeeze %dma_start3A_25 : memref<1x128xi32, #tpu.memory_space<vmem>> -> memref<128xi32, #tpu.memory_space<vmem>>
      %dma_start3A_27 = arith.constant 0 : i32
      %dma_start3A_28 = arith.constant 0 : i32
      %dma_start3A_29 = tpu.memref_slice %arg2[%dma_start3A_27, %dma_start3A_28] : memref<10240x128xf32, #tpu.memory_space<hbm>> -> memref<10240x128xf32, #tpu.memory_space<hbm>>
      tpu.enqueue_indirect_dma source(%dma_start3A_29 : memref<10240x128xf32, #tpu.memory_space<hbm>>) target(%arg9 : memref<128x128xf32, #tpu.memory_space<vmem>>) offsets(%dma_start3A_26 : memref<128xi32, #tpu.memory_space<vmem>>) semaphore(%arg11 : memref<!tpu.dma_semaphore, #tpu.memory_space<semaphore_mem>>)
      %scan3A_30 = arith.constant 0 : i32
      %scan3A_31 = arith.constant 0 : i32
      %scan3A_32 = arith.constant 8 : i32
      %scan3A_33 = arith.addi %scan3A_31, %scan3A_32 : i32
      %scan3A_34 = arith.constant 1 : i32
      scf.for %scan3A_36 = %scan3A_31 to %scan3A_33 step %scan3A_34  : i32 {
        %mul3A_37 = arith.constant 2 : i32
        %mul3A_38 = arith.muli %mul3A_37, %scan3A_36 : i32
        %add3A_39 = arith.constant 1 : i32
        %add3A_40 = arith.addi %mul3A_38, %add3A_39 : i32
        %dma_start3A_41 = arith.constant 0 : i32
        %dma_start3A_42 = tpu.memref_slice %arg7[%add3A_40, %dma_start3A_41] : memref<16x128xi32, #tpu.memory_space<vmem>> -> memref<1x128xi32, #tpu.memory_space<vmem>>
        %dma_start3A_43 = tpu.memref_squeeze %dma_start3A_42 : memref<1x128xi32, #tpu.memory_space<vmem>> -> memref<128xi32, #tpu.memory_space<vmem>>
        %dma_start3A_44 = arith.constant 0 : i32
        %dma_start3A_45 = arith.constant 0 : i32
        %dma_start3A_46 = tpu.memref_slice %arg2[%dma_start3A_44, %dma_start3A_45] : memref<10240x128xf32, #tpu.memory_space<hbm>> -> memref<10240x128xf32, #tpu.memory_space<hbm>>
        tpu.enqueue_indirect_dma source(%dma_start3A_46 : memref<10240x128xf32, #tpu.memory_space<hbm>>) target(%arg10 : memref<128x128xf32, #tpu.memory_space<vmem>>) offsets(%dma_start3A_43 : memref<128xi32, #tpu.memory_space<vmem>>) semaphore(%arg12 : memref<!tpu.dma_semaphore, #tpu.memory_space<semaphore_mem>>)
        %dma_wait3A = arith.constant 0 : i32
        %dma_wait3A_47 = tpu.memref_slice %arg7[%mul3A_38, %dma_wait3A] : memref<16x128xi32, #tpu.memory_space<vmem>> -> memref<1x128xi32, #tpu.memory_space<vmem>>
        %dma_wait3A_48 = tpu.memref_squeeze %dma_wait3A_47 : memref<1x128xi32, #tpu.memory_space<vmem>> -> memref<128xi32, #tpu.memory_space<vmem>>
        %dma_wait3A_49 = arith.constant 0 : i32
        %dma_wait3A_50 = arith.constant 0 : i32
        %dma_wait3A_51 = tpu.memref_slice %arg2[%dma_wait3A_49, %dma_wait3A_50] : memref<10240x128xf32, #tpu.memory_space<hbm>> -> memref<10240x128xf32, #tpu.memory_space<hbm>>
        tpu.wait_indirect_dma semaphore(%arg11 : memref<!tpu.dma_semaphore, #tpu.memory_space<semaphore_mem>>) src(%dma_wait3A_51 : memref<10240x128xf32, #tpu.memory_space<hbm>>) dst(%arg9 : memref<128x128xf32, #tpu.memory_space<vmem>>)
        "tpu.region"() ({
          %run_scoped3A = tpu.sem_alloc : memref<!tpu.dma_semaphore, #tpu.memory_space<semaphore_mem>>
          %dma_start3A_66 = arith.constant 0 : i32
          %dma_start3A_67 = tpu.memref_slice %arg8[%mul3A_38, %dma_start3A_66] : memref<16x128xi32, #tpu.memory_space<vmem>> -> memref<1x128xi32, #tpu.memory_space<vmem>>
          %dma_start3A_68 = tpu.memref_squeeze %dma_start3A_67 : memref<1x128xi32, #tpu.memory_space<vmem>> -> memref<128xi32, #tpu.memory_space<vmem>>
          %dma_start3A_69 = arith.constant 0 : i32
          %dma_start3A_70 = arith.constant 0 : i32
          %dma_start3A_71 = tpu.memref_slice %arg13[%dma_start3A_69, %dma_start3A_70] : memref<10240x128xf32, #tpu.memory_space<vmem_shared>> -> memref<10240x128xf32, #tpu.memory_space<vmem_shared>>
          tpu.enqueue_indirect_dma source(%arg9 : memref<128x128xf32, #tpu.memory_space<vmem>>) target(%dma_start3A_71 : memref<10240x128xf32, #tpu.memory_space<vmem_shared>>) offsets(%dma_start3A_68 : memref<128xi32, #tpu.memory_space<vmem>>) semaphore(%run_scoped3A : memref<!tpu.dma_semaphore, #tpu.memory_space<semaphore_mem>>) {add = true}
          %dma_wait3A_72 = arith.constant 0 : i32
          %dma_wait3A_73 = tpu.memref_slice %arg8[%mul3A_38, %dma_wait3A_72] : memref<16x128xi32, #tpu.memory_space<vmem>> -> memref<1x128xi32, #tpu.memory_space<vmem>>
          %dma_wait3A_74 = tpu.memref_squeeze %dma_wait3A_73 : memref<1x128xi32, #tpu.memory_space<vmem>> -> memref<128xi32, #tpu.memory_space<vmem>>
          %dma_wait3A_75 = arith.constant 0 : i32
          %dma_wait3A_76 = arith.constant 0 : i32
          %dma_wait3A_77 = tpu.memref_slice %arg13[%dma_wait3A_75, %dma_wait3A_76] : memref<10240x128xf32, #tpu.memory_space<vmem_shared>> -> memref<10240x128xf32, #tpu.memory_space<vmem_shared>>
          tpu.wait_indirect_dma semaphore(%run_scoped3A : memref<!tpu.dma_semaphore, #tpu.memory_space<semaphore_mem>>) src(%arg9 : memref<128x128xf32, #tpu.memory_space<vmem>>) dst(%dma_wait3A_77 : memref<10240x128xf32, #tpu.memory_space<vmem_shared>>)
          tpu.yield
        }) : () -> ()
        %add3A_52 = arith.constant 2 : i32
        %add3A_53 = arith.addi %mul3A_38, %add3A_52 : i32
        %lt3A = arith.constant 16 : i32
        %lt3A_54 = arith.cmpi slt, %add3A_53, %lt3A : i32
        %convert_element_type3A = arith.extui %lt3A_54 : i1 to i32
        %cond3A = arith.constant 0 : i32
        %cond3A_55 = arith.cmpi ne, %convert_element_type3A, %cond3A : i32
        scf.if %cond3A_55 {
          %add3A_66 = arith.constant 2 : i32
          %add3A_67 = arith.addi %mul3A_38, %add3A_66 : i32
          %dma_start3A_68 = arith.constant 0 : i32
          %dma_start3A_69 = tpu.memref_slice %arg7[%add3A_67, %dma_start3A_68] : memref<16x128xi32, #tpu.memory_space<vmem>> -> memref<1x128xi32, #tpu.memory_space<vmem>>
          %dma_start3A_70 = tpu.memref_squeeze %dma_start3A_69 : memref<1x128xi32, #tpu.memory_space<vmem>> -> memref<128xi32, #tpu.memory_space<vmem>>
          %dma_start3A_71 = arith.constant 0 : i32
          %dma_start3A_72 = arith.constant 0 : i32
          %dma_start3A_73 = tpu.memref_slice %arg2[%dma_start3A_71, %dma_start3A_72] : memref<10240x128xf32, #tpu.memory_space<hbm>> -> memref<10240x128xf32, #tpu.memory_space<hbm>>
          tpu.enqueue_indirect_dma source(%dma_start3A_73 : memref<10240x128xf32, #tpu.memory_space<hbm>>) target(%arg9 : memref<128x128xf32, #tpu.memory_space<vmem>>) offsets(%dma_start3A_70 : memref<128xi32, #tpu.memory_space<vmem>>) semaphore(%arg11 : memref<!tpu.dma_semaphore, #tpu.memory_space<semaphore_mem>>)
        } else {
        }
        %add3A_56 = arith.constant 1 : i32
        %add3A_57 = arith.addi %mul3A_38, %add3A_56 : i32
        %dma_wait3A_58 = arith.constant 0 : i32
        %dma_wait3A_59 = tpu.memref_slice %arg7[%add3A_57, %dma_wait3A_58] : memref<16x128xi32, #tpu.memory_space<vmem>> -> memref<1x128xi32, #tpu.memory_space<vmem>>
        %dma_wait3A_60 = tpu.memref_squeeze %dma_wait3A_59 : memref<1x128xi32, #tpu.memory_space<vmem>> -> memref<128xi32, #tpu.memory_space<vmem>>
        %dma_wait3A_61 = arith.constant 0 : i32
        %dma_wait3A_62 = arith.constant 0 : i32
        %dma_wait3A_63 = tpu.memref_slice %arg2[%dma_wait3A_61, %dma_wait3A_62] : memref<10240x128xf32, #tpu.memory_space<hbm>> -> memref<10240x128xf32, #tpu.memory_space<hbm>>
        tpu.wait_indirect_dma semaphore(%arg12 : memref<!tpu.dma_semaphore, #tpu.memory_space<semaphore_mem>>) src(%dma_wait3A_63 : memref<10240x128xf32, #tpu.memory_space<hbm>>) dst(%arg10 : memref<128x128xf32, #tpu.memory_space<vmem>>)
        %add3A_64 = arith.constant 1 : i32
        %add3A_65 = arith.addi %mul3A_38, %add3A_64 : i32
        "tpu.region"() ({
          %run_scoped3A = tpu.sem_alloc : memref<!tpu.dma_semaphore, #tpu.memory_space<semaphore_mem>>
          %dma_start3A_66 = arith.constant 0 : i32
          %dma_start3A_67 = tpu.memref_slice %arg8[%add3A_65, %dma_start3A_66] : memref<16x128xi32, #tpu.memory_space<vmem>> -> memref<1x128xi32, #tpu.memory_space<vmem>>
          %dma_start3A_68 = tpu.memref_squeeze %dma_start3A_67 : memref<1x128xi32, #tpu.memory_space<vmem>> -> memref<128xi32, #tpu.memory_space<vmem>>
          %dma_start3A_69 = arith.constant 0 : i32
          %dma_start3A_70 = arith.constant 0 : i32
          %dma_start3A_71 = tpu.memref_slice %arg13[%dma_start3A_69, %dma_start3A_70] : memref<10240x128xf32, #tpu.memory_space<vmem_shared>> -> memref<10240x128xf32, #tpu.memory_space<vmem_shared>>
          tpu.enqueue_indirect_dma source(%arg10 : memref<128x128xf32, #tpu.memory_space<vmem>>) target(%dma_start3A_71 : memref<10240x128xf32, #tpu.memory_space<vmem_shared>>) offsets(%dma_start3A_68 : memref<128xi32, #tpu.memory_space<vmem>>) semaphore(%run_scoped3A : memref<!tpu.dma_semaphore, #tpu.memory_space<semaphore_mem>>) {add = true}
          %dma_wait3A_72 = arith.constant 0 : i32
          %dma_wait3A_73 = tpu.memref_slice %arg8[%add3A_65, %dma_wait3A_72] : memref<16x128xi32, #tpu.memory_space<vmem>> -> memref<1x128xi32, #tpu.memory_space<vmem>>
          %dma_wait3A_74 = tpu.memref_squeeze %dma_wait3A_73 : memref<1x128xi32, #tpu.memory_space<vmem>> -> memref<128xi32, #tpu.memory_space<vmem>>
          %dma_wait3A_75 = arith.constant 0 : i32
          %dma_wait3A_76 = arith.constant 0 : i32
          %dma_wait3A_77 = tpu.memref_slice %arg13[%dma_wait3A_75, %dma_wait3A_76] : memref<10240x128xf32, #tpu.memory_space<vmem_shared>> -> memref<10240x128xf32, #tpu.memory_space<vmem_shared>>
          tpu.wait_indirect_dma semaphore(%run_scoped3A : memref<!tpu.dma_semaphore, #tpu.memory_space<semaphore_mem>>) src(%arg10 : memref<128x128xf32, #tpu.memory_space<vmem>>) dst(%dma_wait3A_77 : memref<10240x128xf32, #tpu.memory_space<vmem_shared>>)
          tpu.yield
        }) : () -> ()
      }
      %scan3A_35 = arith.constant 8 : i32
    }
    %scan3A_17 = arith.constant 5 : i32
    %barrier3A_18 = arith.constant 0 : index
    tpu.barrier barrier_id(%barrier3A_18)
    "tpu.region"() ({
      %run_scoped3A = tpu.sem_alloc : memref<!tpu.dma_semaphore, #tpu.memory_space<semaphore_mem>>
      %dma_start3A = arith.constant 0 : i32
      %dma_start3A_19 = tpu.memref_slice %arg6[%arg0, %mul3A_2, %dma_start3A] : memref<2x10240x128xf32, #tpu.memory_space<hbm>> -> memref<1x640x128xf32, #tpu.memory_space<hbm>>
      %dma_start3A_20 = tpu.memref_squeeze %dma_start3A_19 : memref<1x640x128xf32, #tpu.memory_space<hbm>> -> memref<640x128xf32, #tpu.memory_space<hbm>>
      %dma_start3A_21 = arith.constant 0 : i32
      %dma_start3A_22 = tpu.memref_slice %arg13[%mul3A_2, %dma_start3A_21] : memref<10240x128xf32, #tpu.memory_space<vmem_shared>> -> memref<640x128xf32, #tpu.memory_space<vmem_shared>>
      tpu.enqueue_dma source(%dma_start3A_22 : memref<640x128xf32, #tpu.memory_space<vmem_shared>>) target(%dma_start3A_20 : memref<640x128xf32, #tpu.memory_space<hbm>>) target_semaphore(%run_scoped3A : memref<!tpu.dma_semaphore, #tpu.memory_space<semaphore_mem>>)
      %dma_wait3A = arith.constant 0 : i32
      %dma_wait3A_23 = tpu.memref_slice %arg6[%arg0, %mul3A_2, %dma_wait3A] : memref<2x10240x128xf32, #tpu.memory_space<hbm>> -> memref<1x640x128xf32, #tpu.memory_space<hbm>>
      %dma_wait3A_24 = tpu.memref_squeeze %dma_wait3A_23 : memref<1x640x128xf32, #tpu.memory_space<hbm>> -> memref<640x128xf32, #tpu.memory_space<hbm>>
      %dma_wait3A_25 = arith.constant 0 : i32
      %dma_wait3A_26 = tpu.memref_slice %arg13[%mul3A_2, %dma_wait3A_25] : memref<10240x128xf32, #tpu.memory_space<vmem_shared>> -> memref<640x128xf32, #tpu.memory_space<vmem_shared>>
      tpu.wait_dma2 semaphore(%run_scoped3A : memref<!tpu.dma_semaphore, #tpu.memory_space<semaphore_mem>>) src(%dma_wait3A_26 : memref<640x128xf32, #tpu.memory_space<vmem_shared>>) dst(%dma_wait3A_24 : memref<640x128xf32, #tpu.memory_space<hbm>>)
      tpu.yield
    }) : () -> ()
    return
  }
}

module attributes {stable_mosaic.version = 14 : i64} {
  func.func @body(%arg0: memref<2x10240x128xf32, #tpu.memory_space<vmem>>, %arg1: memref<10240x1xf32, #tpu.memory_space<vmem>>) attributes {dimension_semantics = [], scalar_prefetch = 0 : i64, scratch_operands = 0 : i64, tpu.core_type = #tpu.core_type<tc>} {
    %get3A = arith.constant 0 : index
    %get3A_0 = arith.constant 0 : index
    %get3A_1 = arith.constant 0 : index
    %get3A_2 = vector.load %arg0[%get3A, %get3A_0, %get3A_1] : memref<2x10240x128xf32, #tpu.memory_space<vmem>>, vector<1x10240x1xf32>
    %get3A_3 = vector.shape_cast %get3A_2 : vector<1x10240x1xf32> to vector<10240x1xf32>
    %get3A_4 = arith.constant 1 : index
    %get3A_5 = arith.constant 0 : index
    %get3A_6 = arith.constant 0 : index
    %get3A_7 = vector.load %arg0[%get3A_4, %get3A_5, %get3A_6] : memref<2x10240x128xf32, #tpu.memory_space<vmem>>, vector<1x10240x1xf32>
    %get3A_8 = vector.shape_cast %get3A_7 : vector<1x10240x1xf32> to vector<10240x1xf32>
    %add3A = arith.addf %get3A_3, %get3A_8 : vector<10240x1xf32>
    %add3A_9 = arith.constant 1.000000e+00 : f32
    %add3A_10 = vector.broadcast %add3A_9 : f32 to vector<10240x1xf32>
    %add3A_11 = arith.addf %add3A, %add3A_10 : vector<10240x1xf32>
    %rsqrt3A = math.rsqrt %add3A_11 : vector<10240x1xf32>
    %swap3A = arith.constant 0 : index
    %swap3A_12 = arith.constant 0 : index
    %swap3A_13 = vector.load %arg1[%swap3A, %swap3A_12] : memref<10240x1xf32, #tpu.memory_space<vmem>>, vector<10240x1xf32>
    tpu.vector_store %arg1[%swap3A, %swap3A_12], %rsqrt3A {strides = array<i32>} : memref<10240x1xf32, #tpu.memory_space<vmem>>, vector<10240x1xf32>,
    return
  }
}

module attributes {stable_mosaic.version = 14 : i64} {
  func.func @body(%arg0: i32, %arg1: memref<1280x128xf32, #tpu.memory_space<vmem>>, %arg2: memref<128x128xf32, #tpu.memory_space<vmem>>, %arg3: memref<1280x1xf32, #tpu.memory_space<vmem>>, %arg4: memref<1280x128xf32, #tpu.memory_space<vmem>>) attributes {dimension_semantics = [#tpu.dimension_semantics<arbitrary>], iteration_bounds = array<i64: 8>, scalar_prefetch = 0 : i64, scratch_operands = 0 : i64, tpu.core_type = #tpu.core_type<tc>, window_params = [{transform_indices = @transform_0, window_bounds = array<i64: 1280, 128>}, {pipeline_mode = #tpu.pipeline_mode<synchronous>, transform_indices = @transform_1, window_bounds = array<i64: 128, 128>}, {transform_indices = @transform_2, window_bounds = array<i64: 1280, 1>}, {transform_indices = @transform_3, window_bounds = array<i64: 1280, 128>}]} {
    %get3A = arith.constant 0 : index
    %get3A_0 = arith.constant 0 : index
    %get3A_1 = vector.load %arg1[%get3A, %get3A_0] : memref<1280x128xf32, #tpu.memory_space<vmem>>, vector<1280x128xf32>
    %get3A_2 = arith.constant 0 : index
    %get3A_3 = arith.constant 0 : index
    %get3A_4 = vector.load %arg2[%get3A_2, %get3A_3] : memref<128x128xf32, #tpu.memory_space<vmem>>, vector<128x128xf32>
    %dot_general3A = arith.constant dense<0.000000e+00> : vector<1280x128xf32>
    %dot_general3A_5 = tpu.matmul %get3A_1, %get3A_4, %dot_general3A {dimension_numbers = #tpu.dot_dimension_numbers<[1], [0], [0], [1], [0, 0, 1, 1], [], []>, transpose_lhs_hint = false} : vector<1280x128xf32>, vector<128x128xf32>, vector<1280x128xf32> -> vector<1280x128xf32>
    %get3A_6 = arith.constant 0 : index
    %get3A_7 = arith.constant 0 : index
    %get3A_8 = vector.load %arg3[%get3A_6, %get3A_7] : memref<1280x1xf32, #tpu.memory_space<vmem>>, vector<1280x1xf32>
    %mul3A = vector.broadcast %get3A_8 : vector<1280x1xf32> to vector<1280x128xf32>
    %mul3A_9 = arith.mulf %mul3A, %dot_general3A_5 : vector<1280x128xf32>
    %swap3A = arith.constant 0 : index
    %swap3A_10 = arith.constant 0 : index
    %swap3A_11 = vector.load %arg4[%swap3A, %swap3A_10] : memref<1280x128xf32, #tpu.memory_space<vmem>>, vector<1280x128xf32>
    tpu.vector_store %arg4[%swap3A, %swap3A_10], %mul3A_9 {strides = array<i32>} : memref<1280x128xf32, #tpu.memory_space<vmem>>, vector<1280x128xf32>,
    return
  }
  func.func @transform_0(%arg0: i32) -> (i32, i32) {
    %c0_i32 = arith.constant 0 : i32
    %c0_i32_0 = arith.constant 0 : i32
    return %arg0, %c0_i32 : i32, i32
  }
  func.func @transform_1(%arg0: i32) -> (i32, i32) {
    %c0_i32 = arith.constant 0 : i32
    %c0_i32_0 = arith.constant 0 : i32
    %c0_i32_1 = arith.constant 0 : i32
    return %c0_i32, %c0_i32_0 : i32, i32
  }
  func.func @transform_2(%arg0: i32) -> (i32, i32) {
    %c0_i32 = arith.constant 0 : i32
    %c0_i32_0 = arith.constant 0 : i32
    return %arg0, %c0_i32 : i32, i32
  }
  func.func @transform_3(%arg0: i32) -> (i32, i32) {
    %c0_i32 = arith.constant 0 : i32
    %c0_i32_0 = arith.constant 0 : i32
    return %arg0, %c0_i32 : i32, i32
  }
}

module attributes {stable_mosaic.version = 14 : i64} {
  func.func @body(%arg0: i32, %arg1: memref<2x1280x128xf32, #tpu.memory_space<vmem>>, %arg2: memref<1280x128xf32, #tpu.memory_space<vmem>>, %arg3: memref<1280x1xf32, #tpu.memory_space<vmem>>, %arg4: memref<128x128xf32, #tpu.memory_space<vmem>>, %arg5: memref<1280x128xf32, #tpu.memory_space<vmem>>) attributes {dimension_semantics = [#tpu.dimension_semantics<arbitrary>], iteration_bounds = array<i64: 8>, scalar_prefetch = 0 : i64, scratch_operands = 0 : i64, tpu.core_type = #tpu.core_type<tc>, window_params = [{transform_indices = @transform_0, window_bounds = array<i64: 2, 1280, 128>}, {transform_indices = @transform_1, window_bounds = array<i64: 1280, 128>}, {transform_indices = @transform_2, window_bounds = array<i64: 1280, 1>}, {pipeline_mode = #tpu.pipeline_mode<synchronous>, transform_indices = @transform_3, window_bounds = array<i64: 128, 128>}, {transform_indices = @transform_4, window_bounds = array<i64: 1280, 128>}]} {
    %get3A = arith.constant 0 : index
    %get3A_0 = arith.constant 0 : index
    %get3A_1 = vector.load %arg3[%get3A, %get3A_0] : memref<1280x1xf32, #tpu.memory_space<vmem>>, vector<1280x1xf32>
    %get3A_2 = arith.constant 0 : index
    %get3A_3 = arith.constant 0 : index
    %get3A_4 = arith.constant 0 : index
    %get3A_5 = vector.load %arg1[%get3A_2, %get3A_3, %get3A_4] : memref<2x1280x128xf32, #tpu.memory_space<vmem>>, vector<1x1280x128xf32>
    %get3A_6 = vector.shape_cast %get3A_5 : vector<1x1280x128xf32> to vector<1280x128xf32>
    %get3A_7 = arith.constant 1 : index
    %get3A_8 = arith.constant 0 : index
    %get3A_9 = arith.constant 0 : index
    %get3A_10 = vector.load %arg1[%get3A_7, %get3A_8, %get3A_9] : memref<2x1280x128xf32, #tpu.memory_space<vmem>>, vector<1x1280x128xf32>
    %get3A_11 = vector.shape_cast %get3A_10 : vector<1x1280x128xf32> to vector<1280x128xf32>
    %add3A = arith.addf %get3A_6, %get3A_11 : vector<1280x128xf32>
    %get3A_12 = arith.constant 0 : index
    %get3A_13 = arith.constant 0 : index
    %get3A_14 = vector.load %arg2[%get3A_12, %get3A_13] : memref<1280x128xf32, #tpu.memory_space<vmem>>, vector<1280x128xf32>
    %add3A_15 = arith.addf %add3A, %get3A_14 : vector<1280x128xf32>
    %mul3A = vector.broadcast %get3A_1 : vector<1280x1xf32> to vector<1280x128xf32>
    %mul3A_16 = arith.mulf %mul3A, %add3A_15 : vector<1280x128xf32>
    %max3A = arith.constant 0.000000e+00 : f32
    %max3A_17 = vector.broadcast %max3A : f32 to vector<1280x128xf32>
    %max3A_18 = arith.maximumf %mul3A_16, %max3A_17 : vector<1280x128xf32>
    %get3A_19 = arith.constant 0 : index
    %get3A_20 = arith.constant 0 : index
    %get3A_21 = vector.load %arg4[%get3A_19, %get3A_20] : memref<128x128xf32, #tpu.memory_space<vmem>>, vector<128x128xf32>
    %dot_general3A = arith.constant dense<0.000000e+00> : vector<1280x128xf32>
    %dot_general3A_22 = tpu.matmul %max3A_18, %get3A_21, %dot_general3A {dimension_numbers = #tpu.dot_dimension_numbers<[1], [0], [0], [1], [0, 0, 1, 1], [], []>, transpose_lhs_hint = false} : vector<1280x128xf32>, vector<128x128xf32>, vector<1280x128xf32> -> vector<1280x128xf32>
    %get3A_23 = arith.constant 0 : index
    %get3A_24 = arith.constant 0 : index
    %get3A_25 = vector.load %arg3[%get3A_23, %get3A_24] : memref<1280x1xf32, #tpu.memory_space<vmem>>, vector<1280x1xf32>
    %mul3A_26 = vector.broadcast %get3A_25 : vector<1280x1xf32> to vector<1280x128xf32>
    %mul3A_27 = arith.mulf %mul3A_26, %dot_general3A_22 : vector<1280x128xf32>
    %swap3A = arith.constant 0 : index
    %swap3A_28 = arith.constant 0 : index
    %swap3A_29 = vector.load %arg5[%swap3A, %swap3A_28] : memref<1280x128xf32, #tpu.memory_space<vmem>>, vector<1280x128xf32>
    tpu.vector_store %arg5[%swap3A, %swap3A_28], %mul3A_27 {strides = array<i32>} : memref<1280x128xf32, #tpu.memory_space<vmem>>, vector<1280x128xf32>,
    return
  }
  func.func @transform_0(%arg0: i32) -> (i32, i32, i32) {
    %c0_i32 = arith.constant 0 : i32
    %c0_i32_0 = arith.constant 0 : i32
    %c0_i32_1 = arith.constant 0 : i32
    return %c0_i32, %arg0, %c0_i32_0 : i32, i32, i32
  }
  func.func @transform_1(%arg0: i32) -> (i32, i32) {
    %c0_i32 = arith.constant 0 : i32
    %c0_i32_0 = arith.constant 0 : i32
    return %arg0, %c0_i32 : i32, i32
  }
  func.func @transform_2(%arg0: i32) -> (i32, i32) {
    %c0_i32 = arith.constant 0 : i32
    %c0_i32_0 = arith.constant 0 : i32
    return %arg0, %c0_i32 : i32, i32
  }
  func.func @transform_3(%arg0: i32) -> (i32, i32) {
    %c0_i32 = arith.constant 0 : i32
    %c0_i32_0 = arith.constant 0 : i32
    %c0_i32_1 = arith.constant 0 : i32
    return %c0_i32, %c0_i32_0 : i32, i32
  }
  func.func @transform_4(%arg0: i32) -> (i32, i32) {
    %c0_i32 = arith.constant 0 : i32
    %c0_i32_0 = arith.constant 0 : i32
    return %arg0, %c0_i32 : i32, i32
  }
}

module attributes {stable_mosaic.version = 14 : i64} {
  func.func @body(%arg0: i32, %arg1: memref<2x1280x128xf32, #tpu.memory_space<vmem>>, %arg2: memref<1280x128xf32, #tpu.memory_space<vmem>>, %arg3: memref<1280x1xf32, #tpu.memory_space<vmem>>, %arg4: memref<1280x128xf32, #tpu.memory_space<vmem>>) attributes {dimension_semantics = [#tpu.dimension_semantics<arbitrary>], iteration_bounds = array<i64: 8>, scalar_prefetch = 0 : i64, scratch_operands = 0 : i64, tpu.core_type = #tpu.core_type<tc>, window_params = [{transform_indices = @transform_0, window_bounds = array<i64: 2, 1280, 128>}, {transform_indices = @transform_1, window_bounds = array<i64: 1280, 128>}, {transform_indices = @transform_2, window_bounds = array<i64: 1280, 1>}, {transform_indices = @transform_3, window_bounds = array<i64: 1280, 128>}]} {
    %get3A = arith.constant 0 : index
    %get3A_0 = arith.constant 0 : index
    %get3A_1 = vector.load %arg3[%get3A, %get3A_0] : memref<1280x1xf32, #tpu.memory_space<vmem>>, vector<1280x1xf32>
    %get3A_2 = arith.constant 0 : index
    %get3A_3 = arith.constant 0 : index
    %get3A_4 = arith.constant 0 : index
    %get3A_5 = vector.load %arg1[%get3A_2, %get3A_3, %get3A_4] : memref<2x1280x128xf32, #tpu.memory_space<vmem>>, vector<1x1280x128xf32>
    %get3A_6 = vector.shape_cast %get3A_5 : vector<1x1280x128xf32> to vector<1280x128xf32>
    %get3A_7 = arith.constant 1 : index
    %get3A_8 = arith.constant 0 : index
    %get3A_9 = arith.constant 0 : index
    %get3A_10 = vector.load %arg1[%get3A_7, %get3A_8, %get3A_9] : memref<2x1280x128xf32, #tpu.memory_space<vmem>>, vector<1x1280x128xf32>
    %get3A_11 = vector.shape_cast %get3A_10 : vector<1x1280x128xf32> to vector<1280x128xf32>
    %add3A = arith.addf %get3A_6, %get3A_11 : vector<1280x128xf32>
    %get3A_12 = arith.constant 0 : index
    %get3A_13 = arith.constant 0 : index
    %get3A_14 = vector.load %arg2[%get3A_12, %get3A_13] : memref<1280x128xf32, #tpu.memory_space<vmem>>, vector<1280x128xf32>
    %add3A_15 = arith.addf %add3A, %get3A_14 : vector<1280x128xf32>
    %mul3A = vector.broadcast %get3A_1 : vector<1280x1xf32> to vector<1280x128xf32>
    %mul3A_16 = arith.mulf %mul3A, %add3A_15 : vector<1280x128xf32>
    %swap3A = arith.constant 0 : index
    %swap3A_17 = arith.constant 0 : index
    %swap3A_18 = vector.load %arg4[%swap3A, %swap3A_17] : memref<1280x128xf32, #tpu.memory_space<vmem>>, vector<1280x128xf32>
    tpu.vector_store %arg4[%swap3A, %swap3A_17], %mul3A_16 {strides = array<i32>} : memref<1280x128xf32, #tpu.memory_space<vmem>>, vector<1280x128xf32>,
    return
  }
  func.func @transform_0(%arg0: i32) -> (i32, i32, i32) {
    %c0_i32 = arith.constant 0 : i32
    %c0_i32_0 = arith.constant 0 : i32
    %c0_i32_1 = arith.constant 0 : i32
    return %c0_i32, %arg0, %c0_i32_0 : i32, i32, i32
  }
  func.func @transform_1(%arg0: i32) -> (i32, i32) {
    %c0_i32 = arith.constant 0 : i32
    %c0_i32_0 = arith.constant 0 : i32
    return %arg0, %c0_i32 : i32, i32
  }
  func.func @transform_2(%arg0: i32) -> (i32, i32) {
    %c0_i32 = arith.constant 0 : i32
    %c0_i32_0 = arith.constant 0 : i32
    return %arg0, %c0_i32 : i32, i32
  }
  func.func @transform_3(%arg0: i32) -> (i32, i32) {
    %c0_i32 = arith.constant 0 : i32
    %c0_i32_0 = arith.constant 0 : i32
    return %arg0, %c0_i32 : i32, i32
  }
}

</mosaic_0001>

<sc_bundles>
// kernel: kernel.11.cloned.1.call-start
scs
__scs_entry_jumppad:
0x0: {  	(pc) =	sbr.rel $0x88, $3  }
0x1: {  	(tag) =	ssettag $0x0;
	lr =	simm.s32 $0x1  }
0x2: {  	[smem:$0x3F9C] =	sst lr;
	_ =	strace $0xD0000000  }
0x3: {  	_ = 	snop  }
0x4: {  	_ = 	snop  }
0x5: {  	_ = 	snop  }
0x6: {  	_ = 	snop  }
0x7: {  	_ = 	snop  }
__scs_overlays_trampoline_lowered:
0x8: {  	[smem:$0x3FAB] =	sst s0  }
0x9: {  	[smem:$0x3FAC] =	sst s1  }
0xa: {  	[smem:$0x3FAD] =	sst s2  }
0xb: {  	[smem:$0x3FAE] =	sst s3  }
0xc: {  	[smem:$0x3FAF] =	sst s4  }
0xd: {  	[smem:$0x3FB0] =	sst s5  }
0xe: {  	[smem:$0x3FB1] =	sst s6  }
0xf: {  	[smem:$0x3FB2] =	sst s7  }
0x10: {  	[smem:$0x3FB3] =	sst s8  }
0x11: {  	[smem:$0x3FB4] =	sst s9;
	s0 =	simm.s32 @!p0 $0x0  }
0x12: {  	s1 =	sld [smem:$0x3F9A];
	s0 =	simm.s32 @p0 $0x1  }
0x13: {  	[smem:$0x3FB5] =	sst s0;
	s0 =	simm.s32 @!p1 $0x0  }
0x14: {  	s2 =	sld [smem:$0x3F99];
	s0 =	simm.s32 @p1 $0x1  }
0x15: {  	[smem:$0x3FB6] =	sst s0;
	s0 =	simm.s32 @!p2 $0x0  }
0x16: {  	s3 =	sld [smem:$0x3FDB];
	s0 =	simm.s32 @p2 $0x1  }
0x17: {  	s4 =	simm.s32 $0x1BF5;
	[smem:$0x3FB8] =	sst s0  }
0x18: {  	s0 =	sld [smem:$0x3F9B];
	_ =	swait.ge [sflag:s4], $0x0  }
0x19: {  	s7 =	sld [smem:$0x3F9C]  }
0x1a: {  	s8 =	sadd.s32 $0xFFFFE003, lr  }
0x1b: {  	s9 =	sadd.s32 $0xFFFFFEF7, lr;
	s5 =	simm.s32 $0xFFFFFFFF;
	p2 =	slt.u32 s8, $0xFFFFF086  }
0x1c: {  	p1 =	slt.u32 s9, $0xF7A;
	s5 =	simm.s32 @!p2 $0x0  }
0x1d: {  	s5 =	simm.s32 @p1 $0x1;
	p0 =	seq.s32 s7, s2  }
0x1e: {  	s7 =	smul.u32 @!p0 $0xF7A, s2;
	p2 =	seq.s32 @!p0 s5, $0x0  }
0x1f: {  	s9 =	smul.u32 $0xF7A, s1;
	s8 =	simm.s32 @!p0 $0x1BF5;
	p2 =	por !p2, p0  }
0x20: {  	[sflag:s8] =	ssyncset.s32 @!p0 $0xFFFFF086;
	s6 =	sadd.s32 @!p0 s3, s7;
	s7 =	simm.s32 @!p0 $0x108  }
0x21: {  	s3 =	sadd.s32 s3, s9;
	s6 =	sadd.s32 @!p0 $0x88, s6;
	s7 =	simm.s32 @p2 $0x1082  }
0x22: {  	[simem:s7], [sflag:s8] =	dma.local @!p0 [hbm:s6], $0xF7A  }
0x23: {  	s9 =	sor.u32 $0xD0000000, s2;
	s6 =	simm.s32 $0x108;
	_ =	swait.ge @!p0 [sflag:s8], $0x0  }
0x24: {  	s3 =	sadd.s32 $0x88, s3;
	s6 =	simm.s32 @!p1 $0x1082;
	[sflag:s4] =	ssyncset.s32 $0xFFFFF086  }
0x25: {  	[simem:s6], [sflag:s4] =	dma.local [hbm:s3], $0xF7A  }
0x26: {  	[smem:$0x3F9C] =	sst s1;
	(tag) =	ssettag s2;
	_ =	strace s9  }
0x27: {  	s1 =	sld [smem:$0x3FAC]  }
0x28: {  	s2 =	sld [smem:$0x3FAD]  }
0x29: {  	s4 =	sld [smem:$0x3FAF]  }
0x2a: {  	p0 =	seq.s32 s5, $0x0;
	s5 =	sld [smem:$0x3FB0]  }
0x2b: {  	s6 =	sld [smem:$0x3FB1]  }
0x2c: {  	s7 =	sld [smem:$0x3FB2]  }
0x2d: {  	s3 =	simm.s32 $0x108;
	s8 =	sld [smem:$0x3FB3]  }
0x2e: {  	s3 =	simm.s32 @!p0 $0x1082;
	s9 =	sld [smem:$0x3FB4]  }
0x2f: {  	lr =	sadd.s32 s0, s3;
	s0 =	sld [smem:$0x3FAB]  }
0x30: {  	s3 =	sld [smem:$0x3FAE]  }
0x31: {  	[smem:$0x3FB7] =	sst s10  }
0x32: {  	s10 =	sld [smem:$0x3FB5];
	_ =	sdelay $0x3  }
0x33: {  	p0 =	seq.s32 s10, $0x1;
	s10 =	sld [smem:$0x3FB7];
	_ =	sdelay $0x3  }
0x34: {  	[smem:$0x3FB7] =	sst s10  }
0x35: {  	s10 =	sld [smem:$0x3FB6];
	_ =	sdelay $0x3  }
0x36: {  	p1 =	seq.s32 s10, $0x1;
	s10 =	sld [smem:$0x3FB7];
	_ =	sdelay $0x3  }
0x37: {  	[smem:$0x3FB7] =	sst s10  }
0x38: {  	s10 =	sld [smem:$0x3FB8]  }
0x39: {  	_ = 	snop;
	(pc) =	sbr.ind lr, $3  }
0x3a: {  	_ = 	snop  }
0x3b: {  	_ = 	snop  }
0x3c: {  	p2 =	seq.s32 s10, $0x1;
	s10 =	sld [smem:$0x3FB7]  }
0x3d: {  	_ =	shalt  }
0x3e: {  	_ =	shalt  }
0x3f: {  	_ =	shalt  }
0x40: {  	_ =	shalt  }
0x41: {  	_ =	shalt  }
0x42: {  	_ =	shalt  }
0x43: {  	_ =	shalt  }
0x44: {  	_ =	shalt  }
0x45: {  	_ =	shalt  }
0x46: {  	_ =	shalt  }
0x47: {  	_ =	shalt  }
0x48: {  	_ =	shalt  }
0x49: {  	_ =	shalt  }
0x4a: {  	_ =	shalt  }
0x4b: {  	_ =	shalt  }
0x4c: {  	_ =	shalt  }
0x4d: {  	_ =	shalt  }
0x4e: {  	_ =	shalt  }
0x4f: {  	_ =	shalt  }
0x50: {  	_ =	shalt  }
0x51: {  	_ =	shalt  }
0x52: {  	_ =	shalt  }
0x53: {  	_ =	shalt  }
0x54: {  	_ =	shalt  }
0x55: {  	_ =	shalt  }
0x56: {  	_ =	shalt  }
0x57: {  	_ =	shalt  }
0x58: {  	_ =	shalt  }
0x59: {  	_ =	shalt  }
0x5a: {  	_ =	shalt  }
0x5b: {  	_ =	shalt  }
0x5c: {  	_ =	shalt  }
0x5d: {  	_ =	shalt  }
0x5e: {  	_ =	shalt  }
0x5f: {  	_ =	shalt  }
0x60: {  	_ =	shalt  }
0x61: {  	_ =	shalt  }
0x62: {  	_ =	shalt  }
0x63: {  	_ =	shalt  }
0x64: {  	_ =	shalt  }
0x65: {  	_ =	shalt  }
0x66: {  	_ =	shalt  }
0x67: {  	_ =	shalt  }
0x68: {  	_ =	shalt  }
0x69: {  	_ =	shalt  }
0x6a: {  	_ =	shalt  }
0x6b: {  	_ =	shalt  }
0x6c: {  	_ =	shalt  }
0x6d: {  	_ =	shalt  }
0x6e: {  	_ =	shalt  }
0x6f: {  	_ =	shalt  }
0x70: {  	_ =	shalt  }
0x71: {  	_ =	shalt  }
0x72: {  	_ =	shalt  }
0x73: {  	_ =	shalt  }
0x74: {  	_ =	shalt  }
0x75: {  	_ =	shalt  }
0x76: {  	_ =	shalt  }
0x77: {  	_ =	shalt  }
0x78: {  	_ =	shalt  }
0x79: {  	_ =	shalt  }
0x7a: {  	_ =	shalt  }
0x7b: {  	_ =	shalt  }
0x7c: {  	_ =	shalt  }
0x7d: {  	_ =	shalt  }
0x7e: {  	_ =	shalt  }
0x7f: {  	_ =	shalt  }
0x80: {  	_ =	shalt  }
0x81: {  	_ =	shalt  }
0x82: {  	_ =	shalt  }
0x83: {  	_ =	shalt  }
0x84: {  	_ =	shalt  }
0x85: {  	_ =	shalt  }
0x86: {  	_ =	shalt  }
0x87: {  	_ =	shalt  }
.Lfunc_end0:
.L_simem_size_0:
called_computation_lowered:
.L_overlay_start_0:
0x88: {  	s2 =	sld [smem:$0x3FD9]  }
0x89: {  	s3 =	sld [smem:$0x3FFE];
	_ =	sdelay $0x1  }
0x8a: {  	s1 =	srdreg.scid  }
0x8b: {  	s0 =	sand.u32 $0x1, s1  }
0x8c: {  	s17 =	sshll.u32 s0, $0xA;
	s2 =	sadd.s32 s3, s2  }
0x8d: {  	s2 =	sadd.s32 s2, s17  }
0x8e: {  	[smem:$0x3FC3] =	sst s2  }
0x8f: {  	_ = 	snop  }
0x90: {  	s2 =	sld [smem:$0x3FD0];
	(tm) =	ssettm $0x1  }
0x91: {  	s18 =	sld [smem:$0x3FFB];
	_ =	sdelay $0x3  }
0x92: {  	_ =	strace s18  }
0x93: {  	s3 =	sld [smem:$0x3FFC];
	_ =	sdelay $0x3  }
0x94: {  	_ =	strace s3  }
0x95: {  	s3 =	sld [smem:$0x3FFD];
	_ =	sdelay $0x3  }
0x96: {  	_ =	strace s3  }
0x97: {  	_ =	strace $0x8FFFFFFF  }
0x98: {  	s19 =	sld [smem:$0x3FDB];
	_ =	sdelay $0x1  }
0x99: {  	s4 =	simm.s32 $_scs_section_size  }
0x9a: {  	s5 =	simm.s32 $_size__tile_overlayer_lowered;
	s6 =	simm.s32 $_tile_overlayer_lowered  }
0x9b: {  	s22 =	simm.s32 $0x1BFF;
	s21 =	sshll.u32 s6, $0x1;
	s3 =	sadd.s32 s4, s19  }
0x9c: {  	s7 =	simm.s32 $0x0;
	s20 =	sshll.u32 s5, $0x1;
	s5 =	sadd.s32 s21, s3  }
0x9d: {  	[timem:s7], [sflag:s22] =	dma.local [hbm:s5], s20  }
0x9e: {  	_ =	swait.ge [sflag:s22], s20  }
0x9f: {  	s4 =	ssub.s32 $0x0, s20;
	[sflag:s22] =	ssyncset.done $0x0  }
0xa0: {  	[sflag:s22] =	ssyncadd.s32 s4;
	_ =	sdelay $0x1  }
0xa1: {  	s23 =	simm.s32 $0x1B8B  }
0xa2: {  	_ =	swait.ge [sflag:s23], $0x1  }
0xa3: {  	[sflag:s23] =	ssyncset.done $0x0  }
0xa4: {  	s25 =	simm.s32 $0x1B8E;
	s24 =	sld [smem:$0x3FFE];
	[sflag:s23] =	ssyncadd.s32 $0xFFFFFFFF  }
0xa5: {  	s26 =	simm.s32 $execute0_lowered;
	[smem:$0x3FD2] =	sst s25  }
0xa6: {  	s5 =	sshll.u32 s26, $0x1;
	_ =	strace $0x80000046;
	[dreg:$0x1] =	wrdreg $0xFFFFFFFF  }
0xa7: {  	s28 =	simm.s32 $_size_execute0_lowered;
	s3 =	sadd.s32 s3, s5;
	[dreg:$0x0] =	wrdreg $0x0  }
0xa8: {  	s5 =	sshll.u32 s28, $0x1;
	[dreg:$0x2] =	wrdreg s3  }
0xa9: {  	[dreg:$0x3] =	wrdreg s5  }
0xaa: {  	[dreg:$0x4] =	wrdreg $0xC0  }
0xab: {  	_ =	task [dreg:s7], $0x5FFFF  }
0xac: {  	[dreg:$0x1] =	wrdreg $0xFFFFFFFF  }
0xad: {  	[dreg:$0x0] =	wrdreg $0x60  }
0xae: {  	[dreg:$0x2] =	wrdreg s2  }
0xaf: {  	[dreg:$0x3] =	wrdreg s24  }
0xb0: {  	[dreg:$0x4] =	wrdreg $0x68000  }
0xb1: {  	[dreg:$0x5] =	wrdreg $0x9  }
0xb2: {  	_ =	task.clear_ibuf [dreg:s7], $0x6FFFF;
	_ =	strace $0x90000046  }
0xb3: {  	s29 =	simm.s32 $0x9;
	_ =	strace $0x80000048  }
0xb4: {  	_ =	swait.ge [sflag:s29], $0x1  }
0xb5: {  	[sflag:s29] =	ssyncadd.s32 $0xFFFFFFFF  }
0xb6: {  	_ =	strace $0x90000048  }
0xb7: {  	_ =	sfence  }
0xb8: {  	s30 =	sld [smem:$0x0];
	_ =	sdelay $0x2  }
0xb9: {  	s31 =	sshll.u32 s1, $0xD;
	s1 =	sshrl.u32 s1, $0x2  }
0xba: {  	s3 =	sand.u32 $0x4000, s31;
	s1 =	sadd.s32 s1, s30  }
0xbb: {  	s0 =	sor.u32 s3, s0;
	s1 =	sshll.u32 s1, $0x11  }
0xbc: {  	s0 =	sor.u32 s1, s0  }
0xbd: {  	s0 =	sadd.s32 $0x8F2B, s0  }
0xbe: {  	[sflag:s0] =	ssyncadd.remote.s32 $0x1  }
0xbf: {  	_ =	sfence.sel $0xFFFF  }
0xc0: {  	[dreg:$0x0] =	wrdreg $0xFFFFFFFF;
	(pc) =	sbr.abs _section_cstart, $3  }
0xc1: {  	[dreg:$0x1] =	wrdreg $0xFFFFFFFF  }
0xc2: {  	_ =	task.clear_ibuf [dreg:s7], $0x2FFFF;
	_ =	strace $0x9FFFFFFF  }
0xc3: {  	(tm) =	ssettm $0x7FFFFFFF  }
tec
execute0_lowered:
.L_overlay_start_1:
0x0: {  	(tag) =	ssettag $0x1  }
0x1: {  	s6 =	rddreg [dreg:$0x0]  }
0x2: {  	s7 =	rddreg [dreg:$0x1]  }
0x3: {  	s1 =	rddreg [dreg:$0x2]  }
0x4: {  	s2 =	srdreg.scid;
	s0 =	rddreg [dreg:$0x3]  }
0x5: {  	s3 =	simm.s32 $0x0;
	s17 =	simm.s32 $0x80;
	s18 =	simm.s32 $0x0  }
0x6: {  	s8 =	sand.u32 $0x1, s2;
	s2 =	stileid.u32;
	[smem:$0x7FF] =	sst s3  }
0x7: {  	s4 =	sadd.s32 $0x2C00, s7;
	s5 =	sadd.s32 $0x2400, s7;
	s9 =	smul.u32 $0x140000, s8  }
0x8: {  	s10 =	smul.u32 $0x14000, s2;
	_ =	strace $0x80000047;
	s26 =	sshll.u32 s2, $0x1  }
0x9: {  	s11 =	smul.u32 $0x50000, s2;
	s12 =	ssub.s32 $0x2, s8;
	s31 =	sshll.u32 s2, $0x6  }
0xa: {  	s8 =	sor.u32 s8, s26;
	s28 =	sshrl.u32 s12, $0x1;
	s9 =	sadd.s32 s10, s9  }
0xb: {  	s8 =	smul.u32 $0x500, s8;
	s11 =	sshrl.u32 s11, $0x2;
	s29 =	ssub.s32 s12, s28  }
0xc: {  	s10 =	simm.s32 $0x2800;
	s9 =	sshrl.u32 s9, $0x3;
	s30 =	sadd.s32 s11, s1  }
0xd: {  	s11 =	sor.u32 $0x1C01, s31;
	s7 =	sadd.s32 s9, s7;
	s6 =	sadd.s32 s6, s8  }
0xe: {  	s13 =	sadd.s32 $0x4000, s30;
	s14 =	sadd.s32 $0x8000, s30;
	s15 =	sadd.s32 $0xC000, s30  }
0xf: {  	s16 =	sadd.s32 $0x10000, s30;
	s8 =	smax.u32 s29, $0x1;
	s9 =	simm.s32 $0x1  }
0x10: {  	s12 =	sshrl.u32 s30, $0x3;
	s7 =	sadd.s32 $0x3400, s7;
	s13 =	sshrl.u32 s13, $0x3  }
0x11: {  	s14 =	sshrl.u32 s14, $0x3;
	s15 =	sshrl.u32 s15, $0x3;
	s16 =	sshrl.u32 s16, $0x3  }
.LBB2_1:
0x12: {  	[tilespmem:s3], [sflag:$0x1] =	stream.linear.gather [hbm4b:s6+s3], $0x2800, $0x38;
	[tilespmem:$0x1A800] =	vst v63  }
0x13: {  	_ =	swait.ge [sflag:s9], $0x2800  }
0x14: {  	[sflag:s9] =	ssyncset.done $0x0  }
0x15: {  	[sflag:s9] =	ssyncadd.s32 $0xFFFFD800  }
0x16: {  	[tilespmem:s10], [sflag:$0x1] =	stream.linear.gather [hbm4b:s4+s3], $0x4000, $0x38;
	[tilespmem:$0x1A800] =	vst v63  }
0x17: {  	_ =	swait.ge [sflag:s9], $0x4000  }
0x18: {  	[sflag:s9] =	ssyncset.done $0x0  }
0x19: {  	[sflag:s9] =	ssyncadd.s32 $0xFFFFC000  }
0x1a: {  	[spmem:s12], [sflag:s11] =	dma.local [hbm:s5], $0x800  }
0x1b: {  	_ =	swait.ge [sflag:s9], $0x800  }
0x1c: {  	[sflag:s9] =	ssyncset.done $0x0  }
0x1d: {  	[sflag:s9] =	ssyncadd.s32 $0xFFFFF800  }
0x1e: {  	[spmem:s13], [sflag:s11] =	dma.local [hbm:s5], $0x800  }
0x1f: {  	_ =	swait.ge [sflag:s9], $0x800  }
0x20: {  	[sflag:s9] =	ssyncset.done $0x0  }
0x21: {  	[sflag:s9] =	ssyncadd.s32 $0xFFFFF800  }
0x22: {  	[spmem:s14], [sflag:s11] =	dma.local [hbm:s5], $0x800  }
0x23: {  	_ =	swait.ge [sflag:s9], $0x800  }
0x24: {  	[sflag:s9] =	ssyncset.done $0x0  }
0x25: {  	[sflag:s9] =	ssyncadd.s32 $0xFFFFF800  }
0x26: {  	[spmem:s15], [sflag:s11] =	dma.local [hbm:s5], $0x800  }
0x27: {  	_ =	swait.ge [sflag:s9], $0x800  }
0x28: {  	[sflag:s9] =	ssyncset.done $0x0  }
0x29: {  	[sflag:s9] =	ssyncadd.s32 $0xFFFFF800  }
0x2a: {  	[spmem:s16], [sflag:s11] =	dma.local [hbm:s5], $0x800  }
0x2b: {  	_ =	swait.ge [sflag:s9], $0x800  }
0x2c: {  	[sflag:s9] =	ssyncset.done $0x0  }
0x2d: {  	[sflag:s9] =	ssyncadd.s32 $0xFFFFF800  }
0x2e: {  	s19 =	simm.s32 $0x0;
	[bflag:$0x0] =	sbarrier.arrive $0xFFFF  }
0x2f: {  	[spmem:s1] =	stream.indirect.scatter.add.f32 [tilespmem:s10], [sflag:$0x1], $0x80, s19, s17, $0xb8;
	[tilespmem:$0x1A800] =	vst v63  }
0x30: {  	_ =	swait.ge [sflag:s9], $0x4000  }
0x31: {  	s19 =	simm.s32 $0x200;
	[sflag:s9] =	ssyncset.done $0x0  }
.LBB2_2:
0x32: {  	s20 =	sshra.s32 s19, $0x2;
	[sflag:s9] =	ssyncadd.s32 $0xFFFFC000;
	p0 =	sne.s32 s19, $0x9E00  }
0x33: {  	[spmem:s1] =	stream.indirect.scatter.add.f32 [tilespmem:s10], [sflag:$0x1], $0x80, s20, s17, $0xb8;
	[tilespmem:$0x1A800] =	vst v63  }
.Ltmp0:
0x34: {  	_ = 	snop;
	(pc) =	sbr.rel @p0 .LBB2_2-.Ltmp0, $4  }
0x35: {  	_ = 	snop  }
0x36: {  	s19 =	sadd.s32 $0x200, s19  }
0x37: {  	_ =	swait.ge [sflag:s9], $0x4000  }
0x38: {  	[sflag:s9] =	ssyncset.done $0x0  }
0x39: {  	s18 =	sadd.s32 $0x1, s18  }
0x3a: {  	[sflag:s9] =	ssyncadd.s32 $0xFFFFC000;
	p0 =	sne.s32 s18, s8  }
.Ltmp1:
0x3b: {  	[bflag:$0x0] =	sbarrier.arrive $0xFFFF;
	(pc) =	sbr.rel @p0 .LBB2_1-.Ltmp1, $4  }
0x3c: {  	[hbm:s7], [sflag:s11] =	dma.local [spmem:s12], $0x2800  }
0x3d: {  	_ =	swait.ge [sflag:s9], $0x2800  }
0x3e: {  	[sflag:s9] =	ssyncset.done $0x0  }
0x3f: {  	[sflag:s9] =	ssyncadd.s32 $0xFFFFD800  }
0x40: {  	_ =	sfence.sel $0x180000  }
0x41: {  	[bflag:$0x0] =	sbarrier.arrive $0xFFFF  }
0x42: {  	p0 =	sne.s32 s2, $0x0;
	_ =	strace $0x90000047  }
0x43: {  	s0 =	sadd.s32 @!p0 $0x100000, s0;
	[bflag:$0x2] =	sbarrier.arrive $0xFFFF  }
0x44: {  	[sflag:s0] =	ssyncadd.tile.s32 @!p0 $0x1;
	_ =	shalt  }
.Lfunc_end2:
_tile_overlayer_lowered:
.L_overlay_start_2:
0x45: {  	(tag) =	ssettag $0x2  }
0x46: {  	s0 =	rddreg [dreg:$0x0];
	s2 =	stileid.u32  }
0x47: {  	s1 =	rddreg [dreg:$0x1];
	p0 =	sne.s32 s2, $0x0  }
0x48: {  	s3 =	rddreg [dreg:$0x2];
	[bflag:$0x3] =	sbarrier.arrive $0xFFFF;
	s2 =	simm.s32 @!p0 $0x1C01  }
0x49: {  	[timem:s3], [sflag:s2] =	dma.local @!p0 [hbm:s0], s1  }
0x4a: {  	s0 =	simm.s32 @!p0 $0x1  }
0x4b: {  	_ =	swait.ge @!p0 [sflag:s0], s1  }
0x4c: {  	s1 =	ssub.s32 @!p0 $0x0, s1;
	[sflag:s0] =	ssyncset.done @!p0 $0x0  }
0x4d: {  	[sflag:s0] =	ssyncadd.s32 @!p0 s1  }
0x4e: {  	[bflag:$0x3] =	sbarrier.arrive $0xFFFF  }
0x4f: {  	_ =	shalt  }

// kernel: kernel.14.cloned.1.call-start
scs
__scs_entry_jumppad:
0x0: {  	(pc) =	sbr.rel $0x88, $3  }
0x1: {  	(tag) =	ssettag $0x0;
	lr =	simm.s32 $0x1  }
0x2: {  	[smem:$0x3F9C] =	sst lr;
	_ =	strace $0xD0000000  }
0x3: {  	_ = 	snop  }
0x4: {  	_ = 	snop  }
0x5: {  	_ = 	snop  }
0x6: {  	_ = 	snop  }
0x7: {  	_ = 	snop  }
__scs_overlays_trampoline_lowered:
0x8: {  	[smem:$0x3FAB] =	sst s0  }
0x9: {  	[smem:$0x3FAC] =	sst s1  }
0xa: {  	[smem:$0x3FAD] =	sst s2  }
0xb: {  	[smem:$0x3FAE] =	sst s3  }
0xc: {  	[smem:$0x3FAF] =	sst s4  }
0xd: {  	[smem:$0x3FB0] =	sst s5  }
0xe: {  	[smem:$0x3FB1] =	sst s6  }
0xf: {  	[smem:$0x3FB2] =	sst s7  }
0x10: {  	[smem:$0x3FB3] =	sst s8  }
0x11: {  	[smem:$0x3FB4] =	sst s9;
	s0 =	simm.s32 @!p0 $0x0  }
0x12: {  	s1 =	sld [smem:$0x3F9A];
	s0 =	simm.s32 @p0 $0x1  }
0x13: {  	[smem:$0x3FB5] =	sst s0;
	s0 =	simm.s32 @!p1 $0x0  }
0x14: {  	s2 =	sld [smem:$0x3F99];
	s0 =	simm.s32 @p1 $0x1  }
0x15: {  	[smem:$0x3FB6] =	sst s0;
	s0 =	simm.s32 @!p2 $0x0  }
0x16: {  	s3 =	sld [smem:$0x3FDB];
	s0 =	simm.s32 @p2 $0x1  }
0x17: {  	s4 =	simm.s32 $0x1BF5;
	[smem:$0x3FB8] =	sst s0  }
0x18: {  	s0 =	sld [smem:$0x3F9B];
	_ =	swait.ge [sflag:s4], $0x0  }
0x19: {  	s7 =	sld [smem:$0x3F9C]  }
0x1a: {  	s8 =	sadd.s32 $0xFFFFE003, lr  }
0x1b: {  	s9 =	sadd.s32 $0xFFFFFEF7, lr;
	s5 =	simm.s32 $0xFFFFFFFF;
	p2 =	slt.u32 s8, $0xFFFFF086  }
0x1c: {  	p1 =	slt.u32 s9, $0xF7A;
	s5 =	simm.s32 @!p2 $0x0  }
0x1d: {  	s5 =	simm.s32 @p1 $0x1;
	p0 =	seq.s32 s7, s2  }
0x1e: {  	s7 =	smul.u32 @!p0 $0xF7A, s2;
	p2 =	seq.s32 @!p0 s5, $0x0  }
0x1f: {  	s9 =	smul.u32 $0xF7A, s1;
	s8 =	simm.s32 @!p0 $0x1BF5;
	p2 =	por !p2, p0  }
0x20: {  	[sflag:s8] =	ssyncset.s32 @!p0 $0xFFFFF086;
	s6 =	sadd.s32 @!p0 s3, s7;
	s7 =	simm.s32 @!p0 $0x108  }
0x21: {  	s3 =	sadd.s32 s3, s9;
	s6 =	sadd.s32 @!p0 $0x88, s6;
	s7 =	simm.s32 @p2 $0x1082  }
0x22: {  	[simem:s7], [sflag:s8] =	dma.local @!p0 [hbm:s6], $0xF7A  }
0x23: {  	s9 =	sor.u32 $0xD0000000, s2;
	s6 =	simm.s32 $0x108;
	_ =	swait.ge @!p0 [sflag:s8], $0x0  }
0x24: {  	s3 =	sadd.s32 $0x88, s3;
	s6 =	simm.s32 @!p1 $0x1082;
	[sflag:s4] =	ssyncset.s32 $0xFFFFF086  }
0x25: {  	[simem:s6], [sflag:s4] =	dma.local [hbm:s3], $0xF7A  }
0x26: {  	[smem:$0x3F9C] =	sst s1;
	(tag) =	ssettag s2;
	_ =	strace s9  }
0x27: {  	s1 =	sld [smem:$0x3FAC]  }
0x28: {  	s2 =	sld [smem:$0x3FAD]  }
0x29: {  	s4 =	sld [smem:$0x3FAF]  }
0x2a: {  	p0 =	seq.s32 s5, $0x0;
	s5 =	sld [smem:$0x3FB0]  }
0x2b: {  	s6 =	sld [smem:$0x3FB1]  }
0x2c: {  	s7 =	sld [smem:$0x3FB2]  }
0x2d: {  	s3 =	simm.s32 $0x108;
	s8 =	sld [smem:$0x3FB3]  }
0x2e: {  	s3 =	simm.s32 @!p0 $0x1082;
	s9 =	sld [smem:$0x3FB4]  }
0x2f: {  	lr =	sadd.s32 s0, s3;
	s0 =	sld [smem:$0x3FAB]  }
0x30: {  	s3 =	sld [smem:$0x3FAE]  }
0x31: {  	[smem:$0x3FB7] =	sst s10  }
0x32: {  	s10 =	sld [smem:$0x3FB5];
	_ =	sdelay $0x3  }
0x33: {  	p0 =	seq.s32 s10, $0x1;
	s10 =	sld [smem:$0x3FB7];
	_ =	sdelay $0x3  }
0x34: {  	[smem:$0x3FB7] =	sst s10  }
0x35: {  	s10 =	sld [smem:$0x3FB6];
	_ =	sdelay $0x3  }
0x36: {  	p1 =	seq.s32 s10, $0x1;
	s10 =	sld [smem:$0x3FB7];
	_ =	sdelay $0x3  }
0x37: {  	[smem:$0x3FB7] =	sst s10  }
0x38: {  	s10 =	sld [smem:$0x3FB8]  }
0x39: {  	_ = 	snop;
	(pc) =	sbr.ind lr, $3  }
0x3a: {  	_ = 	snop  }
0x3b: {  	_ = 	snop  }
0x3c: {  	p2 =	seq.s32 s10, $0x1;
	s10 =	sld [smem:$0x3FB7]  }
0x3d: {  	_ =	shalt  }
0x3e: {  	_ =	shalt  }
0x3f: {  	_ =	shalt  }
0x40: {  	_ =	shalt  }
0x41: {  	_ =	shalt  }
0x42: {  	_ =	shalt  }
0x43: {  	_ =	shalt  }
0x44: {  	_ =	shalt  }
0x45: {  	_ =	shalt  }
0x46: {  	_ =	shalt  }
0x47: {  	_ =	shalt  }
0x48: {  	_ =	shalt  }
0x49: {  	_ =	shalt  }
0x4a: {  	_ =	shalt  }
0x4b: {  	_ =	shalt  }
0x4c: {  	_ =	shalt  }
0x4d: {  	_ =	shalt  }
0x4e: {  	_ =	shalt  }
0x4f: {  	_ =	shalt  }
0x50: {  	_ =	shalt  }
0x51: {  	_ =	shalt  }
0x52: {  	_ =	shalt  }
0x53: {  	_ =	shalt  }
0x54: {  	_ =	shalt  }
0x55: {  	_ =	shalt  }
0x56: {  	_ =	shalt  }
0x57: {  	_ =	shalt  }
0x58: {  	_ =	shalt  }
0x59: {  	_ =	shalt  }
0x5a: {  	_ =	shalt  }
0x5b: {  	_ =	shalt  }
0x5c: {  	_ =	shalt  }
0x5d: {  	_ =	shalt  }
0x5e: {  	_ =	shalt  }
0x5f: {  	_ =	shalt  }
0x60: {  	_ =	shalt  }
0x61: {  	_ =	shalt  }
0x62: {  	_ =	shalt  }
0x63: {  	_ =	shalt  }
0x64: {  	_ =	shalt  }
0x65: {  	_ =	shalt  }
0x66: {  	_ =	shalt  }
0x67: {  	_ =	shalt  }
0x68: {  	_ =	shalt  }
0x69: {  	_ =	shalt  }
0x6a: {  	_ =	shalt  }
0x6b: {  	_ =	shalt  }
0x6c: {  	_ =	shalt  }
0x6d: {  	_ =	shalt  }
0x6e: {  	_ =	shalt  }
0x6f: {  	_ =	shalt  }
0x70: {  	_ =	shalt  }
0x71: {  	_ =	shalt  }
0x72: {  	_ =	shalt  }
0x73: {  	_ =	shalt  }
0x74: {  	_ =	shalt  }
0x75: {  	_ =	shalt  }
0x76: {  	_ =	shalt  }
0x77: {  	_ =	shalt  }
0x78: {  	_ =	shalt  }
0x79: {  	_ =	shalt  }
0x7a: {  	_ =	shalt  }
0x7b: {  	_ =	shalt  }
0x7c: {  	_ =	shalt  }
0x7d: {  	_ =	shalt  }
0x7e: {  	_ =	shalt  }
0x7f: {  	_ =	shalt  }
0x80: {  	_ =	shalt  }
0x81: {  	_ =	shalt  }
0x82: {  	_ =	shalt  }
0x83: {  	_ =	shalt  }
0x84: {  	_ =	shalt  }
0x85: {  	_ =	shalt  }
0x86: {  	_ =	shalt  }
0x87: {  	_ =	shalt  }
.Lfunc_end0:
.L_simem_size_0:
called_computation.1_lowered:
.L_overlay_start_0:
0x88: {  	s2 =	sld [smem:$0x3FD9]  }
0x89: {  	s3 =	sld [smem:$0x3FFE];
	_ =	sdelay $0x1  }
0x8a: {  	s1 =	srdreg.scid  }
0x8b: {  	s0 =	sand.u32 $0x1, s1  }
0x8c: {  	s17 =	sshll.u32 s0, $0xA;
	s2 =	sadd.s32 s3, s2  }
0x8d: {  	s2 =	sadd.s32 s2, s17  }
0x8e: {  	[smem:$0x3FC3] =	sst s2  }
0x8f: {  	_ = 	snop  }
0x90: {  	s2 =	sld [smem:$0x3FD0];
	(tm) =	ssettm $0x1  }
0x91: {  	s18 =	sld [smem:$0x3FFB];
	_ =	sdelay $0x3  }
0x92: {  	_ =	strace s18  }
0x93: {  	s3 =	sld [smem:$0x3FFC];
	_ =	sdelay $0x3  }
0x94: {  	_ =	strace s3  }
0x95: {  	s3 =	sld [smem:$0x3FFD];
	_ =	sdelay $0x3  }
0x96: {  	_ =	strace s3  }
0x97: {  	_ =	strace $0x8FFFFFFF  }
0x98: {  	s19 =	sld [smem:$0x3FDB];
	_ =	sdelay $0x1  }
0x99: {  	s4 =	simm.s32 $_scs_section_size  }
0x9a: {  	s5 =	simm.s32 $_size__tile_overlayer_lowered;
	s6 =	simm.s32 $_tile_overlayer_lowered  }
0x9b: {  	s22 =	simm.s32 $0x1BFF;
	s21 =	sshll.u32 s6, $0x1;
	s3 =	sadd.s32 s4, s19  }
0x9c: {  	s7 =	simm.s32 $0x0;
	s20 =	sshll.u32 s5, $0x1;
	s5 =	sadd.s32 s21, s3  }
0x9d: {  	[timem:s7], [sflag:s22] =	dma.local [hbm:s5], s20  }
0x9e: {  	_ =	swait.ge [sflag:s22], s20  }
0x9f: {  	s4 =	ssub.s32 $0x0, s20;
	[sflag:s22] =	ssyncset.done $0x0  }
0xa0: {  	[sflag:s22] =	ssyncadd.s32 s4;
	_ =	sdelay $0x1  }
0xa1: {  	s23 =	simm.s32 $0x1B8B  }
0xa2: {  	_ =	swait.ge [sflag:s23], $0x1  }
0xa3: {  	[sflag:s23] =	ssyncset.done $0x0  }
0xa4: {  	s25 =	simm.s32 $0x1B8E;
	s24 =	sld [smem:$0x3FFE];
	[sflag:s23] =	ssyncadd.s32 $0xFFFFFFFF  }
0xa5: {  	s26 =	simm.s32 $execute0_lowered;
	[smem:$0x3FD2] =	sst s25  }
0xa6: {  	s5 =	sshll.u32 s26, $0x1;
	_ =	strace $0x80000049;
	[dreg:$0x1] =	wrdreg $0xFFFFFFFF  }
0xa7: {  	s28 =	simm.s32 $_size_execute0_lowered;
	s3 =	sadd.s32 s3, s5;
	[dreg:$0x0] =	wrdreg $0x0  }
0xa8: {  	s5 =	sshll.u32 s28, $0x1;
	[dreg:$0x2] =	wrdreg s3  }
0xa9: {  	[dreg:$0x3] =	wrdreg s5  }
0xaa: {  	[dreg:$0x4] =	wrdreg $0xC0  }
0xab: {  	_ =	task [dreg:s7], $0x5FFFF  }
0xac: {  	[dreg:$0x1] =	wrdreg $0xFFFFFFFF  }
0xad: {  	[dreg:$0x0] =	wrdreg $0x60  }
0xae: {  	[dreg:$0x2] =	wrdreg s24  }
0xaf: {  	[dreg:$0x3] =	wrdreg s2  }
0xb0: {  	[dreg:$0x4] =	wrdreg $0x90000  }
0xb1: {  	[dreg:$0x5] =	wrdreg $0x9  }
0xb2: {  	_ =	task.clear_ibuf [dreg:s7], $0x6FFFF;
	_ =	strace $0x90000049  }
0xb3: {  	s29 =	simm.s32 $0x9;
	_ =	strace $0x8000004B  }
0xb4: {  	_ =	swait.ge [sflag:s29], $0x1  }
0xb5: {  	[sflag:s29] =	ssyncadd.s32 $0xFFFFFFFF  }
0xb6: {  	_ =	strace $0x9000004B  }
0xb7: {  	_ =	sfence  }
0xb8: {  	s30 =	sld [smem:$0x0];
	_ =	sdelay $0x2  }
0xb9: {  	s31 =	sshll.u32 s1, $0xD;
	s1 =	sshrl.u32 s1, $0x2  }
0xba: {  	s3 =	sand.u32 $0x4000, s31;
	s1 =	sadd.s32 s1, s30  }
0xbb: {  	s0 =	sor.u32 s3, s0;
	s1 =	sshll.u32 s1, $0x11  }
0xbc: {  	s0 =	sor.u32 s1, s0  }
0xbd: {  	s0 =	sadd.s32 $0x8F2B, s0  }
0xbe: {  	[sflag:s0] =	ssyncadd.remote.s32 $0x1  }
0xbf: {  	_ =	sfence.sel $0xFFFF  }
0xc0: {  	[dreg:$0x0] =	wrdreg $0xFFFFFFFF;
	(pc) =	sbr.abs _section_cstart, $3  }
0xc1: {  	[dreg:$0x1] =	wrdreg $0xFFFFFFFF  }
0xc2: {  	_ =	task.clear_ibuf [dreg:s7], $0x2FFFF;
	_ =	strace $0x9FFFFFFF  }
0xc3: {  	(tm) =	ssettm $0x7FFFFFFF  }
tec
execute0_lowered:
.L_overlay_start_1:
0x0: {  	(tag) =	ssettag $0x1  }
0x1: {  	s0 =	rddreg [dreg:$0x0]  }
0x2: {  	s1 =	srdreg.scid;
	s5 =	rddreg [dreg:$0x1]  }
0x3: {  	s10 =	stileid.u32;
	s2 =	rddreg [dreg:$0x2];
	s3 =	simm.s32 $0x0  }
0x4: {  	s26 =	simm.s32 $0x100;
	s13 =	simm.s32 $0x900;
	s16 =	simm.s32 $0x200  }
0x5: {  	s28 =	simm.s32 $0x580;
	s29 =	simm.s32 $0xD00;
	s30 =	simm.s32 $0x600  }
0x6: {  	s31 =	simm.s32 $0xD80;
	s1 =	sand.u32 $0x1, s1;
	s6 =	smul.u32 $0x5000, s10  }
0x7: {  	[smem:$0x7FF] =	sst s3;
	s9 =	smul.u32 $0x14000, s10;
	s4 =	sadd.s32 $0x2C00, s0  }
0x8: {  	s18 =	smul.u32 $0x50000, s10;
	s11 =	sadd.s32 $0x2400, s0;
	s10 =	sshll.u32 s10, $0x6  }
0x9: {  	s7 =	smul.u32 $0x2800, s1;
	_ =	strace $0x8000004A;
	[dreg:$0x12] =	wrdreg s11  }
0xa: {  	s8 =	smul.u32 $0x140000, s1;
	s1 =	ssub.s32 $0x2, s1;
	[dreg:$0x6] =	wrdreg s26  }
0xb: {  	s14 =	sor.u32 $0x1C03, s10;
	s10 =	simm.s32 $0x3;
	[dreg:$0x9] =	wrdreg s13  }
0xc: {  	[dreg:$0xa] =	wrdreg s16;
	s16 =	simm.s32 $0x80;
	s26 =	simm.s32 $0xB00  }
0xd: {  	s11 =	simm.s32 $0x780;
	s20 =	sshrl.u32 s18, $0x2;
	[dreg:$0x11] =	wrdreg s26  }
0xe: {  	s21 =	sshrl.u32 s1, $0x1;
	s18 =	simm.s32 $0x980;
	[dreg:$0x13] =	wrdreg s14  }
0xf: {  	s6 =	sadd.s32 s7, s6;
	s17 =	sadd.s32 s9, s8;
	s1 =	ssub.s32 s1, s21  }
0x10: {  	[dreg:$0xb] =	wrdreg s18;
	s6 =	sshrl.u32 s6, $0x3;
	s7 =	sshrl.u32 s17, $0x3  }
0x11: {  	s1 =	smax.u32 s1, $0x1;
	s19 =	sadd.s32 s6, s0;
	s0 =	sadd.s32 s7, s0  }
0x12: {  	s7 =	sadd.s32 s20, s2;
	s5 =	sadd.s32 s6, s5;
	[dreg:$0x15] =	wrdreg s1  }
0x13: {  	s20 =	simm.s32 $0x280;
	s22 =	sadd.s32 $0x4000, s7;
	[dreg:$0x4] =	wrdreg s5  }
0x14: {  	s23 =	sadd.s32 $0x8000, s7;
	s0 =	sadd.s32 $0x5D400, s0;
	[dreg:$0xc] =	wrdreg s20  }
0x15: {  	s12 =	sadd.s32 $0xC000, s7;
	s25 =	sadd.s32 $0x53400, s19;
	[dreg:$0x14] =	wrdreg s0  }
0x16: {  	s24 =	sadd.s32 $0x10000, s7;
	s5 =	simm.s32 $0x880;
	[dreg:$0x5] =	wrdreg s25  }
0x17: {  	s9 =	sshrl.u32 s7, $0x3;
	s7 =	simm.s32 $0x180;
	[dreg:$0x7] =	wrdreg s5  }
0x18: {  	s13 =	simm.s32 $0xF80;
	s26 =	simm.s32 $0xC80;
	[dreg:$0x8] =	wrdreg s7  }
0x19: {  	s18 =	simm.s32 $0x5000;
	s15 =	sshrl.u32 s22, $0x3;
	[dreg:$0x16] =	wrdreg s9  }
0x1a: {  	s8 =	simm.s32 $0xE80;
	s17 =	sshrl.u32 s23, $0x3;
	[dreg:$0x17] =	wrdreg s15  }
0x1b: {  	s1 =	simm.s32 $0x680;
	s19 =	sshrl.u32 s12, $0x3;
	[dreg:$0x18] =	wrdreg s17  }
0x1c: {  	s6 =	simm.s32 $0x0;
	s21 =	sshrl.u32 s24, $0x3;
	[dreg:$0x19] =	wrdreg s19  }
0x1d: {  	s20 =	simm.s32 $0x2;
	s22 =	simm.s32 $0xA00;
	[dreg:$0x1a] =	wrdreg s21  }
0x1e: {  	s23 =	simm.s32 $0x300;
	s24 =	simm.s32 $0xA80;
	[dreg:$0xd] =	wrdreg s22  }
0x1f: {  	s25 =	simm.s32 $0x380;
	s0 =	simm.s32 $0xE00;
	[dreg:$0xe] =	wrdreg s23  }
0x20: {  	s7 =	simm.s32 $0x700;
	s12 =	simm.s32 $0xF00;
	[dreg:$0xf] =	wrdreg s24  }
0x21: {  	s15 =	simm.s32 $0x800;
	s17 =	simm.s32 $0x1000;
	[dreg:$0x10] =	wrdreg s25  }
0x22: {  	s19 =	simm.s32 $0x1;
	s21 =	simm.s32 $0x400;
	s22 =	simm.s32 $0xB80  }
0x23: {  	s23 =	simm.s32 $0x480;
	s24 =	simm.s32 $0xC00;
	s25 =	simm.s32 $0x500  }
.LBB2_1:
0x24: {  	[dreg:$0x1b] =	wrdreg s6  }
0x25: {  	s5 =	rddreg [dreg:$0x12]  }
0x26: {  	[spmem:s9], [sflag:s14] =	dma.local [hbm:s5], $0x800  }
0x27: {  	_ =	swait.ge [sflag:s10], $0x800  }
0x28: {  	[sflag:s10] =	ssyncset.done $0x0  }
0x29: {  	s9 =	rddreg [dreg:$0x17];
	[sflag:s10] =	ssyncadd.s32 $0xFFFFF800  }
0x2a: {  	[spmem:s9], [sflag:s14] =	dma.local [hbm:s5], $0x800  }
0x2b: {  	_ =	swait.ge [sflag:s10], $0x800  }
0x2c: {  	[sflag:s10] =	ssyncset.done $0x0  }
0x2d: {  	s9 =	rddreg [dreg:$0x18];
	[sflag:s10] =	ssyncadd.s32 $0xFFFFF800  }
0x2e: {  	[spmem:s9], [sflag:s14] =	dma.local [hbm:s5], $0x800  }
0x2f: {  	_ =	swait.ge [sflag:s10], $0x800  }
0x30: {  	[sflag:s10] =	ssyncset.done $0x0  }
0x31: {  	s9 =	rddreg [dreg:$0x19];
	[sflag:s10] =	ssyncadd.s32 $0xFFFFF800  }
0x32: {  	[spmem:s9], [sflag:s14] =	dma.local [hbm:s5], $0x800  }
0x33: {  	_ =	swait.ge [sflag:s10], $0x800  }
0x34: {  	[sflag:s10] =	ssyncset.done $0x0  }
0x35: {  	s9 =	rddreg [dreg:$0x1a];
	[sflag:s10] =	ssyncadd.s32 $0xFFFFF800  }
0x36: {  	[spmem:s9], [sflag:s14] =	dma.local [hbm:s5], $0x800  }
0x37: {  	_ =	swait.ge [sflag:s10], $0x800  }
0x38: {  	[sflag:s10] =	ssyncset.done $0x0  }
0x39: {  	[sflag:s10] =	ssyncadd.s32 $0xFFFFF800  }
0x3a: {  	[bflag:$0x0] =	sbarrier.arrive $0xFFFF  }
0x3b: {  	s9 =	rddreg [dreg:$0x5]  }
0x3c: {  	s5 =	sadd.s32 $0x0, s9  }
0x3d: {  	[tilespmem:s3], [sflag:$0x3] =	stream.linear.gather [hbm4b:s5+s3], $0x800, $0x38;
	[tilespmem:$0x1D000] =	vst v63  }
0x3e: {  	_ =	swait.ge [sflag:s10], $0x800  }
0x3f: {  	s14 =	rddreg [dreg:$0x4];
	[sflag:s10] =	ssyncset.done $0x0  }
0x40: {  	[sflag:s10] =	ssyncadd.s32 $0xFFFFF800;
	s5 =	sadd.s32 $0x0, s14  }
0x41: {  	[tilespmem:s15], [sflag:$0x3] =	stream.linear.gather [hbm4b:s5+s3], $0x800, $0x38;
	[tilespmem:$0x1D000] =	vst v63  }
0x42: {  	_ =	swait.ge [sflag:s10], $0x800  }
0x43: {  	[sflag:s10] =	ssyncset.done $0x0  }
0x44: {  	[sflag:s10] =	ssyncadd.s32 $0xFFFFF800  }
0x45: {  	[tilespmem:s17], [sflag:$0x1] =	stream.indirect.gather [hbm4b:s4+s16], $0x80, s3, s16, $0xb8;
	[tilespmem:$0x1D000] =	vst v63  }
0x46: {  	_ = 	snop  }
0x47: {  	[tilespmem:s18], [sflag:$0x2] =	stream.indirect.gather [hbm4b:s4+s16], $0x80, s16, s16, $0xb8;
	[tilespmem:$0x1D000] =	vst v63  }
0x48: {  	_ =	swait.ge [sflag:s19], $0x4000  }
0x49: {  	[sflag:s19] =	ssyncset.done $0x0  }
0x4a: {  	[sflag:s19] =	ssyncadd.s32 $0xFFFFC000  }
0x4b: {  	[spmem:s2] =	stream.indirect.scatter.add.f32 [tilespmem:s17], [sflag:$0x3], $0x80, s15, s16, $0xb8;
	[tilespmem:$0x1D000] =	vst v63  }
0x4c: {  	_ =	swait.ge [sflag:s10], $0x4000  }
0x4d: {  	[sflag:s10] =	ssyncset.done $0x0  }
0x4e: {  	s6 =	rddreg [dreg:$0x6];
	[sflag:s10] =	ssyncadd.s32 $0xFFFFC000  }
0x4f: {  	[tilespmem:s17], [sflag:$0x1] =	stream.indirect.gather [hbm4b:s4+s16], $0x80, s6, s16, $0xb8;
	[tilespmem:$0x1D000] =	vst v63  }
0x50: {  	_ =	swait.ge [sflag:s20], $0x4000  }
0x51: {  	[sflag:s20] =	ssyncset.done $0x0  }
0x52: {  	s9 =	rddreg [dreg:$0x7];
	[sflag:s20] =	ssyncadd.s32 $0xFFFFC000  }
0x53: {  	[spmem:s2] =	stream.indirect.scatter.add.f32 [tilespmem:s18], [sflag:$0x3], $0x80, s9, s16, $0xb8;
	[tilespmem:$0x1D000] =	vst v63  }
0x54: {  	_ =	swait.ge [sflag:s10], $0x4000  }
0x55: {  	[sflag:s10] =	ssyncset.done $0x0  }
0x56: {  	s14 =	rddreg [dreg:$0x8];
	[sflag:s10] =	ssyncadd.s32 $0xFFFFC000  }
0x57: {  	[tilespmem:s18], [sflag:$0x2] =	stream.indirect.gather [hbm4b:s4+s16], $0x80, s14, s16, $0xb8;
	[tilespmem:$0x1D000] =	vst v63  }
0x58: {  	_ =	swait.ge [sflag:s19], $0x4000  }
0x59: {  	[sflag:s19] =	ssyncset.done $0x0  }
0x5a: {  	s6 =	rddreg [dreg:$0x9];
	[sflag:s19] =	ssyncadd.s32 $0xFFFFC000  }
0x5b: {  	[spmem:s2] =	stream.indirect.scatter.add.f32 [tilespmem:s17], [sflag:$0x3], $0x80, s6, s16, $0xb8;
	[tilespmem:$0x1D000] =	vst v63  }
0x5c: {  	_ =	swait.ge [sflag:s10], $0x4000  }
0x5d: {  	[sflag:s10] =	ssyncset.done $0x0  }
0x5e: {  	s9 =	rddreg [dreg:$0xa];
	[sflag:s10] =	ssyncadd.s32 $0xFFFFC000  }
0x5f: {  	[tilespmem:s17], [sflag:$0x1] =	stream.indirect.gather [hbm4b:s4+s16], $0x80, s9, s16, $0xb8;
	[tilespmem:$0x1D000] =	vst v63  }
0x60: {  	_ =	swait.ge [sflag:s20], $0x4000  }
0x61: {  	[sflag:s20] =	ssyncset.done $0x0  }
0x62: {  	s14 =	rddreg [dreg:$0xb];
	[sflag:s20] =	ssyncadd.s32 $0xFFFFC000  }
0x63: {  	[spmem:s2] =	stream.indirect.scatter.add.f32 [tilespmem:s18], [sflag:$0x3], $0x80, s14, s16, $0xb8;
	[tilespmem:$0x1D000] =	vst v63  }
0x64: {  	_ =	swait.ge [sflag:s10], $0x4000  }
0x65: {  	[sflag:s10] =	ssyncset.done $0x0  }
0x66: {  	s6 =	rddreg [dreg:$0xc];
	[sflag:s10] =	ssyncadd.s32 $0xFFFFC000  }
0x67: {  	[tilespmem:s18], [sflag:$0x2] =	stream.indirect.gather [hbm4b:s4+s16], $0x80, s6, s16, $0xb8;
	[tilespmem:$0x1D000] =	vst v63  }
0x68: {  	_ =	swait.ge [sflag:s19], $0x4000  }
0x69: {  	[sflag:s19] =	ssyncset.done $0x0  }
0x6a: {  	s9 =	rddreg [dreg:$0xd];
	[sflag:s19] =	ssyncadd.s32 $0xFFFFC000  }
0x6b: {  	[spmem:s2] =	stream.indirect.scatter.add.f32 [tilespmem:s17], [sflag:$0x3], $0x80, s9, s16, $0xb8;
	[tilespmem:$0x1D000] =	vst v63  }
0x6c: {  	_ =	swait.ge [sflag:s10], $0x4000  }
0x6d: {  	[sflag:s10] =	ssyncset.done $0x0  }
0x6e: {  	s14 =	rddreg [dreg:$0xe];
	[sflag:s10] =	ssyncadd.s32 $0xFFFFC000  }
0x6f: {  	[tilespmem:s17], [sflag:$0x1] =	stream.indirect.gather [hbm4b:s4+s16], $0x80, s14, s16, $0xb8;
	[tilespmem:$0x1D000] =	vst v63  }
0x70: {  	_ =	swait.ge [sflag:s20], $0x4000  }
0x71: {  	[sflag:s20] =	ssyncset.done $0x0  }
0x72: {  	s6 =	rddreg [dreg:$0xf];
	[sflag:s20] =	ssyncadd.s32 $0xFFFFC000  }
0x73: {  	[spmem:s2] =	stream.indirect.scatter.add.f32 [tilespmem:s18], [sflag:$0x3], $0x80, s6, s16, $0xb8;
	[tilespmem:$0x1D000] =	vst v63  }
0x74: {  	_ =	swait.ge [sflag:s10], $0x4000  }
0x75: {  	[sflag:s10] =	ssyncset.done $0x0  }
0x76: {  	s9 =	rddreg [dreg:$0x10];
	[sflag:s10] =	ssyncadd.s32 $0xFFFFC000  }
0x77: {  	[tilespmem:s18], [sflag:$0x2] =	stream.indirect.gather [hbm4b:s4+s16], $0x80, s9, s16, $0xb8;
	[tilespmem:$0x1D000] =	vst v63  }
0x78: {  	_ =	swait.ge [sflag:s19], $0x4000  }
0x79: {  	[sflag:s19] =	ssyncset.done $0x0  }
0x7a: {  	s14 =	rddreg [dreg:$0x11];
	[sflag:s19] =	ssyncadd.s32 $0xFFFFC000  }
0x7b: {  	[spmem:s2] =	stream.indirect.scatter.add.f32 [tilespmem:s17], [sflag:$0x3], $0x80, s14, s16, $0xb8;
	[tilespmem:$0x1D000] =	vst v63  }
0x7c: {  	_ =	swait.ge [sflag:s10], $0x4000  }
0x7d: {  	[sflag:s10] =	ssyncset.done $0x0  }
0x7e: {  	[sflag:s10] =	ssyncadd.s32 $0xFFFFC000  }
0x7f: {  	[tilespmem:s17], [sflag:$0x1] =	stream.indirect.gather [hbm4b:s4+s16], $0x80, s21, s16, $0xb8;
	[tilespmem:$0x1D000] =	vst v63  }
0x80: {  	_ =	swait.ge [sflag:s20], $0x4000  }
0x81: {  	[sflag:s20] =	ssyncset.done $0x0  }
0x82: {  	[sflag:s20] =	ssyncadd.s32 $0xFFFFC000  }
0x83: {  	[spmem:s2] =	stream.indirect.scatter.add.f32 [tilespmem:s18], [sflag:$0x3], $0x80, s22, s16, $0xb8;
	[tilespmem:$0x1D000] =	vst v63  }
0x84: {  	_ =	swait.ge [sflag:s10], $0x4000  }
0x85: {  	[sflag:s10] =	ssyncset.done $0x0  }
0x86: {  	[sflag:s10] =	ssyncadd.s32 $0xFFFFC000  }
0x87: {  	[tilespmem:s18], [sflag:$0x2] =	stream.indirect.gather [hbm4b:s4+s16], $0x80, s23, s16, $0xb8;
	[tilespmem:$0x1D000] =	vst v63  }
0x88: {  	_ =	swait.ge [sflag:s19], $0x4000  }
0x89: {  	[sflag:s19] =	ssyncset.done $0x0  }
0x8a: {  	[sflag:s19] =	ssyncadd.s32 $0xFFFFC000  }
0x8b: {  	[spmem:s2] =	stream.indirect.scatter.add.f32 [tilespmem:s17], [sflag:$0x3], $0x80, s24, s16, $0xb8;
	[tilespmem:$0x1D000] =	vst v63  }
0x8c: {  	_ =	swait.ge [sflag:s10], $0x4000  }
0x8d: {  	[sflag:s10] =	ssyncset.done $0x0  }
0x8e: {  	[sflag:s10] =	ssyncadd.s32 $0xFFFFC000  }
0x8f: {  	[tilespmem:s17], [sflag:$0x1] =	stream.indirect.gather [hbm4b:s4+s16], $0x80, s25, s16, $0xb8;
	[tilespmem:$0x1D000] =	vst v63  }
0x90: {  	_ =	swait.ge [sflag:s20], $0x4000  }
0x91: {  	[sflag:s20] =	ssyncset.done $0x0  }
0x92: {  	[sflag:s20] =	ssyncadd.s32 $0xFFFFC000  }
0x93: {  	[spmem:s2] =	stream.indirect.scatter.add.f32 [tilespmem:s18], [sflag:$0x3], $0x80, s26, s16, $0xb8;
	[tilespmem:$0x1D000] =	vst v63  }
0x94: {  	_ =	swait.ge [sflag:s10], $0x4000  }
0x95: {  	[sflag:s10] =	ssyncset.done $0x0  }
0x96: {  	[sflag:s10] =	ssyncadd.s32 $0xFFFFC000  }
0x97: {  	[tilespmem:s18], [sflag:$0x2] =	stream.indirect.gather [hbm4b:s4+s16], $0x80, s28, s16, $0xb8;
	[tilespmem:$0x1D000] =	vst v63  }
0x98: {  	_ =	swait.ge [sflag:s19], $0x4000  }
0x99: {  	[sflag:s19] =	ssyncset.done $0x0  }
0x9a: {  	[sflag:s19] =	ssyncadd.s32 $0xFFFFC000  }
0x9b: {  	[spmem:s2] =	stream.indirect.scatter.add.f32 [tilespmem:s17], [sflag:$0x3], $0x80, s29, s16, $0xb8;
	[tilespmem:$0x1D000] =	vst v63  }
0x9c: {  	_ =	swait.ge [sflag:s10], $0x4000  }
0x9d: {  	[sflag:s10] =	ssyncset.done $0x0  }
0x9e: {  	[sflag:s10] =	ssyncadd.s32 $0xFFFFC000  }
0x9f: {  	[tilespmem:s17], [sflag:$0x1] =	stream.indirect.gather [hbm4b:s4+s16], $0x80, s30, s16, $0xb8;
	[tilespmem:$0x1D000] =	vst v63  }
0xa0: {  	_ =	swait.ge [sflag:s20], $0x4000  }
0xa1: {  	[sflag:s20] =	ssyncset.done $0x0  }
0xa2: {  	[sflag:s20] =	ssyncadd.s32 $0xFFFFC000  }
0xa3: {  	[spmem:s2] =	stream.indirect.scatter.add.f32 [tilespmem:s18], [sflag:$0x3], $0x80, s31, s16, $0xb8;
	[tilespmem:$0x1D000] =	vst v63  }
0xa4: {  	_ =	swait.ge [sflag:s10], $0x4000  }
0xa5: {  	[sflag:s10] =	ssyncset.done $0x0  }
0xa6: {  	[sflag:s10] =	ssyncadd.s32 $0xFFFFC000  }
0xa7: {  	[tilespmem:s18], [sflag:$0x2] =	stream.indirect.gather [hbm4b:s4+s16], $0x80, s1, s16, $0xb8;
	[tilespmem:$0x1D000] =	vst v63  }
0xa8: {  	_ =	swait.ge [sflag:s19], $0x4000  }
0xa9: {  	[sflag:s19] =	ssyncset.done $0x0  }
0xaa: {  	[sflag:s19] =	ssyncadd.s32 $0xFFFFC000  }
0xab: {  	[spmem:s2] =	stream.indirect.scatter.add.f32 [tilespmem:s17], [sflag:$0x3], $0x80, s0, s16, $0xb8;
	[tilespmem:$0x1D000] =	vst v63  }
0xac: {  	_ =	swait.ge [sflag:s10], $0x4000  }
0xad: {  	[sflag:s10] =	ssyncset.done $0x0  }
0xae: {  	[sflag:s10] =	ssyncadd.s32 $0xFFFFC000  }
0xaf: {  	[tilespmem:s17], [sflag:$0x1] =	stream.indirect.gather [hbm4b:s4+s16], $0x80, s7, s16, $0xb8;
	[tilespmem:$0x1D000] =	vst v63  }
0xb0: {  	_ =	swait.ge [sflag:s20], $0x4000  }
0xb1: {  	[sflag:s20] =	ssyncset.done $0x0  }
0xb2: {  	[sflag:s20] =	ssyncadd.s32 $0xFFFFC000  }
0xb3: {  	[spmem:s2] =	stream.indirect.scatter.add.f32 [tilespmem:s18], [sflag:$0x3], $0x80, s8, s16, $0xb8;
	[tilespmem:$0x1D000] =	vst v63  }
0xb4: {  	_ =	swait.ge [sflag:s10], $0x4000  }
0xb5: {  	[sflag:s10] =	ssyncset.done $0x0  }
0xb6: {  	[sflag:s10] =	ssyncadd.s32 $0xFFFFC000  }
0xb7: {  	[tilespmem:s18], [sflag:$0x2] =	stream.indirect.gather [hbm4b:s4+s16], $0x80, s11, s16, $0xb8;
	[tilespmem:$0x1D000] =	vst v63  }
0xb8: {  	_ =	swait.ge [sflag:s19], $0x4000  }
0xb9: {  	[sflag:s19] =	ssyncset.done $0x0  }
0xba: {  	[sflag:s19] =	ssyncadd.s32 $0xFFFFC000  }
0xbb: {  	[spmem:s2] =	stream.indirect.scatter.add.f32 [tilespmem:s17], [sflag:$0x3], $0x80, s12, s16, $0xb8;
	[tilespmem:$0x1D000] =	vst v63  }
0xbc: {  	_ =	swait.ge [sflag:s10], $0x4000  }
0xbd: {  	[sflag:s10] =	ssyncset.done $0x0  }
0xbe: {  	[sflag:s10] =	ssyncadd.s32 $0xFFFFC000  }
0xbf: {  	_ =	swait.ge [sflag:s20], $0x4000  }
0xc0: {  	[sflag:s20] =	ssyncset.done $0x0  }
0xc1: {  	[sflag:s20] =	ssyncadd.s32 $0xFFFFC000  }
0xc2: {  	[spmem:s2] =	stream.indirect.scatter.add.f32 [tilespmem:s18], [sflag:$0x3], $0x80, s13, s16, $0xb8;
	[tilespmem:$0x1D000] =	vst v63  }
0xc3: {  	s5 =	simm.s32 $0x200;
	_ =	swait.ge [sflag:s10], $0x4000  }
0xc4: {  	s9 =	simm.s32 $0x100;
	s6 =	rddreg [dreg:$0x5];
	[sflag:s10] =	ssyncset.done $0x0  }
.LBB2_2:
0xc5: {  	[sflag:s10] =	ssyncadd.s32 $0xFFFFC000;
	s6 =	sadd.s32 s9, s6  }
0xc6: {  	[tilespmem:s3], [sflag:$0x3] =	stream.linear.gather [hbm4b:s6+s3], $0x800, $0x38;
	[tilespmem:$0x1D000] =	vst v63  }
0xc7: {  	_ =	swait.ge [sflag:s10], $0x800  }
0xc8: {  	s6 =	rddreg [dreg:$0x4];
	[sflag:s10] =	ssyncset.done $0x0  }
0xc9: {  	[sflag:s10] =	ssyncadd.s32 $0xFFFFF800;
	s6 =	sadd.s32 s9, s6  }
0xca: {  	[tilespmem:s15], [sflag:$0x3] =	stream.linear.gather [hbm4b:s6+s3], $0x800, $0x38;
	[tilespmem:$0x1D000] =	vst v63  }
0xcb: {  	_ =	swait.ge [sflag:s10], $0x800  }
0xcc: {  	[sflag:s10] =	ssyncset.done $0x0  }
0xcd: {  	[sflag:s10] =	ssyncadd.s32 $0xFFFFF800  }
0xce: {  	[tilespmem:s17], [sflag:$0x1] =	stream.indirect.gather [hbm4b:s4+s16], $0x80, s3, s16, $0xb8;
	[tilespmem:$0x1D000] =	vst v63  }
0xcf: {  	_ = 	snop  }
0xd0: {  	[tilespmem:s18], [sflag:$0x2] =	stream.indirect.gather [hbm4b:s4+s16], $0x80, s16, s16, $0xb8;
	[tilespmem:$0x1D000] =	vst v63  }
0xd1: {  	_ =	swait.ge [sflag:s19], $0x4000  }
0xd2: {  	[sflag:s19] =	ssyncset.done $0x0  }
0xd3: {  	[sflag:s19] =	ssyncadd.s32 $0xFFFFC000  }
0xd4: {  	[spmem:s2] =	stream.indirect.scatter.add.f32 [tilespmem:s17], [sflag:$0x3], $0x80, s15, s16, $0xb8;
	[tilespmem:$0x1D000] =	vst v63  }
0xd5: {  	_ =	swait.ge [sflag:s10], $0x4000  }
0xd6: {  	s14 =	smov.u32 s5;
	[sflag:s10] =	ssyncset.done $0x0  }
0xd7: {  	s9 =	smov.u32 s14;
	s14 =	rddreg [dreg:$0x6];
	[sflag:s10] =	ssyncadd.s32 $0xFFFFC000  }
0xd8: {  	[tilespmem:s17], [sflag:$0x1] =	stream.indirect.gather [hbm4b:s4+s16], $0x80, s14, s16, $0xb8;
	[tilespmem:$0x1D000] =	vst v63  }
0xd9: {  	_ =	swait.ge [sflag:s20], $0x4000  }
0xda: {  	[sflag:s20] =	ssyncset.done $0x0  }
0xdb: {  	s14 =	rddreg [dreg:$0x7];
	[sflag:s20] =	ssyncadd.s32 $0xFFFFC000  }
0xdc: {  	[spmem:s2] =	stream.indirect.scatter.add.f32 [tilespmem:s18], [sflag:$0x3], $0x80, s14, s16, $0xb8;
	[tilespmem:$0x1D000] =	vst v63  }
0xdd: {  	_ =	swait.ge [sflag:s10], $0x4000  }
0xde: {  	[sflag:s10] =	ssyncset.done $0x0  }
0xdf: {  	s14 =	rddreg [dreg:$0x8];
	[sflag:s10] =	ssyncadd.s32 $0xFFFFC000  }
0xe0: {  	[tilespmem:s18], [sflag:$0x2] =	stream.indirect.gather [hbm4b:s4+s16], $0x80, s14, s16, $0xb8;
	[tilespmem:$0x1D000] =	vst v63  }
0xe1: {  	_ =	swait.ge [sflag:s19], $0x4000  }
0xe2: {  	[sflag:s19] =	ssyncset.done $0x0  }
0xe3: {  	s14 =	rddreg [dreg:$0x9];
	[sflag:s19] =	ssyncadd.s32 $0xFFFFC000  }
0xe4: {  	[spmem:s2] =	stream.indirect.scatter.add.f32 [tilespmem:s17], [sflag:$0x3], $0x80, s14, s16, $0xb8;
	[tilespmem:$0x1D000] =	vst v63  }
0xe5: {  	_ =	swait.ge [sflag:s10], $0x4000  }
0xe6: {  	[sflag:s10] =	ssyncset.done $0x0  }
0xe7: {  	s14 =	rddreg [dreg:$0xa];
	[sflag:s10] =	ssyncadd.s32 $0xFFFFC000  }
0xe8: {  	[tilespmem:s17], [sflag:$0x1] =	stream.indirect.gather [hbm4b:s4+s16], $0x80, s14, s16, $0xb8;
	[tilespmem:$0x1D000] =	vst v63  }
0xe9: {  	_ =	swait.ge [sflag:s20], $0x4000  }
0xea: {  	[sflag:s20] =	ssyncset.done $0x0  }
0xeb: {  	s14 =	rddreg [dreg:$0xb];
	[sflag:s20] =	ssyncadd.s32 $0xFFFFC000  }
0xec: {  	[spmem:s2] =	stream.indirect.scatter.add.f32 [tilespmem:s18], [sflag:$0x3], $0x80, s14, s16, $0xb8;
	[tilespmem:$0x1D000] =	vst v63  }
0xed: {  	_ =	swait.ge [sflag:s10], $0x4000  }
0xee: {  	[sflag:s10] =	ssyncset.done $0x0  }
0xef: {  	s14 =	rddreg [dreg:$0xc];
	[sflag:s10] =	ssyncadd.s32 $0xFFFFC000  }
0xf0: {  	[tilespmem:s18], [sflag:$0x2] =	stream.indirect.gather [hbm4b:s4+s16], $0x80, s14, s16, $0xb8;
	[tilespmem:$0x1D000] =	vst v63  }
0xf1: {  	_ =	swait.ge [sflag:s19], $0x4000  }
0xf2: {  	[sflag:s19] =	ssyncset.done $0x0  }
0xf3: {  	s14 =	rddreg [dreg:$0xd];
	[sflag:s19] =	ssyncadd.s32 $0xFFFFC000  }
0xf4: {  	[spmem:s2] =	stream.indirect.scatter.add.f32 [tilespmem:s17], [sflag:$0x3], $0x80, s14, s16, $0xb8;
	[tilespmem:$0x1D000] =	vst v63  }
0xf5: {  	_ =	swait.ge [sflag:s10], $0x4000  }
0xf6: {  	[sflag:s10] =	ssyncset.done $0x0  }
0xf7: {  	s14 =	rddreg [dreg:$0xe];
	[sflag:s10] =	ssyncadd.s32 $0xFFFFC000  }
0xf8: {  	[tilespmem:s17], [sflag:$0x1] =	stream.indirect.gather [hbm4b:s4+s16], $0x80, s14, s16, $0xb8;
	[tilespmem:$0x1D000] =	vst v63  }
0xf9: {  	_ =	swait.ge [sflag:s20], $0x4000  }
0xfa: {  	[sflag:s20] =	ssyncset.done $0x0  }
0xfb: {  	s14 =	rddreg [dreg:$0xf];
	[sflag:s20] =	ssyncadd.s32 $0xFFFFC000  }
0xfc: {  	[spmem:s2] =	stream.indirect.scatter.add.f32 [tilespmem:s18], [sflag:$0x3], $0x80, s14, s16, $0xb8;
	[tilespmem:$0x1D000] =	vst v63  }
0xfd: {  	_ =	swait.ge [sflag:s10], $0x4000  }
0xfe: {  	[sflag:s10] =	ssyncset.done $0x0  }
0xff: {  	s14 =	rddreg [dreg:$0x10];
	[sflag:s10] =	ssyncadd.s32 $0xFFFFC000  }
0x100: {  	[tilespmem:s18], [sflag:$0x2] =	stream.indirect.gather [hbm4b:s4+s16], $0x80, s14, s16, $0xb8;
	[tilespmem:$0x1D000] =	vst v63  }
0x101: {  	_ =	swait.ge [sflag:s19], $0x4000  }
0x102: {  	[sflag:s19] =	ssyncset.done $0x0  }
0x103: {  	s14 =	rddreg [dreg:$0x11];
	[sflag:s19] =	ssyncadd.s32 $0xFFFFC000  }
0x104: {  	[spmem:s2] =	stream.indirect.scatter.add.f32 [tilespmem:s17], [sflag:$0x3], $0x80, s14, s16, $0xb8;
	[tilespmem:$0x1D000] =	vst v63  }
0x105: {  	_ =	swait.ge [sflag:s10], $0x4000  }
0x106: {  	[sflag:s10] =	ssyncset.done $0x0  }
0x107: {  	[sflag:s10] =	ssyncadd.s32 $0xFFFFC000  }
0x108: {  	[tilespmem:s17], [sflag:$0x1] =	stream.indirect.gather [hbm4b:s4+s16], $0x80, s21, s16, $0xb8;
	[tilespmem:$0x1D000] =	vst v63  }
0x109: {  	_ =	swait.ge [sflag:s20], $0x4000  }
0x10a: {  	[sflag:s20] =	ssyncset.done $0x0  }
0x10b: {  	[sflag:s20] =	ssyncadd.s32 $0xFFFFC000  }
0x10c: {  	[spmem:s2] =	stream.indirect.scatter.add.f32 [tilespmem:s18], [sflag:$0x3], $0x80, s22, s16, $0xb8;
	[tilespmem:$0x1D000] =	vst v63  }
0x10d: {  	_ =	swait.ge [sflag:s10], $0x4000  }
0x10e: {  	[sflag:s10] =	ssyncset.done $0x0  }
0x10f: {  	[sflag:s10] =	ssyncadd.s32 $0xFFFFC000  }
0x110: {  	[tilespmem:s18], [sflag:$0x2] =	stream.indirect.gather [hbm4b:s4+s16], $0x80, s23, s16, $0xb8;
	[tilespmem:$0x1D000] =	vst v63  }
0x111: {  	_ =	swait.ge [sflag:s19], $0x4000  }
0x112: {  	[sflag:s19] =	ssyncset.done $0x0  }
0x113: {  	[sflag:s19] =	ssyncadd.s32 $0xFFFFC000  }
0x114: {  	[spmem:s2] =	stream.indirect.scatter.add.f32 [tilespmem:s17], [sflag:$0x3], $0x80, s24, s16, $0xb8;
	[tilespmem:$0x1D000] =	vst v63  }
0x115: {  	_ =	swait.ge [sflag:s10], $0x4000  }
0x116: {  	[sflag:s10] =	ssyncset.done $0x0  }
0x117: {  	[sflag:s10] =	ssyncadd.s32 $0xFFFFC000  }
0x118: {  	[tilespmem:s17], [sflag:$0x1] =	stream.indirect.gather [hbm4b:s4+s16], $0x80, s25, s16, $0xb8;
	[tilespmem:$0x1D000] =	vst v63  }
0x119: {  	_ =	swait.ge [sflag:s20], $0x4000  }
0x11a: {  	[sflag:s20] =	ssyncset.done $0x0  }
0x11b: {  	[sflag:s20] =	ssyncadd.s32 $0xFFFFC000  }
0x11c: {  	[spmem:s2] =	stream.indirect.scatter.add.f32 [tilespmem:s18], [sflag:$0x3], $0x80, s26, s16, $0xb8;
	[tilespmem:$0x1D000] =	vst v63  }
0x11d: {  	_ =	swait.ge [sflag:s10], $0x4000  }
0x11e: {  	[sflag:s10] =	ssyncset.done $0x0  }
0x11f: {  	[sflag:s10] =	ssyncadd.s32 $0xFFFFC000  }
0x120: {  	[tilespmem:s18], [sflag:$0x2] =	stream.indirect.gather [hbm4b:s4+s16], $0x80, s28, s16, $0xb8;
	[tilespmem:$0x1D000] =	vst v63  }
0x121: {  	_ =	swait.ge [sflag:s19], $0x4000  }
0x122: {  	[sflag:s19] =	ssyncset.done $0x0  }
0x123: {  	[sflag:s19] =	ssyncadd.s32 $0xFFFFC000  }
0x124: {  	[spmem:s2] =	stream.indirect.scatter.add.f32 [tilespmem:s17], [sflag:$0x3], $0x80, s29, s16, $0xb8;
	[tilespmem:$0x1D000] =	vst v63  }
0x125: {  	_ =	swait.ge [sflag:s10], $0x4000  }
0x126: {  	[sflag:s10] =	ssyncset.done $0x0  }
0x127: {  	[sflag:s10] =	ssyncadd.s32 $0xFFFFC000  }
0x128: {  	[tilespmem:s17], [sflag:$0x1] =	stream.indirect.gather [hbm4b:s4+s16], $0x80, s30, s16, $0xb8;
	[tilespmem:$0x1D000] =	vst v63  }
0x129: {  	_ =	swait.ge [sflag:s20], $0x4000  }
0x12a: {  	[sflag:s20] =	ssyncset.done $0x0  }
0x12b: {  	[sflag:s20] =	ssyncadd.s32 $0xFFFFC000  }
0x12c: {  	[spmem:s2] =	stream.indirect.scatter.add.f32 [tilespmem:s18], [sflag:$0x3], $0x80, s31, s16, $0xb8;
	[tilespmem:$0x1D000] =	vst v63  }
0x12d: {  	_ =	swait.ge [sflag:s10], $0x4000  }
0x12e: {  	[sflag:s10] =	ssyncset.done $0x0  }
0x12f: {  	[sflag:s10] =	ssyncadd.s32 $0xFFFFC000  }
0x130: {  	[tilespmem:s18], [sflag:$0x2] =	stream.indirect.gather [hbm4b:s4+s16], $0x80, s1, s16, $0xb8;
	[tilespmem:$0x1D000] =	vst v63  }
0x131: {  	_ =	swait.ge [sflag:s19], $0x4000  }
0x132: {  	[sflag:s19] =	ssyncset.done $0x0  }
0x133: {  	[sflag:s19] =	ssyncadd.s32 $0xFFFFC000  }
0x134: {  	[spmem:s2] =	stream.indirect.scatter.add.f32 [tilespmem:s17], [sflag:$0x3], $0x80, s0, s16, $0xb8;
	[tilespmem:$0x1D000] =	vst v63  }
0x135: {  	_ =	swait.ge [sflag:s10], $0x4000  }
0x136: {  	[sflag:s10] =	ssyncset.done $0x0  }
0x137: {  	[sflag:s10] =	ssyncadd.s32 $0xFFFFC000  }
0x138: {  	[tilespmem:s17], [sflag:$0x1] =	stream.indirect.gather [hbm4b:s4+s16], $0x80, s7, s16, $0xb8;
	[tilespmem:$0x1D000] =	vst v63  }
0x139: {  	_ =	swait.ge [sflag:s20], $0x4000  }
0x13a: {  	[sflag:s20] =	ssyncset.done $0x0  }
0x13b: {  	[sflag:s20] =	ssyncadd.s32 $0xFFFFC000  }
0x13c: {  	[spmem:s2] =	stream.indirect.scatter.add.f32 [tilespmem:s18], [sflag:$0x3], $0x80, s8, s16, $0xb8;
	[tilespmem:$0x1D000] =	vst v63  }
0x13d: {  	_ =	swait.ge [sflag:s10], $0x4000  }
0x13e: {  	[sflag:s10] =	ssyncset.done $0x0  }
0x13f: {  	[sflag:s10] =	ssyncadd.s32 $0xFFFFC000  }
0x140: {  	[tilespmem:s18], [sflag:$0x2] =	stream.indirect.gather [hbm4b:s4+s16], $0x80, s11, s16, $0xb8;
	[tilespmem:$0x1D000] =	vst v63  }
0x141: {  	_ =	swait.ge [sflag:s19], $0x4000  }
0x142: {  	[sflag:s19] =	ssyncset.done $0x0  }
0x143: {  	[sflag:s19] =	ssyncadd.s32 $0xFFFFC000  }
0x144: {  	[spmem:s2] =	stream.indirect.scatter.add.f32 [tilespmem:s17], [sflag:$0x3], $0x80, s12, s16, $0xb8;
	[tilespmem:$0x1D000] =	vst v63  }
0x145: {  	_ =	swait.ge [sflag:s10], $0x4000  }
0x146: {  	[sflag:s10] =	ssyncset.done $0x0  }
0x147: {  	[sflag:s10] =	ssyncadd.s32 $0xFFFFC000  }
0x148: {  	p0 =	sne.s32 s5, $0x400;
	_ =	swait.ge [sflag:s20], $0x4000  }
.Ltmp0:
0x149: {  	[sflag:s20] =	ssyncset.done $0x0;
	(pc) =	sbr.rel @p0 .LBB2_2-.Ltmp0, $4  }
0x14a: {  	[sflag:s20] =	ssyncadd.s32 $0xFFFFC000  }
0x14b: {  	[spmem:s2] =	stream.indirect.scatter.add.f32 [tilespmem:s18], [sflag:$0x3], $0x80, s13, s16, $0xb8;
	[tilespmem:$0x1D000] =	vst v63  }
0x14c: {  	_ =	swait.ge [sflag:s10], $0x4000  }
0x14d: {  	s5 =	sadd.s32 $0x100, s5;
	s6 =	rddreg [dreg:$0x5];
	[sflag:s10] =	ssyncset.done $0x0  }
0x14e: {  	[sflag:s10] =	ssyncadd.s32 $0xFFFFC000;
	s5 =	sadd.s32 s9, s6  }
0x14f: {  	[tilespmem:s3], [sflag:$0x3] =	stream.linear.gather [hbm4b:s5+s3], $0x800, $0x38;
	[tilespmem:$0x1D000] =	vst v63  }
0x150: {  	_ =	swait.ge [sflag:s10], $0x800  }
0x151: {  	s14 =	rddreg [dreg:$0x4];
	[sflag:s10] =	ssyncset.done $0x0  }
0x152: {  	s5 =	sadd.s32 s9, s14;
	[sflag:s10] =	ssyncadd.s32 $0xFFFFF800  }
0x153: {  	[tilespmem:s15], [sflag:$0x3] =	stream.linear.gather [hbm4b:s5+s3], $0x800, $0x38;
	[tilespmem:$0x1D000] =	vst v63  }
0x154: {  	_ =	swait.ge [sflag:s10], $0x800  }
0x155: {  	[sflag:s10] =	ssyncset.done $0x0  }
0x156: {  	[sflag:s10] =	ssyncadd.s32 $0xFFFFF800  }
0x157: {  	[tilespmem:s17], [sflag:$0x1] =	stream.indirect.gather [hbm4b:s4+s16], $0x80, s3, s16, $0xb8;
	[tilespmem:$0x1D000] =	vst v63  }
0x158: {  	_ = 	snop  }
0x159: {  	[tilespmem:s18], [sflag:$0x2] =	stream.indirect.gather [hbm4b:s4+s16], $0x80, s16, s16, $0xb8;
	[tilespmem:$0x1D000] =	vst v63  }
0x15a: {  	_ =	swait.ge [sflag:s19], $0x4000  }
0x15b: {  	[sflag:s19] =	ssyncset.done $0x0  }
0x15c: {  	[sflag:s19] =	ssyncadd.s32 $0xFFFFC000  }
0x15d: {  	[spmem:s2] =	stream.indirect.scatter.add.f32 [tilespmem:s17], [sflag:$0x3], $0x80, s15, s16, $0xb8;
	[tilespmem:$0x1D000] =	vst v63  }
0x15e: {  	_ =	swait.ge [sflag:s10], $0x4000  }
0x15f: {  	[sflag:s10] =	ssyncset.done $0x0  }
0x160: {  	s6 =	rddreg [dreg:$0x6];
	[sflag:s10] =	ssyncadd.s32 $0xFFFFC000  }
0x161: {  	[tilespmem:s17], [sflag:$0x1] =	stream.indirect.gather [hbm4b:s4+s16], $0x80, s6, s16, $0xb8;
	[tilespmem:$0x1D000] =	vst v63  }
0x162: {  	_ =	swait.ge [sflag:s20], $0x4000  }
0x163: {  	[sflag:s20] =	ssyncset.done $0x0  }
0x164: {  	s9 =	rddreg [dreg:$0x7];
	[sflag:s20] =	ssyncadd.s32 $0xFFFFC000  }
0x165: {  	[spmem:s2] =	stream.indirect.scatter.add.f32 [tilespmem:s18], [sflag:$0x3], $0x80, s9, s16, $0xb8;
	[tilespmem:$0x1D000] =	vst v63  }
0x166: {  	_ =	swait.ge [sflag:s10], $0x4000  }
0x167: {  	[sflag:s10] =	ssyncset.done $0x0  }
0x168: {  	s14 =	rddreg [dreg:$0x8];
	[sflag:s10] =	ssyncadd.s32 $0xFFFFC000  }
0x169: {  	[tilespmem:s18], [sflag:$0x2] =	stream.indirect.gather [hbm4b:s4+s16], $0x80, s14, s16, $0xb8;
	[tilespmem:$0x1D000] =	vst v63  }
0x16a: {  	_ =	swait.ge [sflag:s19], $0x4000  }
0x16b: {  	[sflag:s19] =	ssyncset.done $0x0  }
0x16c: {  	s6 =	rddreg [dreg:$0x9];
	[sflag:s19] =	ssyncadd.s32 $0xFFFFC000  }
0x16d: {  	[spmem:s2] =	stream.indirect.scatter.add.f32 [tilespmem:s17], [sflag:$0x3], $0x80, s6, s16, $0xb8;
	[tilespmem:$0x1D000] =	vst v63  }
0x16e: {  	_ =	swait.ge [sflag:s10], $0x4000  }
0x16f: {  	[sflag:s10] =	ssyncset.done $0x0  }
0x170: {  	s9 =	rddreg [dreg:$0xa];
	[sflag:s10] =	ssyncadd.s32 $0xFFFFC000  }
0x171: {  	[tilespmem:s17], [sflag:$0x1] =	stream.indirect.gather [hbm4b:s4+s16], $0x80, s9, s16, $0xb8;
	[tilespmem:$0x1D000] =	vst v63  }
0x172: {  	_ =	swait.ge [sflag:s20], $0x4000  }
0x173: {  	[sflag:s20] =	ssyncset.done $0x0  }
0x174: {  	s14 =	rddreg [dreg:$0xb];
	[sflag:s20] =	ssyncadd.s32 $0xFFFFC000  }
0x175: {  	[spmem:s2] =	stream.indirect.scatter.add.f32 [tilespmem:s18], [sflag:$0x3], $0x80, s14, s16, $0xb8;
	[tilespmem:$0x1D000] =	vst v63  }
0x176: {  	_ =	swait.ge [sflag:s10], $0x4000  }
0x177: {  	[sflag:s10] =	ssyncset.done $0x0  }
0x178: {  	s6 =	rddreg [dreg:$0xc];
	[sflag:s10] =	ssyncadd.s32 $0xFFFFC000  }
0x179: {  	[tilespmem:s18], [sflag:$0x2] =	stream.indirect.gather [hbm4b:s4+s16], $0x80, s6, s16, $0xb8;
	[tilespmem:$0x1D000] =	vst v63  }
0x17a: {  	_ =	swait.ge [sflag:s19], $0x4000  }
0x17b: {  	[sflag:s19] =	ssyncset.done $0x0  }
0x17c: {  	s9 =	rddreg [dreg:$0xd];
	[sflag:s19] =	ssyncadd.s32 $0xFFFFC000  }
0x17d: {  	[spmem:s2] =	stream.indirect.scatter.add.f32 [tilespmem:s17], [sflag:$0x3], $0x80, s9, s16, $0xb8;
	[tilespmem:$0x1D000] =	vst v63  }
0x17e: {  	_ =	swait.ge [sflag:s10], $0x4000  }
0x17f: {  	[sflag:s10] =	ssyncset.done $0x0  }
0x180: {  	s14 =	rddreg [dreg:$0xe];
	[sflag:s10] =	ssyncadd.s32 $0xFFFFC000  }
0x181: {  	[tilespmem:s17], [sflag:$0x1] =	stream.indirect.gather [hbm4b:s4+s16], $0x80, s14, s16, $0xb8;
	[tilespmem:$0x1D000] =	vst v63  }
0x182: {  	_ =	swait.ge [sflag:s20], $0x4000  }
0x183: {  	[sflag:s20] =	ssyncset.done $0x0  }
0x184: {  	s6 =	rddreg [dreg:$0xf];
	[sflag:s20] =	ssyncadd.s32 $0xFFFFC000  }
0x185: {  	[spmem:s2] =	stream.indirect.scatter.add.f32 [tilespmem:s18], [sflag:$0x3], $0x80, s6, s16, $0xb8;
	[tilespmem:$0x1D000] =	vst v63  }
0x186: {  	_ =	swait.ge [sflag:s10], $0x4000  }
0x187: {  	[sflag:s10] =	ssyncset.done $0x0  }
0x188: {  	s9 =	rddreg [dreg:$0x10];
	[sflag:s10] =	ssyncadd.s32 $0xFFFFC000  }
0x189: {  	[tilespmem:s18], [sflag:$0x2] =	stream.indirect.gather [hbm4b:s4+s16], $0x80, s9, s16, $0xb8;
	[tilespmem:$0x1D000] =	vst v63  }
0x18a: {  	_ =	swait.ge [sflag:s19], $0x4000  }
0x18b: {  	[sflag:s19] =	ssyncset.done $0x0  }
0x18c: {  	s14 =	rddreg [dreg:$0x11];
	[sflag:s19] =	ssyncadd.s32 $0xFFFFC000  }
0x18d: {  	[spmem:s2] =	stream.indirect.scatter.add.f32 [tilespmem:s17], [sflag:$0x3], $0x80, s14, s16, $0xb8;
	[tilespmem:$0x1D000] =	vst v63  }
0x18e: {  	_ =	swait.ge [sflag:s10], $0x4000  }
0x18f: {  	[sflag:s10] =	ssyncset.done $0x0  }
0x190: {  	[sflag:s10] =	ssyncadd.s32 $0xFFFFC000  }
0x191: {  	[tilespmem:s17], [sflag:$0x1] =	stream.indirect.gather [hbm4b:s4+s16], $0x80, s21, s16, $0xb8;
	[tilespmem:$0x1D000] =	vst v63  }
0x192: {  	_ =	swait.ge [sflag:s20], $0x4000  }
0x193: {  	[sflag:s20] =	ssyncset.done $0x0  }
0x194: {  	[sflag:s20] =	ssyncadd.s32 $0xFFFFC000  }
0x195: {  	[spmem:s2] =	stream.indirect.scatter.add.f32 [tilespmem:s18], [sflag:$0x3], $0x80, s22, s16, $0xb8;
	[tilespmem:$0x1D000] =	vst v63  }
0x196: {  	_ =	swait.ge [sflag:s10], $0x4000  }
0x197: {  	[sflag:s10] =	ssyncset.done $0x0  }
0x198: {  	[sflag:s10] =	ssyncadd.s32 $0xFFFFC000  }
0x199: {  	[tilespmem:s18], [sflag:$0x2] =	stream.indirect.gather [hbm4b:s4+s16], $0x80, s23, s16, $0xb8;
	[tilespmem:$0x1D000] =	vst v63  }
0x19a: {  	_ =	swait.ge [sflag:s19], $0x4000  }
0x19b: {  	[sflag:s19] =	ssyncset.done $0x0  }
0x19c: {  	[sflag:s19] =	ssyncadd.s32 $0xFFFFC000  }
0x19d: {  	[spmem:s2] =	stream.indirect.scatter.add.f32 [tilespmem:s17], [sflag:$0x3], $0x80, s24, s16, $0xb8;
	[tilespmem:$0x1D000] =	vst v63  }
0x19e: {  	_ =	swait.ge [sflag:s10], $0x4000  }
0x19f: {  	[sflag:s10] =	ssyncset.done $0x0  }
0x1a0: {  	[sflag:s10] =	ssyncadd.s32 $0xFFFFC000  }
0x1a1: {  	[tilespmem:s17], [sflag:$0x1] =	stream.indirect.gather [hbm4b:s4+s16], $0x80, s25, s16, $0xb8;
	[tilespmem:$0x1D000] =	vst v63  }
0x1a2: {  	_ =	swait.ge [sflag:s20], $0x4000  }
0x1a3: {  	[sflag:s20] =	ssyncset.done $0x0  }
0x1a4: {  	[sflag:s20] =	ssyncadd.s32 $0xFFFFC000  }
0x1a5: {  	[spmem:s2] =	stream.indirect.scatter.add.f32 [tilespmem:s18], [sflag:$0x3], $0x80, s26, s16, $0xb8;
	[tilespmem:$0x1D000] =	vst v63  }
0x1a6: {  	_ =	swait.ge [sflag:s10], $0x4000  }
0x1a7: {  	[sflag:s10] =	ssyncset.done $0x0  }
0x1a8: {  	[sflag:s10] =	ssyncadd.s32 $0xFFFFC000  }
0x1a9: {  	[tilespmem:s18], [sflag:$0x2] =	stream.indirect.gather [hbm4b:s4+s16], $0x80, s28, s16, $0xb8;
	[tilespmem:$0x1D000] =	vst v63  }
0x1aa: {  	_ =	swait.ge [sflag:s19], $0x4000  }
0x1ab: {  	[sflag:s19] =	ssyncset.done $0x0  }
0x1ac: {  	[sflag:s19] =	ssyncadd.s32 $0xFFFFC000  }
0x1ad: {  	[spmem:s2] =	stream.indirect.scatter.add.f32 [tilespmem:s17], [sflag:$0x3], $0x80, s29, s16, $0xb8;
	[tilespmem:$0x1D000] =	vst v63  }
0x1ae: {  	_ =	swait.ge [sflag:s10], $0x4000  }
0x1af: {  	[sflag:s10] =	ssyncset.done $0x0  }
0x1b0: {  	[sflag:s10] =	ssyncadd.s32 $0xFFFFC000  }
0x1b1: {  	[tilespmem:s17], [sflag:$0x1] =	stream.indirect.gather [hbm4b:s4+s16], $0x80, s30, s16, $0xb8;
	[tilespmem:$0x1D000] =	vst v63  }
0x1b2: {  	_ =	swait.ge [sflag:s20], $0x4000  }
0x1b3: {  	[sflag:s20] =	ssyncset.done $0x0  }
0x1b4: {  	[sflag:s20] =	ssyncadd.s32 $0xFFFFC000  }
0x1b5: {  	[spmem:s2] =	stream.indirect.scatter.add.f32 [tilespmem:s18], [sflag:$0x3], $0x80, s31, s16, $0xb8;
	[tilespmem:$0x1D000] =	vst v63  }
0x1b6: {  	_ =	swait.ge [sflag:s10], $0x4000  }
0x1b7: {  	[sflag:s10] =	ssyncset.done $0x0  }
0x1b8: {  	[sflag:s10] =	ssyncadd.s32 $0xFFFFC000  }
0x1b9: {  	[tilespmem:s18], [sflag:$0x2] =	stream.indirect.gather [hbm4b:s4+s16], $0x80, s1, s16, $0xb8;
	[tilespmem:$0x1D000] =	vst v63  }
0x1ba: {  	_ =	swait.ge [sflag:s19], $0x4000  }
0x1bb: {  	[sflag:s19] =	ssyncset.done $0x0  }
0x1bc: {  	[sflag:s19] =	ssyncadd.s32 $0xFFFFC000  }
0x1bd: {  	[spmem:s2] =	stream.indirect.scatter.add.f32 [tilespmem:s17], [sflag:$0x3], $0x80, s0, s16, $0xb8;
	[tilespmem:$0x1D000] =	vst v63  }
0x1be: {  	_ =	swait.ge [sflag:s10], $0x4000  }
0x1bf: {  	[sflag:s10] =	ssyncset.done $0x0  }
0x1c0: {  	[sflag:s10] =	ssyncadd.s32 $0xFFFFC000  }
0x1c1: {  	[tilespmem:s17], [sflag:$0x1] =	stream.indirect.gather [hbm4b:s4+s16], $0x80, s7, s16, $0xb8;
	[tilespmem:$0x1D000] =	vst v63  }
0x1c2: {  	_ =	swait.ge [sflag:s20], $0x4000  }
0x1c3: {  	[sflag:s20] =	ssyncset.done $0x0  }
0x1c4: {  	[sflag:s20] =	ssyncadd.s32 $0xFFFFC000  }
0x1c5: {  	[spmem:s2] =	stream.indirect.scatter.add.f32 [tilespmem:s18], [sflag:$0x3], $0x80, s8, s16, $0xb8;
	[tilespmem:$0x1D000] =	vst v63  }
0x1c6: {  	_ =	swait.ge [sflag:s10], $0x4000  }
0x1c7: {  	[sflag:s10] =	ssyncset.done $0x0  }
0x1c8: {  	[sflag:s10] =	ssyncadd.s32 $0xFFFFC000  }
0x1c9: {  	[tilespmem:s18], [sflag:$0x2] =	stream.indirect.gather [hbm4b:s4+s16], $0x80, s11, s16, $0xb8;
	[tilespmem:$0x1D000] =	vst v63  }
0x1ca: {  	_ =	swait.ge [sflag:s19], $0x4000  }
0x1cb: {  	[sflag:s19] =	ssyncset.done $0x0  }
0x1cc: {  	[sflag:s19] =	ssyncadd.s32 $0xFFFFC000  }
0x1cd: {  	[spmem:s2] =	stream.indirect.scatter.add.f32 [tilespmem:s17], [sflag:$0x3], $0x80, s12, s16, $0xb8;
	[tilespmem:$0x1D000] =	vst v63  }
0x1ce: {  	_ =	swait.ge [sflag:s10], $0x4000  }
0x1cf: {  	[sflag:s10] =	ssyncset.done $0x0  }
0x1d0: {  	[sflag:s10] =	ssyncadd.s32 $0xFFFFC000  }
0x1d1: {  	_ =	swait.ge [sflag:s20], $0x4000  }
0x1d2: {  	[sflag:s20] =	ssyncset.done $0x0  }
0x1d3: {  	[sflag:s20] =	ssyncadd.s32 $0xFFFFC000  }
0x1d4: {  	[spmem:s2] =	stream.indirect.scatter.add.f32 [tilespmem:s18], [sflag:$0x3], $0x80, s13, s16, $0xb8;
	[tilespmem:$0x1D000] =	vst v63  }
0x1d5: {  	_ =	swait.ge [sflag:s10], $0x4000  }
0x1d6: {  	[sflag:s10] =	ssyncset.done $0x0  }
0x1d7: {  	[sflag:s10] =	ssyncadd.s32 $0xFFFFC000  }
0x1d8: {  	[bflag:$0x0] =	sbarrier.arrive $0xFFFF  }
0x1d9: {  	s14 =	rddreg [dreg:$0x13]  }
0x1da: {  	s6 =	rddreg [dreg:$0x14]  }
0x1db: {  	s9 =	rddreg [dreg:$0x16]  }
0x1dc: {  	[hbm:s6], [sflag:s14] =	dma.local [spmem:s9], $0x2800  }
0x1dd: {  	_ =	swait.ge [sflag:s10], $0x2800  }
0x1de: {  	s5 =	rddreg [dreg:$0x1b]  }
0x1df: {  	s6 =	sadd.s32 $0x1, s5;
	s5 =	rddreg [dreg:$0x15]  }
0x1e0: {  	p0 =	sne.s32 s6, s5  }
.Ltmp1:
0x1e1: {  	_ = 	snop;
	(pc) =	sbr.rel @p0 .LBB2_1-.Ltmp1, $3  }
0x1e2: {  	_ =	sdelay $0x1  }
0x1e3: {  	[sflag:s10] =	ssyncset.done $0x0  }
0x1e4: {  	[sflag:s10] =	ssyncadd.s32 $0xFFFFD800  }
0x1e5: {  	_ =	sfence.sel $0x180000  }
0x1e6: {  	[bflag:$0x0] =	sbarrier.arrive $0xFFFF  }
0x1e7: {  	_ =	strace $0x9000004A  }
0x1e8: {  	s0 =	stileid.u32;
	[bflag:$0x2] =	sbarrier.arrive $0xFFFF  }
0x1e9: {  	p0 =	sne.s32 s0, $0x0;
	s0 =	rddreg [dreg:$0x3]  }
0x1ea: {  	s0 =	sadd.s32 @!p0 $0x100000, s0  }
0x1eb: {  	[sflag:s0] =	ssyncadd.tile.s32 @!p0 $0x1;
	_ =	shalt  }
.Lfunc_end2:
_tile_overlayer_lowered:
.L_overlay_start_2:
0x1ec: {  	(tag) =	ssettag $0x2  }
0x1ed: {  	s0 =	rddreg [dreg:$0x0];
	s2 =	stileid.u32  }
0x1ee: {  	s1 =	rddreg [dreg:$0x1];
	p0 =	sne.s32 s2, $0x0  }
0x1ef: {  	s3 =	rddreg [dreg:$0x2];
	[bflag:$0x3] =	sbarrier.arrive $0xFFFF;
	s2 =	simm.s32 @!p0 $0x1C03  }
0x1f0: {  	[timem:s3], [sflag:s2] =	dma.local @!p0 [hbm:s0], s1  }
0x1f1: {  	s0 =	simm.s32 @!p0 $0x3  }
0x1f2: {  	_ =	swait.ge @!p0 [sflag:s0], s1  }
0x1f3: {  	s1 =	ssub.s32 @!p0 $0x0, s1;
	[sflag:s0] =	ssyncset.done @!p0 $0x0  }
0x1f4: {  	[sflag:s0] =	ssyncadd.s32 @!p0 s1  }
0x1f5: {  	[bflag:$0x3] =	sbarrier.arrive $0xFFFF  }
0x1f6: {  	_ =	shalt  }

// kernel: kernel.17.cloned.1.call-start
scs
__scs_entry_jumppad:
0x0: {  	(pc) =	sbr.rel $0x88, $3  }
0x1: {  	(tag) =	ssettag $0x0;
	lr =	simm.s32 $0x1  }
0x2: {  	[smem:$0x3F9C] =	sst lr;
	_ =	strace $0xD0000000  }
0x3: {  	_ = 	snop  }
0x4: {  	_ = 	snop  }
0x5: {  	_ = 	snop  }
0x6: {  	_ = 	snop  }
0x7: {  	_ = 	snop  }
__scs_overlays_trampoline_lowered:
0x8: {  	[smem:$0x3FAB] =	sst s0  }
0x9: {  	[smem:$0x3FAC] =	sst s1  }
0xa: {  	[smem:$0x3FAD] =	sst s2  }
0xb: {  	[smem:$0x3FAE] =	sst s3  }
0xc: {  	[smem:$0x3FAF] =	sst s4  }
0xd: {  	[smem:$0x3FB0] =	sst s5  }
0xe: {  	[smem:$0x3FB1] =	sst s6  }
0xf: {  	[smem:$0x3FB2] =	sst s7  }
0x10: {  	[smem:$0x3FB3] =	sst s8  }
0x11: {  	[smem:$0x3FB4] =	sst s9;
	s0 =	simm.s32 @!p0 $0x0  }
0x12: {  	s1 =	sld [smem:$0x3F9A];
	s0 =	simm.s32 @p0 $0x1  }
0x13: {  	[smem:$0x3FB5] =	sst s0;
	s0 =	simm.s32 @!p1 $0x0  }
0x14: {  	s2 =	sld [smem:$0x3F99];
	s0 =	simm.s32 @p1 $0x1  }
0x15: {  	[smem:$0x3FB6] =	sst s0;
	s0 =	simm.s32 @!p2 $0x0  }
0x16: {  	s3 =	sld [smem:$0x3FDB];
	s0 =	simm.s32 @p2 $0x1  }
0x17: {  	s4 =	simm.s32 $0x1BF5;
	[smem:$0x3FB8] =	sst s0  }
0x18: {  	s0 =	sld [smem:$0x3F9B];
	_ =	swait.ge [sflag:s4], $0x0  }
0x19: {  	s7 =	sld [smem:$0x3F9C]  }
0x1a: {  	s8 =	sadd.s32 $0xFFFFE003, lr  }
0x1b: {  	s9 =	sadd.s32 $0xFFFFFEF7, lr;
	s5 =	simm.s32 $0xFFFFFFFF;
	p2 =	slt.u32 s8, $0xFFFFF086  }
0x1c: {  	p1 =	slt.u32 s9, $0xF7A;
	s5 =	simm.s32 @!p2 $0x0  }
0x1d: {  	s5 =	simm.s32 @p1 $0x1;
	p0 =	seq.s32 s7, s2  }
0x1e: {  	s7 =	smul.u32 @!p0 $0xF7A, s2;
	p2 =	seq.s32 @!p0 s5, $0x0  }
0x1f: {  	s9 =	smul.u32 $0xF7A, s1;
	s8 =	simm.s32 @!p0 $0x1BF5;
	p2 =	por !p2, p0  }
0x20: {  	[sflag:s8] =	ssyncset.s32 @!p0 $0xFFFFF086;
	s6 =	sadd.s32 @!p0 s3, s7;
	s7 =	simm.s32 @!p0 $0x108  }
0x21: {  	s3 =	sadd.s32 s3, s9;
	s6 =	sadd.s32 @!p0 $0x88, s6;
	s7 =	simm.s32 @p2 $0x1082  }
0x22: {  	[simem:s7], [sflag:s8] =	dma.local @!p0 [hbm:s6], $0xF7A  }
0x23: {  	s9 =	sor.u32 $0xD0000000, s2;
	s6 =	simm.s32 $0x108;
	_ =	swait.ge @!p0 [sflag:s8], $0x0  }
0x24: {  	s3 =	sadd.s32 $0x88, s3;
	s6 =	simm.s32 @!p1 $0x1082;
	[sflag:s4] =	ssyncset.s32 $0xFFFFF086  }
0x25: {  	[simem:s6], [sflag:s4] =	dma.local [hbm:s3], $0xF7A  }
0x26: {  	[smem:$0x3F9C] =	sst s1;
	(tag) =	ssettag s2;
	_ =	strace s9  }
0x27: {  	s1 =	sld [smem:$0x3FAC]  }
0x28: {  	s2 =	sld [smem:$0x3FAD]  }
0x29: {  	s4 =	sld [smem:$0x3FAF]  }
0x2a: {  	p0 =	seq.s32 s5, $0x0;
	s5 =	sld [smem:$0x3FB0]  }
0x2b: {  	s6 =	sld [smem:$0x3FB1]  }
0x2c: {  	s7 =	sld [smem:$0x3FB2]  }
0x2d: {  	s3 =	simm.s32 $0x108;
	s8 =	sld [smem:$0x3FB3]  }
0x2e: {  	s3 =	simm.s32 @!p0 $0x1082;
	s9 =	sld [smem:$0x3FB4]  }
0x2f: {  	lr =	sadd.s32 s0, s3;
	s0 =	sld [smem:$0x3FAB]  }
0x30: {  	s3 =	sld [smem:$0x3FAE]  }
0x31: {  	[smem:$0x3FB7] =	sst s10  }
0x32: {  	s10 =	sld [smem:$0x3FB5];
	_ =	sdelay $0x3  }
0x33: {  	p0 =	seq.s32 s10, $0x1;
	s10 =	sld [smem:$0x3FB7];
	_ =	sdelay $0x3  }
0x34: {  	[smem:$0x3FB7] =	sst s10  }
0x35: {  	s10 =	sld [smem:$0x3FB6];
	_ =	sdelay $0x3  }
0x36: {  	p1 =	seq.s32 s10, $0x1;
	s10 =	sld [smem:$0x3FB7];
	_ =	sdelay $0x3  }
0x37: {  	[smem:$0x3FB7] =	sst s10  }
0x38: {  	s10 =	sld [smem:$0x3FB8]  }
0x39: {  	_ = 	snop;
	(pc) =	sbr.ind lr, $3  }
0x3a: {  	_ = 	snop  }
0x3b: {  	_ = 	snop  }
0x3c: {  	p2 =	seq.s32 s10, $0x1;
	s10 =	sld [smem:$0x3FB7]  }
0x3d: {  	_ =	shalt  }
0x3e: {  	_ =	shalt  }
0x3f: {  	_ =	shalt  }
0x40: {  	_ =	shalt  }
0x41: {  	_ =	shalt  }
0x42: {  	_ =	shalt  }
0x43: {  	_ =	shalt  }
0x44: {  	_ =	shalt  }
0x45: {  	_ =	shalt  }
0x46: {  	_ =	shalt  }
0x47: {  	_ =	shalt  }
0x48: {  	_ =	shalt  }
0x49: {  	_ =	shalt  }
0x4a: {  	_ =	shalt  }
0x4b: {  	_ =	shalt  }
0x4c: {  	_ =	shalt  }
0x4d: {  	_ =	shalt  }
0x4e: {  	_ =	shalt  }
0x4f: {  	_ =	shalt  }
0x50: {  	_ =	shalt  }
0x51: {  	_ =	shalt  }
0x52: {  	_ =	shalt  }
0x53: {  	_ =	shalt  }
0x54: {  	_ =	shalt  }
0x55: {  	_ =	shalt  }
0x56: {  	_ =	shalt  }
0x57: {  	_ =	shalt  }
0x58: {  	_ =	shalt  }
0x59: {  	_ =	shalt  }
0x5a: {  	_ =	shalt  }
0x5b: {  	_ =	shalt  }
0x5c: {  	_ =	shalt  }
0x5d: {  	_ =	shalt  }
0x5e: {  	_ =	shalt  }
0x5f: {  	_ =	shalt  }
0x60: {  	_ =	shalt  }
0x61: {  	_ =	shalt  }
0x62: {  	_ =	shalt  }
0x63: {  	_ =	shalt  }
0x64: {  	_ =	shalt  }
0x65: {  	_ =	shalt  }
0x66: {  	_ =	shalt  }
0x67: {  	_ =	shalt  }
0x68: {  	_ =	shalt  }
0x69: {  	_ =	shalt  }
0x6a: {  	_ =	shalt  }
0x6b: {  	_ =	shalt  }
0x6c: {  	_ =	shalt  }
0x6d: {  	_ =	shalt  }
0x6e: {  	_ =	shalt  }
0x6f: {  	_ =	shalt  }
0x70: {  	_ =	shalt  }
0x71: {  	_ =	shalt  }
0x72: {  	_ =	shalt  }
0x73: {  	_ =	shalt  }
0x74: {  	_ =	shalt  }
0x75: {  	_ =	shalt  }
0x76: {  	_ =	shalt  }
0x77: {  	_ =	shalt  }
0x78: {  	_ =	shalt  }
0x79: {  	_ =	shalt  }
0x7a: {  	_ =	shalt  }
0x7b: {  	_ =	shalt  }
0x7c: {  	_ =	shalt  }
0x7d: {  	_ =	shalt  }
0x7e: {  	_ =	shalt  }
0x7f: {  	_ =	shalt  }
0x80: {  	_ =	shalt  }
0x81: {  	_ =	shalt  }
0x82: {  	_ =	shalt  }
0x83: {  	_ =	shalt  }
0x84: {  	_ =	shalt  }
0x85: {  	_ =	shalt  }
0x86: {  	_ =	shalt  }
0x87: {  	_ =	shalt  }
.Lfunc_end0:
.L_simem_size_0:
called_computation.2_lowered:
.L_overlay_start_0:
0x88: {  	s2 =	sld [smem:$0x3FD9]  }
0x89: {  	s3 =	sld [smem:$0x3FFE];
	_ =	sdelay $0x1  }
0x8a: {  	s1 =	srdreg.scid  }
0x8b: {  	s0 =	sand.u32 $0x1, s1  }
0x8c: {  	s17 =	sshll.u32 s0, $0xA;
	s2 =	sadd.s32 s3, s2  }
0x8d: {  	s2 =	sadd.s32 s2, s17  }
0x8e: {  	[smem:$0x3FC3] =	sst s2  }
0x8f: {  	_ = 	snop  }
0x90: {  	s2 =	sld [smem:$0x3FD0];
	(tm) =	ssettm $0x1  }
0x91: {  	s18 =	sld [smem:$0x3FFB];
	_ =	sdelay $0x3  }
0x92: {  	_ =	strace s18  }
0x93: {  	s3 =	sld [smem:$0x3FFC];
	_ =	sdelay $0x3  }
0x94: {  	_ =	strace s3  }
0x95: {  	s3 =	sld [smem:$0x3FFD];
	_ =	sdelay $0x3  }
0x96: {  	_ =	strace s3  }
0x97: {  	_ =	strace $0x8FFFFFFF  }
0x98: {  	s19 =	sld [smem:$0x3FDB];
	_ =	sdelay $0x1  }
0x99: {  	s4 =	simm.s32 $_scs_section_size  }
0x9a: {  	s5 =	simm.s32 $_size__tile_overlayer_lowered;
	s6 =	simm.s32 $_tile_overlayer_lowered  }
0x9b: {  	s22 =	simm.s32 $0x1BFF;
	s21 =	sshll.u32 s6, $0x1;
	s3 =	sadd.s32 s4, s19  }
0x9c: {  	s7 =	simm.s32 $0x0;
	s20 =	sshll.u32 s5, $0x1;
	s5 =	sadd.s32 s21, s3  }
0x9d: {  	[timem:s7], [sflag:s22] =	dma.local [hbm:s5], s20  }
0x9e: {  	_ =	swait.ge [sflag:s22], s20  }
0x9f: {  	s4 =	ssub.s32 $0x0, s20;
	[sflag:s22] =	ssyncset.done $0x0  }
0xa0: {  	[sflag:s22] =	ssyncadd.s32 s4;
	_ =	sdelay $0x1  }
0xa1: {  	s23 =	simm.s32 $0x1B8B  }
0xa2: {  	_ =	swait.ge [sflag:s23], $0x1  }
0xa3: {  	[sflag:s23] =	ssyncset.done $0x0  }
0xa4: {  	s25 =	simm.s32 $0x1B8E;
	s24 =	sld [smem:$0x3FFE];
	[sflag:s23] =	ssyncadd.s32 $0xFFFFFFFF  }
0xa5: {  	s26 =	simm.s32 $execute0_lowered;
	[smem:$0x3FD2] =	sst s25  }
0xa6: {  	s5 =	sshll.u32 s26, $0x1;
	_ =	strace $0x8000004C;
	[dreg:$0x1] =	wrdreg $0xFFFFFFFF  }
0xa7: {  	s28 =	simm.s32 $_size_execute0_lowered;
	s3 =	sadd.s32 s3, s5;
	[dreg:$0x0] =	wrdreg $0x0  }
0xa8: {  	s5 =	sshll.u32 s28, $0x1;
	[dreg:$0x2] =	wrdreg s3  }
0xa9: {  	[dreg:$0x3] =	wrdreg s5  }
0xaa: {  	[dreg:$0x4] =	wrdreg $0xC0  }
0xab: {  	_ =	task [dreg:s7], $0x5FFFF  }
0xac: {  	[dreg:$0x1] =	wrdreg $0xFFFFFFFF  }
0xad: {  	[dreg:$0x0] =	wrdreg $0x60  }
0xae: {  	[dreg:$0x2] =	wrdreg s24  }
0xaf: {  	[dreg:$0x3] =	wrdreg s2  }
0xb0: {  	[dreg:$0x4] =	wrdreg $0x90000  }
0xb1: {  	[dreg:$0x5] =	wrdreg $0x9  }
0xb2: {  	_ =	task.clear_ibuf [dreg:s7], $0x6FFFF;
	_ =	strace $0x9000004C  }
0xb3: {  	s29 =	simm.s32 $0x9;
	_ =	strace $0x8000004E  }
0xb4: {  	_ =	swait.ge [sflag:s29], $0x1  }
0xb5: {  	[sflag:s29] =	ssyncadd.s32 $0xFFFFFFFF  }
0xb6: {  	_ =	strace $0x9000004E  }
0xb7: {  	_ =	sfence  }
0xb8: {  	s30 =	sld [smem:$0x0];
	_ =	sdelay $0x2  }
0xb9: {  	s31 =	sshll.u32 s1, $0xD;
	s1 =	sshrl.u32 s1, $0x2  }
0xba: {  	s3 =	sand.u32 $0x4000, s31;
	s1 =	sadd.s32 s1, s30  }
0xbb: {  	s0 =	sor.u32 s3, s0;
	s1 =	sshll.u32 s1, $0x11  }
0xbc: {  	s0 =	sor.u32 s1, s0  }
0xbd: {  	s0 =	sadd.s32 $0x8F2B, s0  }
0xbe: {  	[sflag:s0] =	ssyncadd.remote.s32 $0x1  }
0xbf: {  	_ =	sfence.sel $0xFFFF  }
0xc0: {  	[dreg:$0x0] =	wrdreg $0xFFFFFFFF;
	(pc) =	sbr.abs _section_cstart, $3  }
0xc1: {  	[dreg:$0x1] =	wrdreg $0xFFFFFFFF  }
0xc2: {  	_ =	task.clear_ibuf [dreg:s7], $0x2FFFF;
	_ =	strace $0x9FFFFFFF  }
0xc3: {  	(tm) =	ssettm $0x7FFFFFFF  }
tec
execute0_lowered:
.L_overlay_start_1:
0x0: {  	(tag) =	ssettag $0x1  }
0x1: {  	s0 =	rddreg [dreg:$0x0]  }
0x2: {  	s1 =	srdreg.scid;
	s5 =	rddreg [dreg:$0x1]  }
0x3: {  	s10 =	stileid.u32;
	s2 =	rddreg [dreg:$0x2];
	s3 =	simm.s32 $0x0  }
0x4: {  	s26 =	simm.s32 $0x100;
	s13 =	simm.s32 $0x900;
	s16 =	simm.s32 $0x200  }
0x5: {  	s28 =	simm.s32 $0x580;
	s29 =	simm.s32 $0xD00;
	s30 =	simm.s32 $0x600  }
0x6: {  	s31 =	simm.s32 $0xD80;
	s1 =	sand.u32 $0x1, s1;
	s6 =	smul.u32 $0x5000, s10  }
0x7: {  	[smem:$0x7FF] =	sst s3;
	s9 =	smul.u32 $0x14000, s10;
	s4 =	sadd.s32 $0x2C00, s0  }
0x8: {  	s18 =	smul.u32 $0x50000, s10;
	s11 =	sadd.s32 $0x2400, s0;
	s10 =	sshll.u32 s10, $0x6  }
0x9: {  	s7 =	smul.u32 $0x2800, s1;
	_ =	strace $0x8000004D;
	[dreg:$0x12] =	wrdreg s11  }
0xa: {  	s8 =	smul.u32 $0x140000, s1;
	s1 =	ssub.s32 $0x2, s1;
	[dreg:$0x6] =	wrdreg s26  }
0xb: {  	s14 =	sor.u32 $0x1C03, s10;
	s10 =	simm.s32 $0x3;
	[dreg:$0x9] =	wrdreg s13  }
0xc: {  	[dreg:$0xa] =	wrdreg s16;
	s16 =	simm.s32 $0x80;
	s26 =	simm.s32 $0xB00  }
0xd: {  	s11 =	simm.s32 $0x780;
	s20 =	sshrl.u32 s18, $0x2;
	[dreg:$0x11] =	wrdreg s26  }
0xe: {  	s21 =	sshrl.u32 s1, $0x1;
	s18 =	simm.s32 $0x980;
	[dreg:$0x13] =	wrdreg s14  }
0xf: {  	s6 =	sadd.s32 s7, s6;
	s17 =	sadd.s32 s9, s8;
	s1 =	ssub.s32 s1, s21  }
0x10: {  	[dreg:$0xb] =	wrdreg s18;
	s6 =	sshrl.u32 s6, $0x3;
	s7 =	sshrl.u32 s17, $0x3  }
0x11: {  	s1 =	smax.u32 s1, $0x1;
	s19 =	sadd.s32 s6, s0;
	s0 =	sadd.s32 s7, s0  }
0x12: {  	s7 =	sadd.s32 s20, s2;
	s5 =	sadd.s32 s6, s5;
	[dreg:$0x15] =	wrdreg s1  }
0x13: {  	s20 =	simm.s32 $0x280;
	s22 =	sadd.s32 $0x4000, s7;
	[dreg:$0x4] =	wrdreg s5  }
0x14: {  	s23 =	sadd.s32 $0x8000, s7;
	s0 =	sadd.s32 $0x5D400, s0;
	[dreg:$0xc] =	wrdreg s20  }
0x15: {  	s12 =	sadd.s32 $0xC000, s7;
	s25 =	sadd.s32 $0x53400, s19;
	[dreg:$0x14] =	wrdreg s0  }
0x16: {  	s24 =	sadd.s32 $0x10000, s7;
	s5 =	simm.s32 $0x880;
	[dreg:$0x5] =	wrdreg s25  }
0x17: {  	s9 =	sshrl.u32 s7, $0x3;
	s7 =	simm.s32 $0x180;
	[dreg:$0x7] =	wrdreg s5  }
0x18: {  	s13 =	simm.s32 $0xF80;
	s26 =	simm.s32 $0xC80;
	[dreg:$0x8] =	wrdreg s7  }
0x19: {  	s18 =	simm.s32 $0x5000;
	s15 =	sshrl.u32 s22, $0x3;
	[dreg:$0x16] =	wrdreg s9  }
0x1a: {  	s8 =	simm.s32 $0xE80;
	s17 =	sshrl.u32 s23, $0x3;
	[dreg:$0x17] =	wrdreg s15  }
0x1b: {  	s1 =	simm.s32 $0x680;
	s19 =	sshrl.u32 s12, $0x3;
	[dreg:$0x18] =	wrdreg s17  }
0x1c: {  	s6 =	simm.s32 $0x0;
	s21 =	sshrl.u32 s24, $0x3;
	[dreg:$0x19] =	wrdreg s19  }
0x1d: {  	s20 =	simm.s32 $0x2;
	s22 =	simm.s32 $0xA00;
	[dreg:$0x1a] =	wrdreg s21  }
0x1e: {  	s23 =	simm.s32 $0x300;
	s24 =	simm.s32 $0xA80;
	[dreg:$0xd] =	wrdreg s22  }
0x1f: {  	s25 =	simm.s32 $0x380;
	s0 =	simm.s32 $0xE00;
	[dreg:$0xe] =	wrdreg s23  }
0x20: {  	s7 =	simm.s32 $0x700;
	s12 =	simm.s32 $0xF00;
	[dreg:$0xf] =	wrdreg s24  }
0x21: {  	s15 =	simm.s32 $0x800;
	s17 =	simm.s32 $0x1000;
	[dreg:$0x10] =	wrdreg s25  }
0x22: {  	s19 =	simm.s32 $0x1;
	s21 =	simm.s32 $0x400;
	s22 =	simm.s32 $0xB80  }
0x23: {  	s23 =	simm.s32 $0x480;
	s24 =	simm.s32 $0xC00;
	s25 =	simm.s32 $0x500  }
.LBB2_1:
0x24: {  	[dreg:$0x1b] =	wrdreg s6  }
0x25: {  	s5 =	rddreg [dreg:$0x12]  }
0x26: {  	[spmem:s9], [sflag:s14] =	dma.local [hbm:s5], $0x800  }
0x27: {  	_ =	swait.ge [sflag:s10], $0x800  }
0x28: {  	[sflag:s10] =	ssyncset.done $0x0  }
0x29: {  	s9 =	rddreg [dreg:$0x17];
	[sflag:s10] =	ssyncadd.s32 $0xFFFFF800  }
0x2a: {  	[spmem:s9], [sflag:s14] =	dma.local [hbm:s5], $0x800  }
0x2b: {  	_ =	swait.ge [sflag:s10], $0x800  }
0x2c: {  	[sflag:s10] =	ssyncset.done $0x0  }
0x2d: {  	s9 =	rddreg [dreg:$0x18];
	[sflag:s10] =	ssyncadd.s32 $0xFFFFF800  }
0x2e: {  	[spmem:s9], [sflag:s14] =	dma.local [hbm:s5], $0x800  }
0x2f: {  	_ =	swait.ge [sflag:s10], $0x800  }
0x30: {  	[sflag:s10] =	ssyncset.done $0x0  }
0x31: {  	s9 =	rddreg [dreg:$0x19];
	[sflag:s10] =	ssyncadd.s32 $0xFFFFF800  }
0x32: {  	[spmem:s9], [sflag:s14] =	dma.local [hbm:s5], $0x800  }
0x33: {  	_ =	swait.ge [sflag:s10], $0x800  }
0x34: {  	[sflag:s10] =	ssyncset.done $0x0  }
0x35: {  	s9 =	rddreg [dreg:$0x1a];
	[sflag:s10] =	ssyncadd.s32 $0xFFFFF800  }
0x36: {  	[spmem:s9], [sflag:s14] =	dma.local [hbm:s5], $0x800  }
0x37: {  	_ =	swait.ge [sflag:s10], $0x800  }
0x38: {  	[sflag:s10] =	ssyncset.done $0x0  }
0x39: {  	[sflag:s10] =	ssyncadd.s32 $0xFFFFF800  }
0x3a: {  	[bflag:$0x0] =	sbarrier.arrive $0xFFFF  }
0x3b: {  	s9 =	rddreg [dreg:$0x5]  }
0x3c: {  	s5 =	sadd.s32 $0x0, s9  }
0x3d: {  	[tilespmem:s3], [sflag:$0x3] =	stream.linear.gather [hbm4b:s5+s3], $0x800, $0x38;
	[tilespmem:$0x1D000] =	vst v63  }
0x3e: {  	_ =	swait.ge [sflag:s10], $0x800  }
0x3f: {  	s14 =	rddreg [dreg:$0x4];
	[sflag:s10] =	ssyncset.done $0x0  }
0x40: {  	[sflag:s10] =	ssyncadd.s32 $0xFFFFF800;
	s5 =	sadd.s32 $0x0, s14  }
0x41: {  	[tilespmem:s15], [sflag:$0x3] =	stream.linear.gather [hbm4b:s5+s3], $0x800, $0x38;
	[tilespmem:$0x1D000] =	vst v63  }
0x42: {  	_ =	swait.ge [sflag:s10], $0x800  }
0x43: {  	[sflag:s10] =	ssyncset.done $0x0  }
0x44: {  	[sflag:s10] =	ssyncadd.s32 $0xFFFFF800  }
0x45: {  	[tilespmem:s17], [sflag:$0x1] =	stream.indirect.gather [hbm4b:s4+s16], $0x80, s3, s16, $0xb8;
	[tilespmem:$0x1D000] =	vst v63  }
0x46: {  	_ = 	snop  }
0x47: {  	[tilespmem:s18], [sflag:$0x2] =	stream.indirect.gather [hbm4b:s4+s16], $0x80, s16, s16, $0xb8;
	[tilespmem:$0x1D000] =	vst v63  }
0x48: {  	_ =	swait.ge [sflag:s19], $0x4000  }
0x49: {  	[sflag:s19] =	ssyncset.done $0x0  }
0x4a: {  	[sflag:s19] =	ssyncadd.s32 $0xFFFFC000  }
0x4b: {  	[spmem:s2] =	stream.indirect.scatter.add.f32 [tilespmem:s17], [sflag:$0x3], $0x80, s15, s16, $0xb8;
	[tilespmem:$0x1D000] =	vst v63  }
0x4c: {  	_ =	swait.ge [sflag:s10], $0x4000  }
0x4d: {  	[sflag:s10] =	ssyncset.done $0x0  }
0x4e: {  	s6 =	rddreg [dreg:$0x6];
	[sflag:s10] =	ssyncadd.s32 $0xFFFFC000  }
0x4f: {  	[tilespmem:s17], [sflag:$0x1] =	stream.indirect.gather [hbm4b:s4+s16], $0x80, s6, s16, $0xb8;
	[tilespmem:$0x1D000] =	vst v63  }
0x50: {  	_ =	swait.ge [sflag:s20], $0x4000  }
0x51: {  	[sflag:s20] =	ssyncset.done $0x0  }
0x52: {  	s9 =	rddreg [dreg:$0x7];
	[sflag:s20] =	ssyncadd.s32 $0xFFFFC000  }
0x53: {  	[spmem:s2] =	stream.indirect.scatter.add.f32 [tilespmem:s18], [sflag:$0x3], $0x80, s9, s16, $0xb8;
	[tilespmem:$0x1D000] =	vst v63  }
0x54: {  	_ =	swait.ge [sflag:s10], $0x4000  }
0x55: {  	[sflag:s10] =	ssyncset.done $0x0  }
0x56: {  	s14 =	rddreg [dreg:$0x8];
	[sflag:s10] =	ssyncadd.s32 $0xFFFFC000  }
0x57: {  	[tilespmem:s18], [sflag:$0x2] =	stream.indirect.gather [hbm4b:s4+s16], $0x80, s14, s16, $0xb8;
	[tilespmem:$0x1D000] =	vst v63  }
0x58: {  	_ =	swait.ge [sflag:s19], $0x4000  }
0x59: {  	[sflag:s19] =	ssyncset.done $0x0  }
0x5a: {  	s6 =	rddreg [dreg:$0x9];
	[sflag:s19] =	ssyncadd.s32 $0xFFFFC000  }
0x5b: {  	[spmem:s2] =	stream.indirect.scatter.add.f32 [tilespmem:s17], [sflag:$0x3], $0x80, s6, s16, $0xb8;
	[tilespmem:$0x1D000] =	vst v63  }
0x5c: {  	_ =	swait.ge [sflag:s10], $0x4000  }
0x5d: {  	[sflag:s10] =	ssyncset.done $0x0  }
0x5e: {  	s9 =	rddreg [dreg:$0xa];
	[sflag:s10] =	ssyncadd.s32 $0xFFFFC000  }
0x5f: {  	[tilespmem:s17], [sflag:$0x1] =	stream.indirect.gather [hbm4b:s4+s16], $0x80, s9, s16, $0xb8;
	[tilespmem:$0x1D000] =	vst v63  }
0x60: {  	_ =	swait.ge [sflag:s20], $0x4000  }
0x61: {  	[sflag:s20] =	ssyncset.done $0x0  }
0x62: {  	s14 =	rddreg [dreg:$0xb];
	[sflag:s20] =	ssyncadd.s32 $0xFFFFC000  }
0x63: {  	[spmem:s2] =	stream.indirect.scatter.add.f32 [tilespmem:s18], [sflag:$0x3], $0x80, s14, s16, $0xb8;
	[tilespmem:$0x1D000] =	vst v63  }
0x64: {  	_ =	swait.ge [sflag:s10], $0x4000  }
0x65: {  	[sflag:s10] =	ssyncset.done $0x0  }
0x66: {  	s6 =	rddreg [dreg:$0xc];
	[sflag:s10] =	ssyncadd.s32 $0xFFFFC000  }
0x67: {  	[tilespmem:s18], [sflag:$0x2] =	stream.indirect.gather [hbm4b:s4+s16], $0x80, s6, s16, $0xb8;
	[tilespmem:$0x1D000] =	vst v63  }
0x68: {  	_ =	swait.ge [sflag:s19], $0x4000  }
0x69: {  	[sflag:s19] =	ssyncset.done $0x0  }
0x6a: {  	s9 =	rddreg [dreg:$0xd];
	[sflag:s19] =	ssyncadd.s32 $0xFFFFC000  }
0x6b: {  	[spmem:s2] =	stream.indirect.scatter.add.f32 [tilespmem:s17], [sflag:$0x3], $0x80, s9, s16, $0xb8;
	[tilespmem:$0x1D000] =	vst v63  }
0x6c: {  	_ =	swait.ge [sflag:s10], $0x4000  }
0x6d: {  	[sflag:s10] =	ssyncset.done $0x0  }
0x6e: {  	s14 =	rddreg [dreg:$0xe];
	[sflag:s10] =	ssyncadd.s32 $0xFFFFC000  }
0x6f: {  	[tilespmem:s17], [sflag:$0x1] =	stream.indirect.gather [hbm4b:s4+s16], $0x80, s14, s16, $0xb8;
	[tilespmem:$0x1D000] =	vst v63  }
0x70: {  	_ =	swait.ge [sflag:s20], $0x4000  }
0x71: {  	[sflag:s20] =	ssyncset.done $0x0  }
0x72: {  	s6 =	rddreg [dreg:$0xf];
	[sflag:s20] =	ssyncadd.s32 $0xFFFFC000  }
0x73: {  	[spmem:s2] =	stream.indirect.scatter.add.f32 [tilespmem:s18], [sflag:$0x3], $0x80, s6, s16, $0xb8;
	[tilespmem:$0x1D000] =	vst v63  }
0x74: {  	_ =	swait.ge [sflag:s10], $0x4000  }
0x75: {  	[sflag:s10] =	ssyncset.done $0x0  }
0x76: {  	s9 =	rddreg [dreg:$0x10];
	[sflag:s10] =	ssyncadd.s32 $0xFFFFC000  }
0x77: {  	[tilespmem:s18], [sflag:$0x2] =	stream.indirect.gather [hbm4b:s4+s16], $0x80, s9, s16, $0xb8;
	[tilespmem:$0x1D000] =	vst v63  }
0x78: {  	_ =	swait.ge [sflag:s19], $0x4000  }
0x79: {  	[sflag:s19] =	ssyncset.done $0x0  }
0x7a: {  	s14 =	rddreg [dreg:$0x11];
	[sflag:s19] =	ssyncadd.s32 $0xFFFFC000  }
0x7b: {  	[spmem:s2] =	stream.indirect.scatter.add.f32 [tilespmem:s17], [sflag:$0x3], $0x80, s14, s16, $0xb8;
	[tilespmem:$0x1D000] =	vst v63  }
0x7c: {  	_ =	swait.ge [sflag:s10], $0x4000  }
0x7d: {  	[sflag:s10] =	ssyncset.done $0x0  }
0x7e: {  	[sflag:s10] =	ssyncadd.s32 $0xFFFFC000  }
0x7f: {  	[tilespmem:s17], [sflag:$0x1] =	stream.indirect.gather [hbm4b:s4+s16], $0x80, s21, s16, $0xb8;
	[tilespmem:$0x1D000] =	vst v63  }
0x80: {  	_ =	swait.ge [sflag:s20], $0x4000  }
0x81: {  	[sflag:s20] =	ssyncset.done $0x0  }
0x82: {  	[sflag:s20] =	ssyncadd.s32 $0xFFFFC000  }
0x83: {  	[spmem:s2] =	stream.indirect.scatter.add.f32 [tilespmem:s18], [sflag:$0x3], $0x80, s22, s16, $0xb8;
	[tilespmem:$0x1D000] =	vst v63  }
0x84: {  	_ =	swait.ge [sflag:s10], $0x4000  }
0x85: {  	[sflag:s10] =	ssyncset.done $0x0  }
0x86: {  	[sflag:s10] =	ssyncadd.s32 $0xFFFFC000  }
0x87: {  	[tilespmem:s18], [sflag:$0x2] =	stream.indirect.gather [hbm4b:s4+s16], $0x80, s23, s16, $0xb8;
	[tilespmem:$0x1D000] =	vst v63  }
0x88: {  	_ =	swait.ge [sflag:s19], $0x4000  }
0x89: {  	[sflag:s19] =	ssyncset.done $0x0  }
0x8a: {  	[sflag:s19] =	ssyncadd.s32 $0xFFFFC000  }
0x8b: {  	[spmem:s2] =	stream.indirect.scatter.add.f32 [tilespmem:s17], [sflag:$0x3], $0x80, s24, s16, $0xb8;
	[tilespmem:$0x1D000] =	vst v63  }
0x8c: {  	_ =	swait.ge [sflag:s10], $0x4000  }
0x8d: {  	[sflag:s10] =	ssyncset.done $0x0  }
0x8e: {  	[sflag:s10] =	ssyncadd.s32 $0xFFFFC000  }
0x8f: {  	[tilespmem:s17], [sflag:$0x1] =	stream.indirect.gather [hbm4b:s4+s16], $0x80, s25, s16, $0xb8;
	[tilespmem:$0x1D000] =	vst v63  }
0x90: {  	_ =	swait.ge [sflag:s20], $0x4000  }
0x91: {  	[sflag:s20] =	ssyncset.done $0x0  }
0x92: {  	[sflag:s20] =	ssyncadd.s32 $0xFFFFC000  }
0x93: {  	[spmem:s2] =	stream.indirect.scatter.add.f32 [tilespmem:s18], [sflag:$0x3], $0x80, s26, s16, $0xb8;
	[tilespmem:$0x1D000] =	vst v63  }
0x94: {  	_ =	swait.ge [sflag:s10], $0x4000  }
0x95: {  	[sflag:s10] =	ssyncset.done $0x0  }
0x96: {  	[sflag:s10] =	ssyncadd.s32 $0xFFFFC000  }
0x97: {  	[tilespmem:s18], [sflag:$0x2] =	stream.indirect.gather [hbm4b:s4+s16], $0x80, s28, s16, $0xb8;
	[tilespmem:$0x1D000] =	vst v63  }
0x98: {  	_ =	swait.ge [sflag:s19], $0x4000  }
0x99: {  	[sflag:s19] =	ssyncset.done $0x0  }
0x9a: {  	[sflag:s19] =	ssyncadd.s32 $0xFFFFC000  }
0x9b: {  	[spmem:s2] =	stream.indirect.scatter.add.f32 [tilespmem:s17], [sflag:$0x3], $0x80, s29, s16, $0xb8;
	[tilespmem:$0x1D000] =	vst v63  }
0x9c: {  	_ =	swait.ge [sflag:s10], $0x4000  }
0x9d: {  	[sflag:s10] =	ssyncset.done $0x0  }
0x9e: {  	[sflag:s10] =	ssyncadd.s32 $0xFFFFC000  }
0x9f: {  	[tilespmem:s17], [sflag:$0x1] =	stream.indirect.gather [hbm4b:s4+s16], $0x80, s30, s16, $0xb8;
	[tilespmem:$0x1D000] =	vst v63  }
0xa0: {  	_ =	swait.ge [sflag:s20], $0x4000  }
0xa1: {  	[sflag:s20] =	ssyncset.done $0x0  }
0xa2: {  	[sflag:s20] =	ssyncadd.s32 $0xFFFFC000  }
0xa3: {  	[spmem:s2] =	stream.indirect.scatter.add.f32 [tilespmem:s18], [sflag:$0x3], $0x80, s31, s16, $0xb8;
	[tilespmem:$0x1D000] =	vst v63  }
0xa4: {  	_ =	swait.ge [sflag:s10], $0x4000  }
0xa5: {  	[sflag:s10] =	ssyncset.done $0x0  }
0xa6: {  	[sflag:s10] =	ssyncadd.s32 $0xFFFFC000  }
0xa7: {  	[tilespmem:s18], [sflag:$0x2] =	stream.indirect.gather [hbm4b:s4+s16], $0x80, s1, s16, $0xb8;
	[tilespmem:$0x1D000] =	vst v63  }
0xa8: {  	_ =	swait.ge [sflag:s19], $0x4000  }
0xa9: {  	[sflag:s19] =	ssyncset.done $0x0  }
0xaa: {  	[sflag:s19] =	ssyncadd.s32 $0xFFFFC000  }
0xab: {  	[spmem:s2] =	stream.indirect.scatter.add.f32 [tilespmem:s17], [sflag:$0x3], $0x80, s0, s16, $0xb8;
	[tilespmem:$0x1D000] =	vst v63  }
0xac: {  	_ =	swait.ge [sflag:s10], $0x4000  }
0xad: {  	[sflag:s10] =	ssyncset.done $0x0  }
0xae: {  	[sflag:s10] =	ssyncadd.s32 $0xFFFFC000  }
0xaf: {  	[tilespmem:s17], [sflag:$0x1] =	stream.indirect.gather [hbm4b:s4+s16], $0x80, s7, s16, $0xb8;
	[tilespmem:$0x1D000] =	vst v63  }
0xb0: {  	_ =	swait.ge [sflag:s20], $0x4000  }
0xb1: {  	[sflag:s20] =	ssyncset.done $0x0  }
0xb2: {  	[sflag:s20] =	ssyncadd.s32 $0xFFFFC000  }
0xb3: {  	[spmem:s2] =	stream.indirect.scatter.add.f32 [tilespmem:s18], [sflag:$0x3], $0x80, s8, s16, $0xb8;
	[tilespmem:$0x1D000] =	vst v63  }
0xb4: {  	_ =	swait.ge [sflag:s10], $0x4000  }
0xb5: {  	[sflag:s10] =	ssyncset.done $0x0  }
0xb6: {  	[sflag:s10] =	ssyncadd.s32 $0xFFFFC000  }
0xb7: {  	[tilespmem:s18], [sflag:$0x2] =	stream.indirect.gather [hbm4b:s4+s16], $0x80, s11, s16, $0xb8;
	[tilespmem:$0x1D000] =	vst v63  }
0xb8: {  	_ =	swait.ge [sflag:s19], $0x4000  }
0xb9: {  	[sflag:s19] =	ssyncset.done $0x0  }
0xba: {  	[sflag:s19] =	ssyncadd.s32 $0xFFFFC000  }
0xbb: {  	[spmem:s2] =	stream.indirect.scatter.add.f32 [tilespmem:s17], [sflag:$0x3], $0x80, s12, s16, $0xb8;
	[tilespmem:$0x1D000] =	vst v63  }
0xbc: {  	_ =	swait.ge [sflag:s10], $0x4000  }
0xbd: {  	[sflag:s10] =	ssyncset.done $0x0  }
0xbe: {  	[sflag:s10] =	ssyncadd.s32 $0xFFFFC000  }
0xbf: {  	_ =	swait.ge [sflag:s20], $0x4000  }
0xc0: {  	[sflag:s20] =	ssyncset.done $0x0  }
0xc1: {  	[sflag:s20] =	ssyncadd.s32 $0xFFFFC000  }
0xc2: {  	[spmem:s2] =	stream.indirect.scatter.add.f32 [tilespmem:s18], [sflag:$0x3], $0x80, s13, s16, $0xb8;
	[tilespmem:$0x1D000] =	vst v63  }
0xc3: {  	s5 =	simm.s32 $0x200;
	_ =	swait.ge [sflag:s10], $0x4000  }
0xc4: {  	s9 =	simm.s32 $0x100;
	s6 =	rddreg [dreg:$0x5];
	[sflag:s10] =	ssyncset.done $0x0  }
.LBB2_2:
0xc5: {  	[sflag:s10] =	ssyncadd.s32 $0xFFFFC000;
	s6 =	sadd.s32 s9, s6  }
0xc6: {  	[tilespmem:s3], [sflag:$0x3] =	stream.linear.gather [hbm4b:s6+s3], $0x800, $0x38;
	[tilespmem:$0x1D000] =	vst v63  }
0xc7: {  	_ =	swait.ge [sflag:s10], $0x800  }
0xc8: {  	s6 =	rddreg [dreg:$0x4];
	[sflag:s10] =	ssyncset.done $0x0  }
0xc9: {  	[sflag:s10] =	ssyncadd.s32 $0xFFFFF800;
	s6 =	sadd.s32 s9, s6  }
0xca: {  	[tilespmem:s15], [sflag:$0x3] =	stream.linear.gather [hbm4b:s6+s3], $0x800, $0x38;
	[tilespmem:$0x1D000] =	vst v63  }
0xcb: {  	_ =	swait.ge [sflag:s10], $0x800  }
0xcc: {  	[sflag:s10] =	ssyncset.done $0x0  }
0xcd: {  	[sflag:s10] =	ssyncadd.s32 $0xFFFFF800  }
0xce: {  	[tilespmem:s17], [sflag:$0x1] =	stream.indirect.gather [hbm4b:s4+s16], $0x80, s3, s16, $0xb8;
	[tilespmem:$0x1D000] =	vst v63  }
0xcf: {  	_ = 	snop  }
0xd0: {  	[tilespmem:s18], [sflag:$0x2] =	stream.indirect.gather [hbm4b:s4+s16], $0x80, s16, s16, $0xb8;
	[tilespmem:$0x1D000] =	vst v63  }
0xd1: {  	_ =	swait.ge [sflag:s19], $0x4000  }
0xd2: {  	[sflag:s19] =	ssyncset.done $0x0  }
0xd3: {  	[sflag:s19] =	ssyncadd.s32 $0xFFFFC000  }
0xd4: {  	[spmem:s2] =	stream.indirect.scatter.add.f32 [tilespmem:s17], [sflag:$0x3], $0x80, s15, s16, $0xb8;
	[tilespmem:$0x1D000] =	vst v63  }
0xd5: {  	_ =	swait.ge [sflag:s10], $0x4000  }
0xd6: {  	s14 =	smov.u32 s5;
	[sflag:s10] =	ssyncset.done $0x0  }
0xd7: {  	s9 =	smov.u32 s14;
	s14 =	rddreg [dreg:$0x6];
	[sflag:s10] =	ssyncadd.s32 $0xFFFFC000  }
0xd8: {  	[tilespmem:s17], [sflag:$0x1] =	stream.indirect.gather [hbm4b:s4+s16], $0x80, s14, s16, $0xb8;
	[tilespmem:$0x1D000] =	vst v63  }
0xd9: {  	_ =	swait.ge [sflag:s20], $0x4000  }
0xda: {  	[sflag:s20] =	ssyncset.done $0x0  }
0xdb: {  	s14 =	rddreg [dreg:$0x7];
	[sflag:s20] =	ssyncadd.s32 $0xFFFFC000  }
0xdc: {  	[spmem:s2] =	stream.indirect.scatter.add.f32 [tilespmem:s18], [sflag:$0x3], $0x80, s14, s16, $0xb8;
	[tilespmem:$0x1D000] =	vst v63  }
0xdd: {  	_ =	swait.ge [sflag:s10], $0x4000  }
0xde: {  	[sflag:s10] =	ssyncset.done $0x0  }
0xdf: {  	s14 =	rddreg [dreg:$0x8];
	[sflag:s10] =	ssyncadd.s32 $0xFFFFC000  }
0xe0: {  	[tilespmem:s18], [sflag:$0x2] =	stream.indirect.gather [hbm4b:s4+s16], $0x80, s14, s16, $0xb8;
	[tilespmem:$0x1D000] =	vst v63  }
0xe1: {  	_ =	swait.ge [sflag:s19], $0x4000  }
0xe2: {  	[sflag:s19] =	ssyncset.done $0x0  }
0xe3: {  	s14 =	rddreg [dreg:$0x9];
	[sflag:s19] =	ssyncadd.s32 $0xFFFFC000  }
0xe4: {  	[spmem:s2] =	stream.indirect.scatter.add.f32 [tilespmem:s17], [sflag:$0x3], $0x80, s14, s16, $0xb8;
	[tilespmem:$0x1D000] =	vst v63  }
0xe5: {  	_ =	swait.ge [sflag:s10], $0x4000  }
0xe6: {  	[sflag:s10] =	ssyncset.done $0x0  }
0xe7: {  	s14 =	rddreg [dreg:$0xa];
	[sflag:s10] =	ssyncadd.s32 $0xFFFFC000  }
0xe8: {  	[tilespmem:s17], [sflag:$0x1] =	stream.indirect.gather [hbm4b:s4+s16], $0x80, s14, s16, $0xb8;
	[tilespmem:$0x1D000] =	vst v63  }
0xe9: {  	_ =	swait.ge [sflag:s20], $0x4000  }
0xea: {  	[sflag:s20] =	ssyncset.done $0x0  }
0xeb: {  	s14 =	rddreg [dreg:$0xb];
	[sflag:s20] =	ssyncadd.s32 $0xFFFFC000  }
0xec: {  	[spmem:s2] =	stream.indirect.scatter.add.f32 [tilespmem:s18], [sflag:$0x3], $0x80, s14, s16, $0xb8;
	[tilespmem:$0x1D000] =	vst v63  }
0xed: {  	_ =	swait.ge [sflag:s10], $0x4000  }
0xee: {  	[sflag:s10] =	ssyncset.done $0x0  }
0xef: {  	s14 =	rddreg [dreg:$0xc];
	[sflag:s10] =	ssyncadd.s32 $0xFFFFC000  }
0xf0: {  	[tilespmem:s18], [sflag:$0x2] =	stream.indirect.gather [hbm4b:s4+s16], $0x80, s14, s16, $0xb8;
	[tilespmem:$0x1D000] =	vst v63  }
0xf1: {  	_ =	swait.ge [sflag:s19], $0x4000  }
0xf2: {  	[sflag:s19] =	ssyncset.done $0x0  }
0xf3: {  	s14 =	rddreg [dreg:$0xd];
	[sflag:s19] =	ssyncadd.s32 $0xFFFFC000  }
0xf4: {  	[spmem:s2] =	stream.indirect.scatter.add.f32 [tilespmem:s17], [sflag:$0x3], $0x80, s14, s16, $0xb8;
	[tilespmem:$0x1D000] =	vst v63  }
0xf5: {  	_ =	swait.ge [sflag:s10], $0x4000  }
0xf6: {  	[sflag:s10] =	ssyncset.done $0x0  }
0xf7: {  	s14 =	rddreg [dreg:$0xe];
	[sflag:s10] =	ssyncadd.s32 $0xFFFFC000  }
0xf8: {  	[tilespmem:s17], [sflag:$0x1] =	stream.indirect.gather [hbm4b:s4+s16], $0x80, s14, s16, $0xb8;
	[tilespmem:$0x1D000] =	vst v63  }
0xf9: {  	_ =	swait.ge [sflag:s20], $0x4000  }
0xfa: {  	[sflag:s20] =	ssyncset.done $0x0  }
0xfb: {  	s14 =	rddreg [dreg:$0xf];
	[sflag:s20] =	ssyncadd.s32 $0xFFFFC000  }
0xfc: {  	[spmem:s2] =	stream.indirect.scatter.add.f32 [tilespmem:s18], [sflag:$0x3], $0x80, s14, s16, $0xb8;
	[tilespmem:$0x1D000] =	vst v63  }
0xfd: {  	_ =	swait.ge [sflag:s10], $0x4000  }
0xfe: {  	[sflag:s10] =	ssyncset.done $0x0  }
0xff: {  	s14 =	rddreg [dreg:$0x10];
	[sflag:s10] =	ssyncadd.s32 $0xFFFFC000  }
0x100: {  	[tilespmem:s18], [sflag:$0x2] =	stream.indirect.gather [hbm4b:s4+s16], $0x80, s14, s16, $0xb8;
	[tilespmem:$0x1D000] =	vst v63  }
0x101: {  	_ =	swait.ge [sflag:s19], $0x4000  }
0x102: {  	[sflag:s19] =	ssyncset.done $0x0  }
0x103: {  	s14 =	rddreg [dreg:$0x11];
	[sflag:s19] =	ssyncadd.s32 $0xFFFFC000  }
0x104: {  	[spmem:s2] =	stream.indirect.scatter.add.f32 [tilespmem:s17], [sflag:$0x3], $0x80, s14, s16, $0xb8;
	[tilespmem:$0x1D000] =	vst v63  }
0x105: {  	_ =	swait.ge [sflag:s10], $0x4000  }
0x106: {  	[sflag:s10] =	ssyncset.done $0x0  }
0x107: {  	[sflag:s10] =	ssyncadd.s32 $0xFFFFC000  }
0x108: {  	[tilespmem:s17], [sflag:$0x1] =	stream.indirect.gather [hbm4b:s4+s16], $0x80, s21, s16, $0xb8;
	[tilespmem:$0x1D000] =	vst v63  }
0x109: {  	_ =	swait.ge [sflag:s20], $0x4000  }
0x10a: {  	[sflag:s20] =	ssyncset.done $0x0  }
0x10b: {  	[sflag:s20] =	ssyncadd.s32 $0xFFFFC000  }
0x10c: {  	[spmem:s2] =	stream.indirect.scatter.add.f32 [tilespmem:s18], [sflag:$0x3], $0x80, s22, s16, $0xb8;
	[tilespmem:$0x1D000] =	vst v63  }
0x10d: {  	_ =	swait.ge [sflag:s10], $0x4000  }
0x10e: {  	[sflag:s10] =	ssyncset.done $0x0  }
0x10f: {  	[sflag:s10] =	ssyncadd.s32 $0xFFFFC000  }
0x110: {  	[tilespmem:s18], [sflag:$0x2] =	stream.indirect.gather [hbm4b:s4+s16], $0x80, s23, s16, $0xb8;
	[tilespmem:$0x1D000] =	vst v63  }
0x111: {  	_ =	swait.ge [sflag:s19], $0x4000  }
0x112: {  	[sflag:s19] =	ssyncset.done $0x0  }
0x113: {  	[sflag:s19] =	ssyncadd.s32 $0xFFFFC000  }
0x114: {  	[spmem:s2] =	stream.indirect.scatter.add.f32 [tilespmem:s17], [sflag:$0x3], $0x80, s24, s16, $0xb8;
	[tilespmem:$0x1D000] =	vst v63  }
0x115: {  	_ =	swait.ge [sflag:s10], $0x4000  }
0x116: {  	[sflag:s10] =	ssyncset.done $0x0  }
0x117: {  	[sflag:s10] =	ssyncadd.s32 $0xFFFFC000  }
0x118: {  	[tilespmem:s17], [sflag:$0x1] =	stream.indirect.gather [hbm4b:s4+s16], $0x80, s25, s16, $0xb8;
	[tilespmem:$0x1D000] =	vst v63  }
0x119: {  	_ =	swait.ge [sflag:s20], $0x4000  }
0x11a: {  	[sflag:s20] =	ssyncset.done $0x0  }
0x11b: {  	[sflag:s20] =	ssyncadd.s32 $0xFFFFC000  }
0x11c: {  	[spmem:s2] =	stream.indirect.scatter.add.f32 [tilespmem:s18], [sflag:$0x3], $0x80, s26, s16, $0xb8;
	[tilespmem:$0x1D000] =	vst v63  }
0x11d: {  	_ =	swait.ge [sflag:s10], $0x4000  }
0x11e: {  	[sflag:s10] =	ssyncset.done $0x0  }
0x11f: {  	[sflag:s10] =	ssyncadd.s32 $0xFFFFC000  }
0x120: {  	[tilespmem:s18], [sflag:$0x2] =	stream.indirect.gather [hbm4b:s4+s16], $0x80, s28, s16, $0xb8;
	[tilespmem:$0x1D000] =	vst v63  }
0x121: {  	_ =	swait.ge [sflag:s19], $0x4000  }
0x122: {  	[sflag:s19] =	ssyncset.done $0x0  }
0x123: {  	[sflag:s19] =	ssyncadd.s32 $0xFFFFC000  }
0x124: {  	[spmem:s2] =	stream.indirect.scatter.add.f32 [tilespmem:s17], [sflag:$0x3], $0x80, s29, s16, $0xb8;
	[tilespmem:$0x1D000] =	vst v63  }
0x125: {  	_ =	swait.ge [sflag:s10], $0x4000  }
0x126: {  	[sflag:s10] =	ssyncset.done $0x0  }
0x127: {  	[sflag:s10] =	ssyncadd.s32 $0xFFFFC000  }
0x128: {  	[tilespmem:s17], [sflag:$0x1] =	stream.indirect.gather [hbm4b:s4+s16], $0x80, s30, s16, $0xb8;
	[tilespmem:$0x1D000] =	vst v63  }
0x129: {  	_ =	swait.ge [sflag:s20], $0x4000  }
0x12a: {  	[sflag:s20] =	ssyncset.done $0x0  }
0x12b: {  	[sflag:s20] =	ssyncadd.s32 $0xFFFFC000  }
0x12c: {  	[spmem:s2] =	stream.indirect.scatter.add.f32 [tilespmem:s18], [sflag:$0x3], $0x80, s31, s16, $0xb8;
	[tilespmem:$0x1D000] =	vst v63  }
0x12d: {  	_ =	swait.ge [sflag:s10], $0x4000  }
0x12e: {  	[sflag:s10] =	ssyncset.done $0x0  }
0x12f: {  	[sflag:s10] =	ssyncadd.s32 $0xFFFFC000  }
0x130: {  	[tilespmem:s18], [sflag:$0x2] =	stream.indirect.gather [hbm4b:s4+s16], $0x80, s1, s16, $0xb8;
	[tilespmem:$0x1D000] =	vst v63  }
0x131: {  	_ =	swait.ge [sflag:s19], $0x4000  }
0x132: {  	[sflag:s19] =	ssyncset.done $0x0  }
0x133: {  	[sflag:s19] =	ssyncadd.s32 $0xFFFFC000  }
0x134: {  	[spmem:s2] =	stream.indirect.scatter.add.f32 [tilespmem:s17], [sflag:$0x3], $0x80, s0, s16, $0xb8;
	[tilespmem:$0x1D000] =	vst v63  }
0x135: {  	_ =	swait.ge [sflag:s10], $0x4000  }
0x136: {  	[sflag:s10] =	ssyncset.done $0x0  }
0x137: {  	[sflag:s10] =	ssyncadd.s32 $0xFFFFC000  }
0x138: {  	[tilespmem:s17], [sflag:$0x1] =	stream.indirect.gather [hbm4b:s4+s16], $0x80, s7, s16, $0xb8;
	[tilespmem:$0x1D000] =	vst v63  }
0x139: {  	_ =	swait.ge [sflag:s20], $0x4000  }
0x13a: {  	[sflag:s20] =	ssyncset.done $0x0  }
0x13b: {  	[sflag:s20] =	ssyncadd.s32 $0xFFFFC000  }
0x13c: {  	[spmem:s2] =	stream.indirect.scatter.add.f32 [tilespmem:s18], [sflag:$0x3], $0x80, s8, s16, $0xb8;
	[tilespmem:$0x1D000] =	vst v63  }
0x13d: {  	_ =	swait.ge [sflag:s10], $0x4000  }
0x13e: {  	[sflag:s10] =	ssyncset.done $0x0  }
0x13f: {  	[sflag:s10] =	ssyncadd.s32 $0xFFFFC000  }
0x140: {  	[tilespmem:s18], [sflag:$0x2] =	stream.indirect.gather [hbm4b:s4+s16], $0x80, s11, s16, $0xb8;
	[tilespmem:$0x1D000] =	vst v63  }
0x141: {  	_ =	swait.ge [sflag:s19], $0x4000  }
0x142: {  	[sflag:s19] =	ssyncset.done $0x0  }
0x143: {  	[sflag:s19] =	ssyncadd.s32 $0xFFFFC000  }
0x144: {  	[spmem:s2] =	stream.indirect.scatter.add.f32 [tilespmem:s17], [sflag:$0x3], $0x80, s12, s16, $0xb8;
	[tilespmem:$0x1D000] =	vst v63  }
0x145: {  	_ =	swait.ge [sflag:s10], $0x4000  }
0x146: {  	[sflag:s10] =	ssyncset.done $0x0  }
0x147: {  	[sflag:s10] =	ssyncadd.s32 $0xFFFFC000  }
0x148: {  	p0 =	sne.s32 s5, $0x400;
	_ =	swait.ge [sflag:s20], $0x4000  }
.Ltmp0:
0x149: {  	[sflag:s20] =	ssyncset.done $0x0;
	(pc) =	sbr.rel @p0 .LBB2_2-.Ltmp0, $4  }
0x14a: {  	[sflag:s20] =	ssyncadd.s32 $0xFFFFC000  }
0x14b: {  	[spmem:s2] =	stream.indirect.scatter.add.f32 [tilespmem:s18], [sflag:$0x3], $0x80, s13, s16, $0xb8;
	[tilespmem:$0x1D000] =	vst v63  }
0x14c: {  	_ =	swait.ge [sflag:s10], $0x4000  }
0x14d: {  	s5 =	sadd.s32 $0x100, s5;
	s6 =	rddreg [dreg:$0x5];
	[sflag:s10] =	ssyncset.done $0x0  }
0x14e: {  	[sflag:s10] =	ssyncadd.s32 $0xFFFFC000;
	s5 =	sadd.s32 s9, s6  }
0x14f: {  	[tilespmem:s3], [sflag:$0x3] =	stream.linear.gather [hbm4b:s5+s3], $0x800, $0x38;
	[tilespmem:$0x1D000] =	vst v63  }
0x150: {  	_ =	swait.ge [sflag:s10], $0x800  }
0x151: {  	s14 =	rddreg [dreg:$0x4];
	[sflag:s10] =	ssyncset.done $0x0  }
0x152: {  	s5 =	sadd.s32 s9, s14;
	[sflag:s10] =	ssyncadd.s32 $0xFFFFF800  }
0x153: {  	[tilespmem:s15], [sflag:$0x3] =	stream.linear.gather [hbm4b:s5+s3], $0x800, $0x38;
	[tilespmem:$0x1D000] =	vst v63  }
0x154: {  	_ =	swait.ge [sflag:s10], $0x800  }
0x155: {  	[sflag:s10] =	ssyncset.done $0x0  }
0x156: {  	[sflag:s10] =	ssyncadd.s32 $0xFFFFF800  }
0x157: {  	[tilespmem:s17], [sflag:$0x1] =	stream.indirect.gather [hbm4b:s4+s16], $0x80, s3, s16, $0xb8;
	[tilespmem:$0x1D000] =	vst v63  }
0x158: {  	_ = 	snop  }
0x159: {  	[tilespmem:s18], [sflag:$0x2] =	stream.indirect.gather [hbm4b:s4+s16], $0x80, s16, s16, $0xb8;
	[tilespmem:$0x1D000] =	vst v63  }
0x15a: {  	_ =	swait.ge [sflag:s19], $0x4000  }
0x15b: {  	[sflag:s19] =	ssyncset.done $0x0  }
0x15c: {  	[sflag:s19] =	ssyncadd.s32 $0xFFFFC000  }
0x15d: {  	[spmem:s2] =	stream.indirect.scatter.add.f32 [tilespmem:s17], [sflag:$0x3], $0x80, s15, s16, $0xb8;
	[tilespmem:$0x1D000] =	vst v63  }
0x15e: {  	_ =	swait.ge [sflag:s10], $0x4000  }
0x15f: {  	[sflag:s10] =	ssyncset.done $0x0  }
0x160: {  	s6 =	rddreg [dreg:$0x6];
	[sflag:s10] =	ssyncadd.s32 $0xFFFFC000  }
0x161: {  	[tilespmem:s17], [sflag:$0x1] =	stream.indirect.gather [hbm4b:s4+s16], $0x80, s6, s16, $0xb8;
	[tilespmem:$0x1D000] =	vst v63  }
0x162: {  	_ =	swait.ge [sflag:s20], $0x4000  }
0x163: {  	[sflag:s20] =	ssyncset.done $0x0  }
0x164: {  	s9 =	rddreg [dreg:$0x7];
	[sflag:s20] =	ssyncadd.s32 $0xFFFFC000  }
0x165: {  	[spmem:s2] =	stream.indirect.scatter.add.f32 [tilespmem:s18], [sflag:$0x3], $0x80, s9, s16, $0xb8;
	[tilespmem:$0x1D000] =	vst v63  }
0x166: {  	_ =	swait.ge [sflag:s10], $0x4000  }
0x167: {  	[sflag:s10] =	ssyncset.done $0x0  }
0x168: {  	s14 =	rddreg [dreg:$0x8];
	[sflag:s10] =	ssyncadd.s32 $0xFFFFC000  }
0x169: {  	[tilespmem:s18], [sflag:$0x2] =	stream.indirect.gather [hbm4b:s4+s16], $0x80, s14, s16, $0xb8;
	[tilespmem:$0x1D000] =	vst v63  }
0x16a: {  	_ =	swait.ge [sflag:s19], $0x4000  }
0x16b: {  	[sflag:s19] =	ssyncset.done $0x0  }
0x16c: {  	s6 =	rddreg [dreg:$0x9];
	[sflag:s19] =	ssyncadd.s32 $0xFFFFC000  }
0x16d: {  	[spmem:s2] =	stream.indirect.scatter.add.f32 [tilespmem:s17], [sflag:$0x3], $0x80, s6, s16, $0xb8;
	[tilespmem:$0x1D000] =	vst v63  }
0x16e: {  	_ =	swait.ge [sflag:s10], $0x4000  }
0x16f: {  	[sflag:s10] =	ssyncset.done $0x0  }
0x170: {  	s9 =	rddreg [dreg:$0xa];
	[sflag:s10] =	ssyncadd.s32 $0xFFFFC000  }
0x171: {  	[tilespmem:s17], [sflag:$0x1] =	stream.indirect.gather [hbm4b:s4+s16], $0x80, s9, s16, $0xb8;
	[tilespmem:$0x1D000] =	vst v63  }
0x172: {  	_ =	swait.ge [sflag:s20], $0x4000  }
0x173: {  	[sflag:s20] =	ssyncset.done $0x0  }
0x174: {  	s14 =	rddreg [dreg:$0xb];
	[sflag:s20] =	ssyncadd.s32 $0xFFFFC000  }
0x175: {  	[spmem:s2] =	stream.indirect.scatter.add.f32 [tilespmem:s18], [sflag:$0x3], $0x80, s14, s16, $0xb8;
	[tilespmem:$0x1D000] =	vst v63  }
0x176: {  	_ =	swait.ge [sflag:s10], $0x4000  }
0x177: {  	[sflag:s10] =	ssyncset.done $0x0  }
0x178: {  	s6 =	rddreg [dreg:$0xc];
	[sflag:s10] =	ssyncadd.s32 $0xFFFFC000  }
0x179: {  	[tilespmem:s18], [sflag:$0x2] =	stream.indirect.gather [hbm4b:s4+s16], $0x80, s6, s16, $0xb8;
	[tilespmem:$0x1D000] =	vst v63  }
0x17a: {  	_ =	swait.ge [sflag:s19], $0x4000  }
0x17b: {  	[sflag:s19] =	ssyncset.done $0x0  }
0x17c: {  	s9 =	rddreg [dreg:$0xd];
	[sflag:s19] =	ssyncadd.s32 $0xFFFFC000  }
0x17d: {  	[spmem:s2] =	stream.indirect.scatter.add.f32 [tilespmem:s17], [sflag:$0x3], $0x80, s9, s16, $0xb8;
	[tilespmem:$0x1D000] =	vst v63  }
0x17e: {  	_ =	swait.ge [sflag:s10], $0x4000  }
0x17f: {  	[sflag:s10] =	ssyncset.done $0x0  }
0x180: {  	s14 =	rddreg [dreg:$0xe];
	[sflag:s10] =	ssyncadd.s32 $0xFFFFC000  }
0x181: {  	[tilespmem:s17], [sflag:$0x1] =	stream.indirect.gather [hbm4b:s4+s16], $0x80, s14, s16, $0xb8;
	[tilespmem:$0x1D000] =	vst v63  }
0x182: {  	_ =	swait.ge [sflag:s20], $0x4000  }
0x183: {  	[sflag:s20] =	ssyncset.done $0x0  }
0x184: {  	s6 =	rddreg [dreg:$0xf];
	[sflag:s20] =	ssyncadd.s32 $0xFFFFC000  }
0x185: {  	[spmem:s2] =	stream.indirect.scatter.add.f32 [tilespmem:s18], [sflag:$0x3], $0x80, s6, s16, $0xb8;
	[tilespmem:$0x1D000] =	vst v63  }
0x186: {  	_ =	swait.ge [sflag:s10], $0x4000  }
0x187: {  	[sflag:s10] =	ssyncset.done $0x0  }
0x188: {  	s9 =	rddreg [dreg:$0x10];
	[sflag:s10] =	ssyncadd.s32 $0xFFFFC000  }
0x189: {  	[tilespmem:s18], [sflag:$0x2] =	stream.indirect.gather [hbm4b:s4+s16], $0x80, s9, s16, $0xb8;
	[tilespmem:$0x1D000] =	vst v63  }
0x18a: {  	_ =	swait.ge [sflag:s19], $0x4000  }
0x18b: {  	[sflag:s19] =	ssyncset.done $0x0  }
0x18c: {  	s14 =	rddreg [dreg:$0x11];
	[sflag:s19] =	ssyncadd.s32 $0xFFFFC000  }
0x18d: {  	[spmem:s2] =	stream.indirect.scatter.add.f32 [tilespmem:s17], [sflag:$0x3], $0x80, s14, s16, $0xb8;
	[tilespmem:$0x1D000] =	vst v63  }
0x18e: {  	_ =	swait.ge [sflag:s10], $0x4000  }
0x18f: {  	[sflag:s10] =	ssyncset.done $0x0  }
0x190: {  	[sflag:s10] =	ssyncadd.s32 $0xFFFFC000  }
0x191: {  	[tilespmem:s17], [sflag:$0x1] =	stream.indirect.gather [hbm4b:s4+s16], $0x80, s21, s16, $0xb8;
	[tilespmem:$0x1D000] =	vst v63  }
0x192: {  	_ =	swait.ge [sflag:s20], $0x4000  }
0x193: {  	[sflag:s20] =	ssyncset.done $0x0  }
0x194: {  	[sflag:s20] =	ssyncadd.s32 $0xFFFFC000  }
0x195: {  	[spmem:s2] =	stream.indirect.scatter.add.f32 [tilespmem:s18], [sflag:$0x3], $0x80, s22, s16, $0xb8;
	[tilespmem:$0x1D000] =	vst v63  }
0x196: {  	_ =	swait.ge [sflag:s10], $0x4000  }
0x197: {  	[sflag:s10] =	ssyncset.done $0x0  }
0x198: {  	[sflag:s10] =	ssyncadd.s32 $0xFFFFC000  }
0x199: {  	[tilespmem:s18], [sflag:$0x2] =	stream.indirect.gather [hbm4b:s4+s16], $0x80, s23, s16, $0xb8;
	[tilespmem:$0x1D000] =	vst v63  }
0x19a: {  	_ =	swait.ge [sflag:s19], $0x4000  }
0x19b: {  	[sflag:s19] =	ssyncset.done $0x0  }
0x19c: {  	[sflag:s19] =	ssyncadd.s32 $0xFFFFC000  }
0x19d: {  	[spmem:s2] =	stream.indirect.scatter.add.f32 [tilespmem:s17], [sflag:$0x3], $0x80, s24, s16, $0xb8;
	[tilespmem:$0x1D000] =	vst v63  }
0x19e: {  	_ =	swait.ge [sflag:s10], $0x4000  }
0x19f: {  	[sflag:s10] =	ssyncset.done $0x0  }
0x1a0: {  	[sflag:s10] =	ssyncadd.s32 $0xFFFFC000  }
0x1a1: {  	[tilespmem:s17], [sflag:$0x1] =	stream.indirect.gather [hbm4b:s4+s16], $0x80, s25, s16, $0xb8;
	[tilespmem:$0x1D000] =	vst v63  }
0x1a2: {  	_ =	swait.ge [sflag:s20], $0x4000  }
0x1a3: {  	[sflag:s20] =	ssyncset.done $0x0  }
0x1a4: {  	[sflag:s20] =	ssyncadd.s32 $0xFFFFC000  }
0x1a5: {  	[spmem:s2] =	stream.indirect.scatter.add.f32 [tilespmem:s18], [sflag:$0x3], $0x80, s26, s16, $0xb8;
	[tilespmem:$0x1D000] =	vst v63  }
0x1a6: {  	_ =	swait.ge [sflag:s10], $0x4000  }
0x1a7: {  	[sflag:s10] =	ssyncset.done $0x0  }
0x1a8: {  	[sflag:s10] =	ssyncadd.s32 $0xFFFFC000  }
0x1a9: {  	[tilespmem:s18], [sflag:$0x2] =	stream.indirect.gather [hbm4b:s4+s16], $0x80, s28, s16, $0xb8;
	[tilespmem:$0x1D000] =	vst v63  }
0x1aa: {  	_ =	swait.ge [sflag:s19], $0x4000  }
0x1ab: {  	[sflag:s19] =	ssyncset.done $0x0  }
0x1ac: {  	[sflag:s19] =	ssyncadd.s32 $0xFFFFC000  }
0x1ad: {  	[spmem:s2] =	stream.indirect.scatter.add.f32 [tilespmem:s17], [sflag:$0x3], $0x80, s29, s16, $0xb8;
	[tilespmem:$0x1D000] =	vst v63  }
0x1ae: {  	_ =	swait.ge [sflag:s10], $0x4000  }
0x1af: {  	[sflag:s10] =	ssyncset.done $0x0  }
0x1b0: {  	[sflag:s10] =	ssyncadd.s32 $0xFFFFC000  }
0x1b1: {  	[tilespmem:s17], [sflag:$0x1] =	stream.indirect.gather [hbm4b:s4+s16], $0x80, s30, s16, $0xb8;
	[tilespmem:$0x1D000] =	vst v63  }
0x1b2: {  	_ =	swait.ge [sflag:s20], $0x4000  }
0x1b3: {  	[sflag:s20] =	ssyncset.done $0x0  }
0x1b4: {  	[sflag:s20] =	ssyncadd.s32 $0xFFFFC000  }
0x1b5: {  	[spmem:s2] =	stream.indirect.scatter.add.f32 [tilespmem:s18], [sflag:$0x3], $0x80, s31, s16, $0xb8;
	[tilespmem:$0x1D000] =	vst v63  }
0x1b6: {  	_ =	swait.ge [sflag:s10], $0x4000  }
0x1b7: {  	[sflag:s10] =	ssyncset.done $0x0  }
0x1b8: {  	[sflag:s10] =	ssyncadd.s32 $0xFFFFC000  }
0x1b9: {  	[tilespmem:s18], [sflag:$0x2] =	stream.indirect.gather [hbm4b:s4+s16], $0x80, s1, s16, $0xb8;
	[tilespmem:$0x1D000] =	vst v63  }
0x1ba: {  	_ =	swait.ge [sflag:s19], $0x4000  }
0x1bb: {  	[sflag:s19] =	ssyncset.done $0x0  }
0x1bc: {  	[sflag:s19] =	ssyncadd.s32 $0xFFFFC000  }
0x1bd: {  	[spmem:s2] =	stream.indirect.scatter.add.f32 [tilespmem:s17], [sflag:$0x3], $0x80, s0, s16, $0xb8;
	[tilespmem:$0x1D000] =	vst v63  }
0x1be: {  	_ =	swait.ge [sflag:s10], $0x4000  }
0x1bf: {  	[sflag:s10] =	ssyncset.done $0x0  }
0x1c0: {  	[sflag:s10] =	ssyncadd.s32 $0xFFFFC000  }
0x1c1: {  	[tilespmem:s17], [sflag:$0x1] =	stream.indirect.gather [hbm4b:s4+s16], $0x80, s7, s16, $0xb8;
	[tilespmem:$0x1D000] =	vst v63  }
0x1c2: {  	_ =	swait.ge [sflag:s20], $0x4000  }
0x1c3: {  	[sflag:s20] =	ssyncset.done $0x0  }
0x1c4: {  	[sflag:s20] =	ssyncadd.s32 $0xFFFFC000  }
0x1c5: {  	[spmem:s2] =	stream.indirect.scatter.add.f32 [tilespmem:s18], [sflag:$0x3], $0x80, s8, s16, $0xb8;
	[tilespmem:$0x1D000] =	vst v63  }
0x1c6: {  	_ =	swait.ge [sflag:s10], $0x4000  }
0x1c7: {  	[sflag:s10] =	ssyncset.done $0x0  }
0x1c8: {  	[sflag:s10] =	ssyncadd.s32 $0xFFFFC000  }
0x1c9: {  	[tilespmem:s18], [sflag:$0x2] =	stream.indirect.gather [hbm4b:s4+s16], $0x80, s11, s16, $0xb8;
	[tilespmem:$0x1D000] =	vst v63  }
0x1ca: {  	_ =	swait.ge [sflag:s19], $0x4000  }
0x1cb: {  	[sflag:s19] =	ssyncset.done $0x0  }
0x1cc: {  	[sflag:s19] =	ssyncadd.s32 $0xFFFFC000  }
0x1cd: {  	[spmem:s2] =	stream.indirect.scatter.add.f32 [tilespmem:s17], [sflag:$0x3], $0x80, s12, s16, $0xb8;
	[tilespmem:$0x1D000] =	vst v63  }
0x1ce: {  	_ =	swait.ge [sflag:s10], $0x4000  }
0x1cf: {  	[sflag:s10] =	ssyncset.done $0x0  }
0x1d0: {  	[sflag:s10] =	ssyncadd.s32 $0xFFFFC000  }
0x1d1: {  	_ =	swait.ge [sflag:s20], $0x4000  }
0x1d2: {  	[sflag:s20] =	ssyncset.done $0x0  }
0x1d3: {  	[sflag:s20] =	ssyncadd.s32 $0xFFFFC000  }
0x1d4: {  	[spmem:s2] =	stream.indirect.scatter.add.f32 [tilespmem:s18], [sflag:$0x3], $0x80, s13, s16, $0xb8;
	[tilespmem:$0x1D000] =	vst v63  }
0x1d5: {  	_ =	swait.ge [sflag:s10], $0x4000  }
0x1d6: {  	[sflag:s10] =	ssyncset.done $0x0  }
0x1d7: {  	[sflag:s10] =	ssyncadd.s32 $0xFFFFC000  }
0x1d8: {  	[bflag:$0x0] =	sbarrier.arrive $0xFFFF  }
0x1d9: {  	s14 =	rddreg [dreg:$0x13]  }
0x1da: {  	s6 =	rddreg [dreg:$0x14]  }
0x1db: {  	s9 =	rddreg [dreg:$0x16]  }
0x1dc: {  	[hbm:s6], [sflag:s14] =	dma.local [spmem:s9], $0x2800  }
0x1dd: {  	_ =	swait.ge [sflag:s10], $0x2800  }
0x1de: {  	s5 =	rddreg [dreg:$0x1b]  }
0x1df: {  	s6 =	sadd.s32 $0x1, s5;
	s5 =	rddreg [dreg:$0x15]  }
0x1e0: {  	p0 =	sne.s32 s6, s5  }
.Ltmp1:
0x1e1: {  	_ = 	snop;
	(pc) =	sbr.rel @p0 .LBB2_1-.Ltmp1, $3  }
0x1e2: {  	_ =	sdelay $0x1  }
0x1e3: {  	[sflag:s10] =	ssyncset.done $0x0  }
0x1e4: {  	[sflag:s10] =	ssyncadd.s32 $0xFFFFD800  }
0x1e5: {  	_ =	sfence.sel $0x180000  }
0x1e6: {  	[bflag:$0x0] =	sbarrier.arrive $0xFFFF  }
0x1e7: {  	_ =	strace $0x9000004D  }
0x1e8: {  	s0 =	stileid.u32;
	[bflag:$0x2] =	sbarrier.arrive $0xFFFF  }
0x1e9: {  	p0 =	sne.s32 s0, $0x0;
	s0 =	rddreg [dreg:$0x3]  }
0x1ea: {  	s0 =	sadd.s32 @!p0 $0x100000, s0  }
0x1eb: {  	[sflag:s0] =	ssyncadd.tile.s32 @!p0 $0x1;
	_ =	shalt  }
.Lfunc_end2:
_tile_overlayer_lowered:
.L_overlay_start_2:
0x1ec: {  	(tag) =	ssettag $0x2  }
0x1ed: {  	s0 =	rddreg [dreg:$0x0];
	s2 =	stileid.u32  }
0x1ee: {  	s1 =	rddreg [dreg:$0x1];
	p0 =	sne.s32 s2, $0x0  }
0x1ef: {  	s3 =	rddreg [dreg:$0x2];
	[bflag:$0x3] =	sbarrier.arrive $0xFFFF;
	s2 =	simm.s32 @!p0 $0x1C03  }
0x1f0: {  	[timem:s3], [sflag:s2] =	dma.local @!p0 [hbm:s0], s1  }
0x1f1: {  	s0 =	simm.s32 @!p0 $0x3  }
0x1f2: {  	_ =	swait.ge @!p0 [sflag:s0], s1  }
0x1f3: {  	s1 =	ssub.s32 @!p0 $0x0, s1;
	[sflag:s0] =	ssyncset.done @!p0 $0x0  }
0x1f4: {  	[sflag:s0] =	ssyncadd.s32 @!p0 s1  }
0x1f5: {  	[bflag:$0x3] =	sbarrier.arrive $0xFFFF  }
0x1f6: {  	_ =	shalt  }

// kernel: kernel.20.cloned.1.call-start
scs
__scs_entry_jumppad:
0x0: {  	(pc) =	sbr.rel $0x88, $3  }
0x1: {  	(tag) =	ssettag $0x0;
	lr =	simm.s32 $0x1  }
0x2: {  	[smem:$0x3F9C] =	sst lr;
	_ =	strace $0xD0000000  }
0x3: {  	_ = 	snop  }
0x4: {  	_ = 	snop  }
0x5: {  	_ = 	snop  }
0x6: {  	_ = 	snop  }
0x7: {  	_ = 	snop  }
__scs_overlays_trampoline_lowered:
0x8: {  	[smem:$0x3FAB] =	sst s0  }
0x9: {  	[smem:$0x3FAC] =	sst s1  }
0xa: {  	[smem:$0x3FAD] =	sst s2  }
0xb: {  	[smem:$0x3FAE] =	sst s3  }
0xc: {  	[smem:$0x3FAF] =	sst s4  }
0xd: {  	[smem:$0x3FB0] =	sst s5  }
0xe: {  	[smem:$0x3FB1] =	sst s6  }
0xf: {  	[smem:$0x3FB2] =	sst s7  }
0x10: {  	[smem:$0x3FB3] =	sst s8  }
0x11: {  	[smem:$0x3FB4] =	sst s9;
	s0 =	simm.s32 @!p0 $0x0  }
0x12: {  	s1 =	sld [smem:$0x3F9A];
	s0 =	simm.s32 @p0 $0x1  }
0x13: {  	[smem:$0x3FB5] =	sst s0;
	s0 =	simm.s32 @!p1 $0x0  }
0x14: {  	s2 =	sld [smem:$0x3F99];
	s0 =	simm.s32 @p1 $0x1  }
0x15: {  	[smem:$0x3FB6] =	sst s0;
	s0 =	simm.s32 @!p2 $0x0  }
0x16: {  	s3 =	sld [smem:$0x3FDB];
	s0 =	simm.s32 @p2 $0x1  }
0x17: {  	s4 =	simm.s32 $0x1BF5;
	[smem:$0x3FB8] =	sst s0  }
0x18: {  	s0 =	sld [smem:$0x3F9B];
	_ =	swait.ge [sflag:s4], $0x0  }
0x19: {  	s7 =	sld [smem:$0x3F9C]  }
0x1a: {  	s8 =	sadd.s32 $0xFFFFE003, lr  }
0x1b: {  	s9 =	sadd.s32 $0xFFFFFEF7, lr;
	s5 =	simm.s32 $0xFFFFFFFF;
	p2 =	slt.u32 s8, $0xFFFFF086  }
0x1c: {  	p1 =	slt.u32 s9, $0xF7A;
	s5 =	simm.s32 @!p2 $0x0  }
0x1d: {  	s5 =	simm.s32 @p1 $0x1;
	p0 =	seq.s32 s7, s2  }
0x1e: {  	s7 =	smul.u32 @!p0 $0xF7A, s2;
	p2 =	seq.s32 @!p0 s5, $0x0  }
0x1f: {  	s9 =	smul.u32 $0xF7A, s1;
	s8 =	simm.s32 @!p0 $0x1BF5;
	p2 =	por !p2, p0  }
0x20: {  	[sflag:s8] =	ssyncset.s32 @!p0 $0xFFFFF086;
	s6 =	sadd.s32 @!p0 s3, s7;
	s7 =	simm.s32 @!p0 $0x108  }
0x21: {  	s3 =	sadd.s32 s3, s9;
	s6 =	sadd.s32 @!p0 $0x88, s6;
	s7 =	simm.s32 @p2 $0x1082  }
0x22: {  	[simem:s7], [sflag:s8] =	dma.local @!p0 [hbm:s6], $0xF7A  }
0x23: {  	s9 =	sor.u32 $0xD0000000, s2;
	s6 =	simm.s32 $0x108;
	_ =	swait.ge @!p0 [sflag:s8], $0x0  }
0x24: {  	s3 =	sadd.s32 $0x88, s3;
	s6 =	simm.s32 @!p1 $0x1082;
	[sflag:s4] =	ssyncset.s32 $0xFFFFF086  }
0x25: {  	[simem:s6], [sflag:s4] =	dma.local [hbm:s3], $0xF7A  }
0x26: {  	[smem:$0x3F9C] =	sst s1;
	(tag) =	ssettag s2;
	_ =	strace s9  }
0x27: {  	s1 =	sld [smem:$0x3FAC]  }
0x28: {  	s2 =	sld [smem:$0x3FAD]  }
0x29: {  	s4 =	sld [smem:$0x3FAF]  }
0x2a: {  	p0 =	seq.s32 s5, $0x0;
	s5 =	sld [smem:$0x3FB0]  }
0x2b: {  	s6 =	sld [smem:$0x3FB1]  }
0x2c: {  	s7 =	sld [smem:$0x3FB2]  }
0x2d: {  	s3 =	simm.s32 $0x108;
	s8 =	sld [smem:$0x3FB3]  }
0x2e: {  	s3 =	simm.s32 @!p0 $0x1082;
	s9 =	sld [smem:$0x3FB4]  }
0x2f: {  	lr =	sadd.s32 s0, s3;
	s0 =	sld [smem:$0x3FAB]  }
0x30: {  	s3 =	sld [smem:$0x3FAE]  }
0x31: {  	[smem:$0x3FB7] =	sst s10  }
0x32: {  	s10 =	sld [smem:$0x3FB5];
	_ =	sdelay $0x3  }
0x33: {  	p0 =	seq.s32 s10, $0x1;
	s10 =	sld [smem:$0x3FB7];
	_ =	sdelay $0x3  }
0x34: {  	[smem:$0x3FB7] =	sst s10  }
0x35: {  	s10 =	sld [smem:$0x3FB6];
	_ =	sdelay $0x3  }
0x36: {  	p1 =	seq.s32 s10, $0x1;
	s10 =	sld [smem:$0x3FB7];
	_ =	sdelay $0x3  }
0x37: {  	[smem:$0x3FB7] =	sst s10  }
0x38: {  	s10 =	sld [smem:$0x3FB8]  }
0x39: {  	_ = 	snop;
	(pc) =	sbr.ind lr, $3  }
0x3a: {  	_ = 	snop  }
0x3b: {  	_ = 	snop  }
0x3c: {  	p2 =	seq.s32 s10, $0x1;
	s10 =	sld [smem:$0x3FB7]  }
0x3d: {  	_ =	shalt  }
0x3e: {  	_ =	shalt  }
0x3f: {  	_ =	shalt  }
0x40: {  	_ =	shalt  }
0x41: {  	_ =	shalt  }
0x42: {  	_ =	shalt  }
0x43: {  	_ =	shalt  }
0x44: {  	_ =	shalt  }
0x45: {  	_ =	shalt  }
0x46: {  	_ =	shalt  }
0x47: {  	_ =	shalt  }
0x48: {  	_ =	shalt  }
0x49: {  	_ =	shalt  }
0x4a: {  	_ =	shalt  }
0x4b: {  	_ =	shalt  }
0x4c: {  	_ =	shalt  }
0x4d: {  	_ =	shalt  }
0x4e: {  	_ =	shalt  }
0x4f: {  	_ =	shalt  }
0x50: {  	_ =	shalt  }
0x51: {  	_ =	shalt  }
0x52: {  	_ =	shalt  }
0x53: {  	_ =	shalt  }
0x54: {  	_ =	shalt  }
0x55: {  	_ =	shalt  }
0x56: {  	_ =	shalt  }
0x57: {  	_ =	shalt  }
0x58: {  	_ =	shalt  }
0x59: {  	_ =	shalt  }
0x5a: {  	_ =	shalt  }
0x5b: {  	_ =	shalt  }
0x5c: {  	_ =	shalt  }
0x5d: {  	_ =	shalt  }
0x5e: {  	_ =	shalt  }
0x5f: {  	_ =	shalt  }
0x60: {  	_ =	shalt  }
0x61: {  	_ =	shalt  }
0x62: {  	_ =	shalt  }
0x63: {  	_ =	shalt  }
0x64: {  	_ =	shalt  }
0x65: {  	_ =	shalt  }
0x66: {  	_ =	shalt  }
0x67: {  	_ =	shalt  }
0x68: {  	_ =	shalt  }
0x69: {  	_ =	shalt  }
0x6a: {  	_ =	shalt  }
0x6b: {  	_ =	shalt  }
0x6c: {  	_ =	shalt  }
0x6d: {  	_ =	shalt  }
0x6e: {  	_ =	shalt  }
0x6f: {  	_ =	shalt  }
0x70: {  	_ =	shalt  }
0x71: {  	_ =	shalt  }
0x72: {  	_ =	shalt  }
0x73: {  	_ =	shalt  }
0x74: {  	_ =	shalt  }
0x75: {  	_ =	shalt  }
0x76: {  	_ =	shalt  }
0x77: {  	_ =	shalt  }
0x78: {  	_ =	shalt  }
0x79: {  	_ =	shalt  }
0x7a: {  	_ =	shalt  }
0x7b: {  	_ =	shalt  }
0x7c: {  	_ =	shalt  }
0x7d: {  	_ =	shalt  }
0x7e: {  	_ =	shalt  }
0x7f: {  	_ =	shalt  }
0x80: {  	_ =	shalt  }
0x81: {  	_ =	shalt  }
0x82: {  	_ =	shalt  }
0x83: {  	_ =	shalt  }
0x84: {  	_ =	shalt  }
0x85: {  	_ =	shalt  }
0x86: {  	_ =	shalt  }
0x87: {  	_ =	shalt  }
.Lfunc_end0:
.L_simem_size_0:
called_computation.3_lowered:
.L_overlay_start_0:
0x88: {  	s2 =	sld [smem:$0x3FD9]  }
0x89: {  	s3 =	sld [smem:$0x3FFE];
	_ =	sdelay $0x1  }
0x8a: {  	s1 =	srdreg.scid  }
0x8b: {  	s0 =	sand.u32 $0x1, s1  }
0x8c: {  	s17 =	sshll.u32 s0, $0xA;
	s2 =	sadd.s32 s3, s2  }
0x8d: {  	s2 =	sadd.s32 s2, s17  }
0x8e: {  	[smem:$0x3FC3] =	sst s2  }
0x8f: {  	_ = 	snop  }
0x90: {  	s2 =	sld [smem:$0x3FD0];
	(tm) =	ssettm $0x1  }
0x91: {  	s18 =	sld [smem:$0x3FFB];
	_ =	sdelay $0x3  }
0x92: {  	_ =	strace s18  }
0x93: {  	s3 =	sld [smem:$0x3FFC];
	_ =	sdelay $0x3  }
0x94: {  	_ =	strace s3  }
0x95: {  	s3 =	sld [smem:$0x3FFD];
	_ =	sdelay $0x3  }
0x96: {  	_ =	strace s3  }
0x97: {  	_ =	strace $0x8FFFFFFF  }
0x98: {  	s19 =	sld [smem:$0x3FDB];
	_ =	sdelay $0x1  }
0x99: {  	s4 =	simm.s32 $_scs_section_size  }
0x9a: {  	s5 =	simm.s32 $_size__tile_overlayer_lowered;
	s6 =	simm.s32 $_tile_overlayer_lowered  }
0x9b: {  	s22 =	simm.s32 $0x1BFF;
	s21 =	sshll.u32 s6, $0x1;
	s3 =	sadd.s32 s4, s19  }
0x9c: {  	s7 =	simm.s32 $0x0;
	s20 =	sshll.u32 s5, $0x1;
	s5 =	sadd.s32 s21, s3  }
0x9d: {  	[timem:s7], [sflag:s22] =	dma.local [hbm:s5], s20  }
0x9e: {  	_ =	swait.ge [sflag:s22], s20  }
0x9f: {  	s4 =	ssub.s32 $0x0, s20;
	[sflag:s22] =	ssyncset.done $0x0  }
0xa0: {  	[sflag:s22] =	ssyncadd.s32 s4;
	_ =	sdelay $0x1  }
0xa1: {  	s23 =	simm.s32 $0x1B8B  }
0xa2: {  	_ =	swait.ge [sflag:s23], $0x1  }
0xa3: {  	[sflag:s23] =	ssyncset.done $0x0  }
0xa4: {  	s25 =	simm.s32 $0x1B8E;
	s24 =	sld [smem:$0x3FFE];
	[sflag:s23] =	ssyncadd.s32 $0xFFFFFFFF  }
0xa5: {  	s26 =	simm.s32 $execute0_lowered;
	[smem:$0x3FD2] =	sst s25  }
0xa6: {  	s5 =	sshll.u32 s26, $0x1;
	_ =	strace $0x8000004F;
	[dreg:$0x1] =	wrdreg $0xFFFFFFFF  }
0xa7: {  	s28 =	simm.s32 $_size_execute0_lowered;
	s3 =	sadd.s32 s3, s5;
	[dreg:$0x0] =	wrdreg $0x0  }
0xa8: {  	s5 =	sshll.u32 s28, $0x1;
	[dreg:$0x2] =	wrdreg s3  }
0xa9: {  	[dreg:$0x3] =	wrdreg s5  }
0xaa: {  	[dreg:$0x4] =	wrdreg $0xC0  }
0xab: {  	_ =	task [dreg:s7], $0x5FFFF  }
0xac: {  	[dreg:$0x1] =	wrdreg $0xFFFFFFFF  }
0xad: {  	[dreg:$0x0] =	wrdreg $0x60  }
0xae: {  	[dreg:$0x2] =	wrdreg s24  }
0xaf: {  	[dreg:$0x3] =	wrdreg s2  }
0xb0: {  	[dreg:$0x4] =	wrdreg $0x90000  }
0xb1: {  	[dreg:$0x5] =	wrdreg $0x9  }
0xb2: {  	_ =	task.clear_ibuf [dreg:s7], $0x6FFFF;
	_ =	strace $0x9000004F  }
0xb3: {  	s29 =	simm.s32 $0x9;
	_ =	strace $0x80000051  }
0xb4: {  	_ =	swait.ge [sflag:s29], $0x1  }
0xb5: {  	[sflag:s29] =	ssyncadd.s32 $0xFFFFFFFF  }
0xb6: {  	_ =	strace $0x90000051  }
0xb7: {  	_ =	sfence  }
0xb8: {  	s30 =	sld [smem:$0x0];
	_ =	sdelay $0x2  }
0xb9: {  	s31 =	sshll.u32 s1, $0xD;
	s1 =	sshrl.u32 s1, $0x2  }
0xba: {  	s3 =	sand.u32 $0x4000, s31;
	s1 =	sadd.s32 s1, s30  }
0xbb: {  	s0 =	sor.u32 s3, s0;
	s1 =	sshll.u32 s1, $0x11  }
0xbc: {  	s0 =	sor.u32 s1, s0  }
0xbd: {  	s0 =	sadd.s32 $0x8F2B, s0  }
0xbe: {  	[sflag:s0] =	ssyncadd.remote.s32 $0x1  }
0xbf: {  	_ =	sfence.sel $0xFFFF  }
0xc0: {  	[dreg:$0x0] =	wrdreg $0xFFFFFFFF;
	(pc) =	sbr.abs _section_cstart, $3  }
0xc1: {  	[dreg:$0x1] =	wrdreg $0xFFFFFFFF  }
0xc2: {  	_ =	task.clear_ibuf [dreg:s7], $0x2FFFF;
	_ =	strace $0x9FFFFFFF  }
0xc3: {  	(tm) =	ssettm $0x7FFFFFFF  }
tec
execute0_lowered:
.L_overlay_start_1:
0x0: {  	(tag) =	ssettag $0x1  }
0x1: {  	s0 =	rddreg [dreg:$0x0]  }
0x2: {  	s1 =	srdreg.scid;
	s5 =	rddreg [dreg:$0x1]  }
0x3: {  	s10 =	stileid.u32;
	s2 =	rddreg [dreg:$0x2];
	s3 =	simm.s32 $0x0  }
0x4: {  	s26 =	simm.s32 $0x100;
	s13 =	simm.s32 $0x900;
	s16 =	simm.s32 $0x200  }
0x5: {  	s28 =	simm.s32 $0x580;
	s29 =	simm.s32 $0xD00;
	s30 =	simm.s32 $0x600  }
0x6: {  	s31 =	simm.s32 $0xD80;
	s1 =	sand.u32 $0x1, s1;
	s6 =	smul.u32 $0x5000, s10  }
0x7: {  	[smem:$0x7FF] =	sst s3;
	s9 =	smul.u32 $0x14000, s10;
	s4 =	sadd.s32 $0x2C00, s0  }
0x8: {  	s18 =	smul.u32 $0x50000, s10;
	s11 =	sadd.s32 $0x2400, s0;
	s10 =	sshll.u32 s10, $0x6  }
0x9: {  	s7 =	smul.u32 $0x2800, s1;
	_ =	strace $0x80000050;
	[dreg:$0x12] =	wrdreg s11  }
0xa: {  	s8 =	smul.u32 $0x140000, s1;
	s1 =	ssub.s32 $0x2, s1;
	[dreg:$0x6] =	wrdreg s26  }
0xb: {  	s14 =	sor.u32 $0x1C03, s10;
	s10 =	simm.s32 $0x3;
	[dreg:$0x9] =	wrdreg s13  }
0xc: {  	[dreg:$0xa] =	wrdreg s16;
	s16 =	simm.s32 $0x80;
	s26 =	simm.s32 $0xB00  }
0xd: {  	s11 =	simm.s32 $0x780;
	s20 =	sshrl.u32 s18, $0x2;
	[dreg:$0x11] =	wrdreg s26  }
0xe: {  	s21 =	sshrl.u32 s1, $0x1;
	s18 =	simm.s32 $0x980;
	[dreg:$0x13] =	wrdreg s14  }
0xf: {  	s6 =	sadd.s32 s7, s6;
	s17 =	sadd.s32 s9, s8;
	s1 =	ssub.s32 s1, s21  }
0x10: {  	[dreg:$0xb] =	wrdreg s18;
	s6 =	sshrl.u32 s6, $0x3;
	s7 =	sshrl.u32 s17, $0x3  }
0x11: {  	s1 =	smax.u32 s1, $0x1;
	s19 =	sadd.s32 s6, s0;
	s0 =	sadd.s32 s7, s0  }
0x12: {  	s7 =	sadd.s32 s20, s2;
	s5 =	sadd.s32 s6, s5;
	[dreg:$0x15] =	wrdreg s1  }
0x13: {  	s20 =	simm.s32 $0x280;
	s22 =	sadd.s32 $0x4000, s7;
	[dreg:$0x4] =	wrdreg s5  }
0x14: {  	s23 =	sadd.s32 $0x8000, s7;
	s0 =	sadd.s32 $0x5D400, s0;
	[dreg:$0xc] =	wrdreg s20  }
0x15: {  	s12 =	sadd.s32 $0xC000, s7;
	s25 =	sadd.s32 $0x53400, s19;
	[dreg:$0x14] =	wrdreg s0  }
0x16: {  	s24 =	sadd.s32 $0x10000, s7;
	s5 =	simm.s32 $0x880;
	[dreg:$0x5] =	wrdreg s25  }
0x17: {  	s9 =	sshrl.u32 s7, $0x3;
	s7 =	simm.s32 $0x180;
	[dreg:$0x7] =	wrdreg s5  }
0x18: {  	s13 =	simm.s32 $0xF80;
	s26 =	simm.s32 $0xC80;
	[dreg:$0x8] =	wrdreg s7  }
0x19: {  	s18 =	simm.s32 $0x5000;
	s15 =	sshrl.u32 s22, $0x3;
	[dreg:$0x16] =	wrdreg s9  }
0x1a: {  	s8 =	simm.s32 $0xE80;
	s17 =	sshrl.u32 s23, $0x3;
	[dreg:$0x17] =	wrdreg s15  }
0x1b: {  	s1 =	simm.s32 $0x680;
	s19 =	sshrl.u32 s12, $0x3;
	[dreg:$0x18] =	wrdreg s17  }
0x1c: {  	s6 =	simm.s32 $0x0;
	s21 =	sshrl.u32 s24, $0x3;
	[dreg:$0x19] =	wrdreg s19  }
0x1d: {  	s20 =	simm.s32 $0x2;
	s22 =	simm.s32 $0xA00;
	[dreg:$0x1a] =	wrdreg s21  }
0x1e: {  	s23 =	simm.s32 $0x300;
	s24 =	simm.s32 $0xA80;
	[dreg:$0xd] =	wrdreg s22  }
0x1f: {  	s25 =	simm.s32 $0x380;
	s0 =	simm.s32 $0xE00;
	[dreg:$0xe] =	wrdreg s23  }
0x20: {  	s7 =	simm.s32 $0x700;
	s12 =	simm.s32 $0xF00;
	[dreg:$0xf] =	wrdreg s24  }
0x21: {  	s15 =	simm.s32 $0x800;
	s17 =	simm.s32 $0x1000;
	[dreg:$0x10] =	wrdreg s25  }
0x22: {  	s19 =	simm.s32 $0x1;
	s21 =	simm.s32 $0x400;
	s22 =	simm.s32 $0xB80  }
0x23: {  	s23 =	simm.s32 $0x480;
	s24 =	simm.s32 $0xC00;
	s25 =	simm.s32 $0x500  }
.LBB2_1:
0x24: {  	[dreg:$0x1b] =	wrdreg s6  }
0x25: {  	s5 =	rddreg [dreg:$0x12]  }
0x26: {  	[spmem:s9], [sflag:s14] =	dma.local [hbm:s5], $0x800  }
0x27: {  	_ =	swait.ge [sflag:s10], $0x800  }
0x28: {  	[sflag:s10] =	ssyncset.done $0x0  }
0x29: {  	s9 =	rddreg [dreg:$0x17];
	[sflag:s10] =	ssyncadd.s32 $0xFFFFF800  }
0x2a: {  	[spmem:s9], [sflag:s14] =	dma.local [hbm:s5], $0x800  }
0x2b: {  	_ =	swait.ge [sflag:s10], $0x800  }
0x2c: {  	[sflag:s10] =	ssyncset.done $0x0  }
0x2d: {  	s9 =	rddreg [dreg:$0x18];
	[sflag:s10] =	ssyncadd.s32 $0xFFFFF800  }
0x2e: {  	[spmem:s9], [sflag:s14] =	dma.local [hbm:s5], $0x800  }
0x2f: {  	_ =	swait.ge [sflag:s10], $0x800  }
0x30: {  	[sflag:s10] =	ssyncset.done $0x0  }
0x31: {  	s9 =	rddreg [dreg:$0x19];
	[sflag:s10] =	ssyncadd.s32 $0xFFFFF800  }
0x32: {  	[spmem:s9], [sflag:s14] =	dma.local [hbm:s5], $0x800  }
0x33: {  	_ =	swait.ge [sflag:s10], $0x800  }
0x34: {  	[sflag:s10] =	ssyncset.done $0x0  }
0x35: {  	s9 =	rddreg [dreg:$0x1a];
	[sflag:s10] =	ssyncadd.s32 $0xFFFFF800  }
0x36: {  	[spmem:s9], [sflag:s14] =	dma.local [hbm:s5], $0x800  }
0x37: {  	_ =	swait.ge [sflag:s10], $0x800  }
0x38: {  	[sflag:s10] =	ssyncset.done $0x0  }
0x39: {  	[sflag:s10] =	ssyncadd.s32 $0xFFFFF800  }
0x3a: {  	[bflag:$0x0] =	sbarrier.arrive $0xFFFF  }
0x3b: {  	s9 =	rddreg [dreg:$0x5]  }
0x3c: {  	s5 =	sadd.s32 $0x0, s9  }
0x3d: {  	[tilespmem:s3], [sflag:$0x3] =	stream.linear.gather [hbm4b:s5+s3], $0x800, $0x38;
	[tilespmem:$0x1D000] =	vst v63  }
0x3e: {  	_ =	swait.ge [sflag:s10], $0x800  }
0x3f: {  	s14 =	rddreg [dreg:$0x4];
	[sflag:s10] =	ssyncset.done $0x0  }
0x40: {  	[sflag:s10] =	ssyncadd.s32 $0xFFFFF800;
	s5 =	sadd.s32 $0x0, s14  }
0x41: {  	[tilespmem:s15], [sflag:$0x3] =	stream.linear.gather [hbm4b:s5+s3], $0x800, $0x38;
	[tilespmem:$0x1D000] =	vst v63  }
0x42: {  	_ =	swait.ge [sflag:s10], $0x800  }
0x43: {  	[sflag:s10] =	ssyncset.done $0x0  }
0x44: {  	[sflag:s10] =	ssyncadd.s32 $0xFFFFF800  }
0x45: {  	[tilespmem:s17], [sflag:$0x1] =	stream.indirect.gather [hbm4b:s4+s16], $0x80, s3, s16, $0xb8;
	[tilespmem:$0x1D000] =	vst v63  }
0x46: {  	_ = 	snop  }
0x47: {  	[tilespmem:s18], [sflag:$0x2] =	stream.indirect.gather [hbm4b:s4+s16], $0x80, s16, s16, $0xb8;
	[tilespmem:$0x1D000] =	vst v63  }
0x48: {  	_ =	swait.ge [sflag:s19], $0x4000  }
0x49: {  	[sflag:s19] =	ssyncset.done $0x0  }
0x4a: {  	[sflag:s19] =	ssyncadd.s32 $0xFFFFC000  }
0x4b: {  	[spmem:s2] =	stream.indirect.scatter.add.f32 [tilespmem:s17], [sflag:$0x3], $0x80, s15, s16, $0xb8;
	[tilespmem:$0x1D000] =	vst v63  }
0x4c: {  	_ =	swait.ge [sflag:s10], $0x4000  }
0x4d: {  	[sflag:s10] =	ssyncset.done $0x0  }
0x4e: {  	s6 =	rddreg [dreg:$0x6];
	[sflag:s10] =	ssyncadd.s32 $0xFFFFC000  }
0x4f: {  	[tilespmem:s17], [sflag:$0x1] =	stream.indirect.gather [hbm4b:s4+s16], $0x80, s6, s16, $0xb8;
	[tilespmem:$0x1D000] =	vst v63  }
0x50: {  	_ =	swait.ge [sflag:s20], $0x4000  }
0x51: {  	[sflag:s20] =	ssyncset.done $0x0  }
0x52: {  	s9 =	rddreg [dreg:$0x7];
	[sflag:s20] =	ssyncadd.s32 $0xFFFFC000  }
0x53: {  	[spmem:s2] =	stream.indirect.scatter.add.f32 [tilespmem:s18], [sflag:$0x3], $0x80, s9, s16, $0xb8;
	[tilespmem:$0x1D000] =	vst v63  }
0x54: {  	_ =	swait.ge [sflag:s10], $0x4000  }
0x55: {  	[sflag:s10] =	ssyncset.done $0x0  }
0x56: {  	s14 =	rddreg [dreg:$0x8];
	[sflag:s10] =	ssyncadd.s32 $0xFFFFC000  }
0x57: {  	[tilespmem:s18], [sflag:$0x2] =	stream.indirect.gather [hbm4b:s4+s16], $0x80, s14, s16, $0xb8;
	[tilespmem:$0x1D000] =	vst v63  }
0x58: {  	_ =	swait.ge [sflag:s19], $0x4000  }
0x59: {  	[sflag:s19] =	ssyncset.done $0x0  }
0x5a: {  	s6 =	rddreg [dreg:$0x9];
	[sflag:s19] =	ssyncadd.s32 $0xFFFFC000  }
0x5b: {  	[spmem:s2] =	stream.indirect.scatter.add.f32 [tilespmem:s17], [sflag:$0x3], $0x80, s6, s16, $0xb8;
	[tilespmem:$0x1D000] =	vst v63  }
0x5c: {  	_ =	swait.ge [sflag:s10], $0x4000  }
0x5d: {  	[sflag:s10] =	ssyncset.done $0x0  }
0x5e: {  	s9 =	rddreg [dreg:$0xa];
	[sflag:s10] =	ssyncadd.s32 $0xFFFFC000  }
0x5f: {  	[tilespmem:s17], [sflag:$0x1] =	stream.indirect.gather [hbm4b:s4+s16], $0x80, s9, s16, $0xb8;
	[tilespmem:$0x1D000] =	vst v63  }
0x60: {  	_ =	swait.ge [sflag:s20], $0x4000  }
0x61: {  	[sflag:s20] =	ssyncset.done $0x0  }
0x62: {  	s14 =	rddreg [dreg:$0xb];
	[sflag:s20] =	ssyncadd.s32 $0xFFFFC000  }
0x63: {  	[spmem:s2] =	stream.indirect.scatter.add.f32 [tilespmem:s18], [sflag:$0x3], $0x80, s14, s16, $0xb8;
	[tilespmem:$0x1D000] =	vst v63  }
0x64: {  	_ =	swait.ge [sflag:s10], $0x4000  }
0x65: {  	[sflag:s10] =	ssyncset.done $0x0  }
0x66: {  	s6 =	rddreg [dreg:$0xc];
	[sflag:s10] =	ssyncadd.s32 $0xFFFFC000  }
0x67: {  	[tilespmem:s18], [sflag:$0x2] =	stream.indirect.gather [hbm4b:s4+s16], $0x80, s6, s16, $0xb8;
	[tilespmem:$0x1D000] =	vst v63  }
0x68: {  	_ =	swait.ge [sflag:s19], $0x4000  }
0x69: {  	[sflag:s19] =	ssyncset.done $0x0  }
0x6a: {  	s9 =	rddreg [dreg:$0xd];
	[sflag:s19] =	ssyncadd.s32 $0xFFFFC000  }
0x6b: {  	[spmem:s2] =	stream.indirect.scatter.add.f32 [tilespmem:s17], [sflag:$0x3], $0x80, s9, s16, $0xb8;
	[tilespmem:$0x1D000] =	vst v63  }
0x6c: {  	_ =	swait.ge [sflag:s10], $0x4000  }
0x6d: {  	[sflag:s10] =	ssyncset.done $0x0  }
0x6e: {  	s14 =	rddreg [dreg:$0xe];
	[sflag:s10] =	ssyncadd.s32 $0xFFFFC000  }
0x6f: {  	[tilespmem:s17], [sflag:$0x1] =	stream.indirect.gather [hbm4b:s4+s16], $0x80, s14, s16, $0xb8;
	[tilespmem:$0x1D000] =	vst v63  }
0x70: {  	_ =	swait.ge [sflag:s20], $0x4000  }
0x71: {  	[sflag:s20] =	ssyncset.done $0x0  }
0x72: {  	s6 =	rddreg [dreg:$0xf];
	[sflag:s20] =	ssyncadd.s32 $0xFFFFC000  }
0x73: {  	[spmem:s2] =	stream.indirect.scatter.add.f32 [tilespmem:s18], [sflag:$0x3], $0x80, s6, s16, $0xb8;
	[tilespmem:$0x1D000] =	vst v63  }
0x74: {  	_ =	swait.ge [sflag:s10], $0x4000  }
0x75: {  	[sflag:s10] =	ssyncset.done $0x0  }
0x76: {  	s9 =	rddreg [dreg:$0x10];
	[sflag:s10] =	ssyncadd.s32 $0xFFFFC000  }
0x77: {  	[tilespmem:s18], [sflag:$0x2] =	stream.indirect.gather [hbm4b:s4+s16], $0x80, s9, s16, $0xb8;
	[tilespmem:$0x1D000] =	vst v63  }
0x78: {  	_ =	swait.ge [sflag:s19], $0x4000  }
0x79: {  	[sflag:s19] =	ssyncset.done $0x0  }
0x7a: {  	s14 =	rddreg [dreg:$0x11];
	[sflag:s19] =	ssyncadd.s32 $0xFFFFC000  }
0x7b: {  	[spmem:s2] =	stream.indirect.scatter.add.f32 [tilespmem:s17], [sflag:$0x3], $0x80, s14, s16, $0xb8;
	[tilespmem:$0x1D000] =	vst v63  }
0x7c: {  	_ =	swait.ge [sflag:s10], $0x4000  }
0x7d: {  	[sflag:s10] =	ssyncset.done $0x0  }
0x7e: {  	[sflag:s10] =	ssyncadd.s32 $0xFFFFC000  }
0x7f: {  	[tilespmem:s17], [sflag:$0x1] =	stream.indirect.gather [hbm4b:s4+s16], $0x80, s21, s16, $0xb8;
	[tilespmem:$0x1D000] =	vst v63  }
0x80: {  	_ =	swait.ge [sflag:s20], $0x4000  }
0x81: {  	[sflag:s20] =	ssyncset.done $0x0  }
0x82: {  	[sflag:s20] =	ssyncadd.s32 $0xFFFFC000  }
0x83: {  	[spmem:s2] =	stream.indirect.scatter.add.f32 [tilespmem:s18], [sflag:$0x3], $0x80, s22, s16, $0xb8;
	[tilespmem:$0x1D000] =	vst v63  }
0x84: {  	_ =	swait.ge [sflag:s10], $0x4000  }
0x85: {  	[sflag:s10] =	ssyncset.done $0x0  }
0x86: {  	[sflag:s10] =	ssyncadd.s32 $0xFFFFC000  }
0x87: {  	[tilespmem:s18], [sflag:$0x2] =	stream.indirect.gather [hbm4b:s4+s16], $0x80, s23, s16, $0xb8;
	[tilespmem:$0x1D000] =	vst v63  }
0x88: {  	_ =	swait.ge [sflag:s19], $0x4000  }
0x89: {  	[sflag:s19] =	ssyncset.done $0x0  }
0x8a: {  	[sflag:s19] =	ssyncadd.s32 $0xFFFFC000  }
0x8b: {  	[spmem:s2] =	stream.indirect.scatter.add.f32 [tilespmem:s17], [sflag:$0x3], $0x80, s24, s16, $0xb8;
	[tilespmem:$0x1D000] =	vst v63  }
0x8c: {  	_ =	swait.ge [sflag:s10], $0x4000  }
0x8d: {  	[sflag:s10] =	ssyncset.done $0x0  }
0x8e: {  	[sflag:s10] =	ssyncadd.s32 $0xFFFFC000  }
0x8f: {  	[tilespmem:s17], [sflag:$0x1] =	stream.indirect.gather [hbm4b:s4+s16], $0x80, s25, s16, $0xb8;
	[tilespmem:$0x1D000] =	vst v63  }
0x90: {  	_ =	swait.ge [sflag:s20], $0x4000  }
0x91: {  	[sflag:s20] =	ssyncset.done $0x0  }
0x92: {  	[sflag:s20] =	ssyncadd.s32 $0xFFFFC000  }
0x93: {  	[spmem:s2] =	stream.indirect.scatter.add.f32 [tilespmem:s18], [sflag:$0x3], $0x80, s26, s16, $0xb8;
	[tilespmem:$0x1D000] =	vst v63  }
0x94: {  	_ =	swait.ge [sflag:s10], $0x4000  }
0x95: {  	[sflag:s10] =	ssyncset.done $0x0  }
0x96: {  	[sflag:s10] =	ssyncadd.s32 $0xFFFFC000  }
0x97: {  	[tilespmem:s18], [sflag:$0x2] =	stream.indirect.gather [hbm4b:s4+s16], $0x80, s28, s16, $0xb8;
	[tilespmem:$0x1D000] =	vst v63  }
0x98: {  	_ =	swait.ge [sflag:s19], $0x4000  }
0x99: {  	[sflag:s19] =	ssyncset.done $0x0  }
0x9a: {  	[sflag:s19] =	ssyncadd.s32 $0xFFFFC000  }
0x9b: {  	[spmem:s2] =	stream.indirect.scatter.add.f32 [tilespmem:s17], [sflag:$0x3], $0x80, s29, s16, $0xb8;
	[tilespmem:$0x1D000] =	vst v63  }
0x9c: {  	_ =	swait.ge [sflag:s10], $0x4000  }
0x9d: {  	[sflag:s10] =	ssyncset.done $0x0  }
0x9e: {  	[sflag:s10] =	ssyncadd.s32 $0xFFFFC000  }
0x9f: {  	[tilespmem:s17], [sflag:$0x1] =	stream.indirect.gather [hbm4b:s4+s16], $0x80, s30, s16, $0xb8;
	[tilespmem:$0x1D000] =	vst v63  }
0xa0: {  	_ =	swait.ge [sflag:s20], $0x4000  }
0xa1: {  	[sflag:s20] =	ssyncset.done $0x0  }
0xa2: {  	[sflag:s20] =	ssyncadd.s32 $0xFFFFC000  }
0xa3: {  	[spmem:s2] =	stream.indirect.scatter.add.f32 [tilespmem:s18], [sflag:$0x3], $0x80, s31, s16, $0xb8;
	[tilespmem:$0x1D000] =	vst v63  }
0xa4: {  	_ =	swait.ge [sflag:s10], $0x4000  }
0xa5: {  	[sflag:s10] =	ssyncset.done $0x0  }
0xa6: {  	[sflag:s10] =	ssyncadd.s32 $0xFFFFC000  }
0xa7: {  	[tilespmem:s18], [sflag:$0x2] =	stream.indirect.gather [hbm4b:s4+s16], $0x80, s1, s16, $0xb8;
	[tilespmem:$0x1D000] =	vst v63  }
0xa8: {  	_ =	swait.ge [sflag:s19], $0x4000  }
0xa9: {  	[sflag:s19] =	ssyncset.done $0x0  }
0xaa: {  	[sflag:s19] =	ssyncadd.s32 $0xFFFFC000  }
0xab: {  	[spmem:s2] =	stream.indirect.scatter.add.f32 [tilespmem:s17], [sflag:$0x3], $0x80, s0, s16, $0xb8;
	[tilespmem:$0x1D000] =	vst v63  }
0xac: {  	_ =	swait.ge [sflag:s10], $0x4000  }
0xad: {  	[sflag:s10] =	ssyncset.done $0x0  }
0xae: {  	[sflag:s10] =	ssyncadd.s32 $0xFFFFC000  }
0xaf: {  	[tilespmem:s17], [sflag:$0x1] =	stream.indirect.gather [hbm4b:s4+s16], $0x80, s7, s16, $0xb8;
	[tilespmem:$0x1D000] =	vst v63  }
0xb0: {  	_ =	swait.ge [sflag:s20], $0x4000  }
0xb1: {  	[sflag:s20] =	ssyncset.done $0x0  }
0xb2: {  	[sflag:s20] =	ssyncadd.s32 $0xFFFFC000  }
0xb3: {  	[spmem:s2] =	stream.indirect.scatter.add.f32 [tilespmem:s18], [sflag:$0x3], $0x80, s8, s16, $0xb8;
	[tilespmem:$0x1D000] =	vst v63  }
0xb4: {  	_ =	swait.ge [sflag:s10], $0x4000  }
0xb5: {  	[sflag:s10] =	ssyncset.done $0x0  }
0xb6: {  	[sflag:s10] =	ssyncadd.s32 $0xFFFFC000  }
0xb7: {  	[tilespmem:s18], [sflag:$0x2] =	stream.indirect.gather [hbm4b:s4+s16], $0x80, s11, s16, $0xb8;
	[tilespmem:$0x1D000] =	vst v63  }
0xb8: {  	_ =	swait.ge [sflag:s19], $0x4000  }
0xb9: {  	[sflag:s19] =	ssyncset.done $0x0  }
0xba: {  	[sflag:s19] =	ssyncadd.s32 $0xFFFFC000  }
0xbb: {  	[spmem:s2] =	stream.indirect.scatter.add.f32 [tilespmem:s17], [sflag:$0x3], $0x80, s12, s16, $0xb8;
	[tilespmem:$0x1D000] =	vst v63  }
0xbc: {  	_ =	swait.ge [sflag:s10], $0x4000  }
0xbd: {  	[sflag:s10] =	ssyncset.done $0x0  }
0xbe: {  	[sflag:s10] =	ssyncadd.s32 $0xFFFFC000  }
0xbf: {  	_ =	swait.ge [sflag:s20], $0x4000  }
0xc0: {  	[sflag:s20] =	ssyncset.done $0x0  }
0xc1: {  	[sflag:s20] =	ssyncadd.s32 $0xFFFFC000  }
0xc2: {  	[spmem:s2] =	stream.indirect.scatter.add.f32 [tilespmem:s18], [sflag:$0x3], $0x80, s13, s16, $0xb8;
	[tilespmem:$0x1D000] =	vst v63  }
0xc3: {  	s5 =	simm.s32 $0x200;
	_ =	swait.ge [sflag:s10], $0x4000  }
0xc4: {  	s9 =	simm.s32 $0x100;
	s6 =	rddreg [dreg:$0x5];
	[sflag:s10] =	ssyncset.done $0x0  }
.LBB2_2:
0xc5: {  	[sflag:s10] =	ssyncadd.s32 $0xFFFFC000;
	s6 =	sadd.s32 s9, s6  }
0xc6: {  	[tilespmem:s3], [sflag:$0x3] =	stream.linear.gather [hbm4b:s6+s3], $0x800, $0x38;
	[tilespmem:$0x1D000] =	vst v63  }
0xc7: {  	_ =	swait.ge [sflag:s10], $0x800  }
0xc8: {  	s6 =	rddreg [dreg:$0x4];
	[sflag:s10] =	ssyncset.done $0x0  }
0xc9: {  	[sflag:s10] =	ssyncadd.s32 $0xFFFFF800;
	s6 =	sadd.s32 s9, s6  }
0xca: {  	[tilespmem:s15], [sflag:$0x3] =	stream.linear.gather [hbm4b:s6+s3], $0x800, $0x38;
	[tilespmem:$0x1D000] =	vst v63  }
0xcb: {  	_ =	swait.ge [sflag:s10], $0x800  }
0xcc: {  	[sflag:s10] =	ssyncset.done $0x0  }
0xcd: {  	[sflag:s10] =	ssyncadd.s32 $0xFFFFF800  }
0xce: {  	[tilespmem:s17], [sflag:$0x1] =	stream.indirect.gather [hbm4b:s4+s16], $0x80, s3, s16, $0xb8;
	[tilespmem:$0x1D000] =	vst v63  }
0xcf: {  	_ = 	snop  }
0xd0: {  	[tilespmem:s18], [sflag:$0x2] =	stream.indirect.gather [hbm4b:s4+s16], $0x80, s16, s16, $0xb8;
	[tilespmem:$0x1D000] =	vst v63  }
0xd1: {  	_ =	swait.ge [sflag:s19], $0x4000  }
0xd2: {  	[sflag:s19] =	ssyncset.done $0x0  }
0xd3: {  	[sflag:s19] =	ssyncadd.s32 $0xFFFFC000  }
0xd4: {  	[spmem:s2] =	stream.indirect.scatter.add.f32 [tilespmem:s17], [sflag:$0x3], $0x80, s15, s16, $0xb8;
	[tilespmem:$0x1D000] =	vst v63  }
0xd5: {  	_ =	swait.ge [sflag:s10], $0x4000  }
0xd6: {  	s14 =	smov.u32 s5;
	[sflag:s10] =	ssyncset.done $0x0  }
0xd7: {  	s9 =	smov.u32 s14;
	s14 =	rddreg [dreg:$0x6];
	[sflag:s10] =	ssyncadd.s32 $0xFFFFC000  }
0xd8: {  	[tilespmem:s17], [sflag:$0x1] =	stream.indirect.gather [hbm4b:s4+s16], $0x80, s14, s16, $0xb8;
	[tilespmem:$0x1D000] =	vst v63  }
0xd9: {  	_ =	swait.ge [sflag:s20], $0x4000  }
0xda: {  	[sflag:s20] =	ssyncset.done $0x0  }
0xdb: {  	s14 =	rddreg [dreg:$0x7];
	[sflag:s20] =	ssyncadd.s32 $0xFFFFC000  }
0xdc: {  	[spmem:s2] =	stream.indirect.scatter.add.f32 [tilespmem:s18], [sflag:$0x3], $0x80, s14, s16, $0xb8;
	[tilespmem:$0x1D000] =	vst v63  }
0xdd: {  	_ =	swait.ge [sflag:s10], $0x4000  }
0xde: {  	[sflag:s10] =	ssyncset.done $0x0  }
0xdf: {  	s14 =	rddreg [dreg:$0x8];
	[sflag:s10] =	ssyncadd.s32 $0xFFFFC000  }
0xe0: {  	[tilespmem:s18], [sflag:$0x2] =	stream.indirect.gather [hbm4b:s4+s16], $0x80, s14, s16, $0xb8;
	[tilespmem:$0x1D000] =	vst v63  }
0xe1: {  	_ =	swait.ge [sflag:s19], $0x4000  }
0xe2: {  	[sflag:s19] =	ssyncset.done $0x0  }
0xe3: {  	s14 =	rddreg [dreg:$0x9];
	[sflag:s19] =	ssyncadd.s32 $0xFFFFC000  }
0xe4: {  	[spmem:s2] =	stream.indirect.scatter.add.f32 [tilespmem:s17], [sflag:$0x3], $0x80, s14, s16, $0xb8;
	[tilespmem:$0x1D000] =	vst v63  }
0xe5: {  	_ =	swait.ge [sflag:s10], $0x4000  }
0xe6: {  	[sflag:s10] =	ssyncset.done $0x0  }
0xe7: {  	s14 =	rddreg [dreg:$0xa];
	[sflag:s10] =	ssyncadd.s32 $0xFFFFC000  }
0xe8: {  	[tilespmem:s17], [sflag:$0x1] =	stream.indirect.gather [hbm4b:s4+s16], $0x80, s14, s16, $0xb8;
	[tilespmem:$0x1D000] =	vst v63  }
0xe9: {  	_ =	swait.ge [sflag:s20], $0x4000  }
0xea: {  	[sflag:s20] =	ssyncset.done $0x0  }
0xeb: {  	s14 =	rddreg [dreg:$0xb];
	[sflag:s20] =	ssyncadd.s32 $0xFFFFC000  }
0xec: {  	[spmem:s2] =	stream.indirect.scatter.add.f32 [tilespmem:s18], [sflag:$0x3], $0x80, s14, s16, $0xb8;
	[tilespmem:$0x1D000] =	vst v63  }
0xed: {  	_ =	swait.ge [sflag:s10], $0x4000  }
0xee: {  	[sflag:s10] =	ssyncset.done $0x0  }
0xef: {  	s14 =	rddreg [dreg:$0xc];
	[sflag:s10] =	ssyncadd.s32 $0xFFFFC000  }
0xf0: {  	[tilespmem:s18], [sflag:$0x2] =	stream.indirect.gather [hbm4b:s4+s16], $0x80, s14, s16, $0xb8;
	[tilespmem:$0x1D000] =	vst v63  }
0xf1: {  	_ =	swait.ge [sflag:s19], $0x4000  }
0xf2: {  	[sflag:s19] =	ssyncset.done $0x0  }
0xf3: {  	s14 =	rddreg [dreg:$0xd];
	[sflag:s19] =	ssyncadd.s32 $0xFFFFC000  }
0xf4: {  	[spmem:s2] =	stream.indirect.scatter.add.f32 [tilespmem:s17], [sflag:$0x3], $0x80, s14, s16, $0xb8;
	[tilespmem:$0x1D000] =	vst v63  }
0xf5: {  	_ =	swait.ge [sflag:s10], $0x4000  }
0xf6: {  	[sflag:s10] =	ssyncset.done $0x0  }
0xf7: {  	s14 =	rddreg [dreg:$0xe];
	[sflag:s10] =	ssyncadd.s32 $0xFFFFC000  }
0xf8: {  	[tilespmem:s17], [sflag:$0x1] =	stream.indirect.gather [hbm4b:s4+s16], $0x80, s14, s16, $0xb8;
	[tilespmem:$0x1D000] =	vst v63  }
0xf9: {  	_ =	swait.ge [sflag:s20], $0x4000  }
0xfa: {  	[sflag:s20] =	ssyncset.done $0x0  }
0xfb: {  	s14 =	rddreg [dreg:$0xf];
	[sflag:s20] =	ssyncadd.s32 $0xFFFFC000  }
0xfc: {  	[spmem:s2] =	stream.indirect.scatter.add.f32 [tilespmem:s18], [sflag:$0x3], $0x80, s14, s16, $0xb8;
	[tilespmem:$0x1D000] =	vst v63  }
0xfd: {  	_ =	swait.ge [sflag:s10], $0x4000  }
0xfe: {  	[sflag:s10] =	ssyncset.done $0x0  }
0xff: {  	s14 =	rddreg [dreg:$0x10];
	[sflag:s10] =	ssyncadd.s32 $0xFFFFC000  }
0x100: {  	[tilespmem:s18], [sflag:$0x2] =	stream.indirect.gather [hbm4b:s4+s16], $0x80, s14, s16, $0xb8;
	[tilespmem:$0x1D000] =	vst v63  }
0x101: {  	_ =	swait.ge [sflag:s19], $0x4000  }
0x102: {  	[sflag:s19] =	ssyncset.done $0x0  }
0x103: {  	s14 =	rddreg [dreg:$0x11];
	[sflag:s19] =	ssyncadd.s32 $0xFFFFC000  }
0x104: {  	[spmem:s2] =	stream.indirect.scatter.add.f32 [tilespmem:s17], [sflag:$0x3], $0x80, s14, s16, $0xb8;
	[tilespmem:$0x1D000] =	vst v63  }
0x105: {  	_ =	swait.ge [sflag:s10], $0x4000  }
0x106: {  	[sflag:s10] =	ssyncset.done $0x0  }
0x107: {  	[sflag:s10] =	ssyncadd.s32 $0xFFFFC000  }
0x108: {  	[tilespmem:s17], [sflag:$0x1] =	stream.indirect.gather [hbm4b:s4+s16], $0x80, s21, s16, $0xb8;
	[tilespmem:$0x1D000] =	vst v63  }
0x109: {  	_ =	swait.ge [sflag:s20], $0x4000  }
0x10a: {  	[sflag:s20] =	ssyncset.done $0x0  }
0x10b: {  	[sflag:s20] =	ssyncadd.s32 $0xFFFFC000  }
0x10c: {  	[spmem:s2] =	stream.indirect.scatter.add.f32 [tilespmem:s18], [sflag:$0x3], $0x80, s22, s16, $0xb8;
	[tilespmem:$0x1D000] =	vst v63  }
0x10d: {  	_ =	swait.ge [sflag:s10], $0x4000  }
0x10e: {  	[sflag:s10] =	ssyncset.done $0x0  }
0x10f: {  	[sflag:s10] =	ssyncadd.s32 $0xFFFFC000  }
0x110: {  	[tilespmem:s18], [sflag:$0x2] =	stream.indirect.gather [hbm4b:s4+s16], $0x80, s23, s16, $0xb8;
	[tilespmem:$0x1D000] =	vst v63  }
0x111: {  	_ =	swait.ge [sflag:s19], $0x4000  }
0x112: {  	[sflag:s19] =	ssyncset.done $0x0  }
0x113: {  	[sflag:s19] =	ssyncadd.s32 $0xFFFFC000  }
0x114: {  	[spmem:s2] =	stream.indirect.scatter.add.f32 [tilespmem:s17], [sflag:$0x3], $0x80, s24, s16, $0xb8;
	[tilespmem:$0x1D000] =	vst v63  }
0x115: {  	_ =	swait.ge [sflag:s10], $0x4000  }
0x116: {  	[sflag:s10] =	ssyncset.done $0x0  }
0x117: {  	[sflag:s10] =	ssyncadd.s32 $0xFFFFC000  }
0x118: {  	[tilespmem:s17], [sflag:$0x1] =	stream.indirect.gather [hbm4b:s4+s16], $0x80, s25, s16, $0xb8;
	[tilespmem:$0x1D000] =	vst v63  }
0x119: {  	_ =	swait.ge [sflag:s20], $0x4000  }
0x11a: {  	[sflag:s20] =	ssyncset.done $0x0  }
0x11b: {  	[sflag:s20] =	ssyncadd.s32 $0xFFFFC000  }
0x11c: {  	[spmem:s2] =	stream.indirect.scatter.add.f32 [tilespmem:s18], [sflag:$0x3], $0x80, s26, s16, $0xb8;
	[tilespmem:$0x1D000] =	vst v63  }
0x11d: {  	_ =	swait.ge [sflag:s10], $0x4000  }
0x11e: {  	[sflag:s10] =	ssyncset.done $0x0  }
0x11f: {  	[sflag:s10] =	ssyncadd.s32 $0xFFFFC000  }
0x120: {  	[tilespmem:s18], [sflag:$0x2] =	stream.indirect.gather [hbm4b:s4+s16], $0x80, s28, s16, $0xb8;
	[tilespmem:$0x1D000] =	vst v63  }
0x121: {  	_ =	swait.ge [sflag:s19], $0x4000  }
0x122: {  	[sflag:s19] =	ssyncset.done $0x0  }
0x123: {  	[sflag:s19] =	ssyncadd.s32 $0xFFFFC000  }
0x124: {  	[spmem:s2] =	stream.indirect.scatter.add.f32 [tilespmem:s17], [sflag:$0x3], $0x80, s29, s16, $0xb8;
	[tilespmem:$0x1D000] =	vst v63  }
0x125: {  	_ =	swait.ge [sflag:s10], $0x4000  }
0x126: {  	[sflag:s10] =	ssyncset.done $0x0  }
0x127: {  	[sflag:s10] =	ssyncadd.s32 $0xFFFFC000  }
0x128: {  	[tilespmem:s17], [sflag:$0x1] =	stream.indirect.gather [hbm4b:s4+s16], $0x80, s30, s16, $0xb8;
	[tilespmem:$0x1D000] =	vst v63  }
0x129: {  	_ =	swait.ge [sflag:s20], $0x4000  }
0x12a: {  	[sflag:s20] =	ssyncset.done $0x0  }
0x12b: {  	[sflag:s20] =	ssyncadd.s32 $0xFFFFC000  }
0x12c: {  	[spmem:s2] =	stream.indirect.scatter.add.f32 [tilespmem:s18], [sflag:$0x3], $0x80, s31, s16, $0xb8;
	[tilespmem:$0x1D000] =	vst v63  }
0x12d: {  	_ =	swait.ge [sflag:s10], $0x4000  }
0x12e: {  	[sflag:s10] =	ssyncset.done $0x0  }
0x12f: {  	[sflag:s10] =	ssyncadd.s32 $0xFFFFC000  }
0x130: {  	[tilespmem:s18], [sflag:$0x2] =	stream.indirect.gather [hbm4b:s4+s16], $0x80, s1, s16, $0xb8;
	[tilespmem:$0x1D000] =	vst v63  }
0x131: {  	_ =	swait.ge [sflag:s19], $0x4000  }
0x132: {  	[sflag:s19] =	ssyncset.done $0x0  }
0x133: {  	[sflag:s19] =	ssyncadd.s32 $0xFFFFC000  }
0x134: {  	[spmem:s2] =	stream.indirect.scatter.add.f32 [tilespmem:s17], [sflag:$0x3], $0x80, s0, s16, $0xb8;
	[tilespmem:$0x1D000] =	vst v63  }
0x135: {  	_ =	swait.ge [sflag:s10], $0x4000  }
0x136: {  	[sflag:s10] =	ssyncset.done $0x0  }
0x137: {  	[sflag:s10] =	ssyncadd.s32 $0xFFFFC000  }
0x138: {  	[tilespmem:s17], [sflag:$0x1] =	stream.indirect.gather [hbm4b:s4+s16], $0x80, s7, s16, $0xb8;
	[tilespmem:$0x1D000] =	vst v63  }
0x139: {  	_ =	swait.ge [sflag:s20], $0x4000  }
0x13a: {  	[sflag:s20] =	ssyncset.done $0x0  }
0x13b: {  	[sflag:s20] =	ssyncadd.s32 $0xFFFFC000  }
0x13c: {  	[spmem:s2] =	stream.indirect.scatter.add.f32 [tilespmem:s18], [sflag:$0x3], $0x80, s8, s16, $0xb8;
	[tilespmem:$0x1D000] =	vst v63  }
0x13d: {  	_ =	swait.ge [sflag:s10], $0x4000  }
0x13e: {  	[sflag:s10] =	ssyncset.done $0x0  }
0x13f: {  	[sflag:s10] =	ssyncadd.s32 $0xFFFFC000  }
0x140: {  	[tilespmem:s18], [sflag:$0x2] =	stream.indirect.gather [hbm4b:s4+s16], $0x80, s11, s16, $0xb8;
	[tilespmem:$0x1D000] =	vst v63  }
0x141: {  	_ =	swait.ge [sflag:s19], $0x4000  }
0x142: {  	[sflag:s19] =	ssyncset.done $0x0  }
0x143: {  	[sflag:s19] =	ssyncadd.s32 $0xFFFFC000  }
0x144: {  	[spmem:s2] =	stream.indirect.scatter.add.f32 [tilespmem:s17], [sflag:$0x3], $0x80, s12, s16, $0xb8;
	[tilespmem:$0x1D000] =	vst v63  }
0x145: {  	_ =	swait.ge [sflag:s10], $0x4000  }
0x146: {  	[sflag:s10] =	ssyncset.done $0x0  }
0x147: {  	[sflag:s10] =	ssyncadd.s32 $0xFFFFC000  }
0x148: {  	p0 =	sne.s32 s5, $0x400;
	_ =	swait.ge [sflag:s20], $0x4000  }
.Ltmp0:
0x149: {  	[sflag:s20] =	ssyncset.done $0x0;
	(pc) =	sbr.rel @p0 .LBB2_2-.Ltmp0, $4  }
0x14a: {  	[sflag:s20] =	ssyncadd.s32 $0xFFFFC000  }
0x14b: {  	[spmem:s2] =	stream.indirect.scatter.add.f32 [tilespmem:s18], [sflag:$0x3], $0x80, s13, s16, $0xb8;
	[tilespmem:$0x1D000] =	vst v63  }
0x14c: {  	_ =	swait.ge [sflag:s10], $0x4000  }
0x14d: {  	s5 =	sadd.s32 $0x100, s5;
	s6 =	rddreg [dreg:$0x5];
	[sflag:s10] =	ssyncset.done $0x0  }
0x14e: {  	[sflag:s10] =	ssyncadd.s32 $0xFFFFC000;
	s5 =	sadd.s32 s9, s6  }
0x14f: {  	[tilespmem:s3], [sflag:$0x3] =	stream.linear.gather [hbm4b:s5+s3], $0x800, $0x38;
	[tilespmem:$0x1D000] =	vst v63  }
0x150: {  	_ =	swait.ge [sflag:s10], $0x800  }
0x151: {  	s14 =	rddreg [dreg:$0x4];
	[sflag:s10] =	ssyncset.done $0x0  }
0x152: {  	s5 =	sadd.s32 s9, s14;
	[sflag:s10] =	ssyncadd.s32 $0xFFFFF800  }
0x153: {  	[tilespmem:s15], [sflag:$0x3] =	stream.linear.gather [hbm4b:s5+s3], $0x800, $0x38;
	[tilespmem:$0x1D000] =	vst v63  }
0x154: {  	_ =	swait.ge [sflag:s10], $0x800  }
0x155: {  	[sflag:s10] =	ssyncset.done $0x0  }
0x156: {  	[sflag:s10] =	ssyncadd.s32 $0xFFFFF800  }
0x157: {  	[tilespmem:s17], [sflag:$0x1] =	stream.indirect.gather [hbm4b:s4+s16], $0x80, s3, s16, $0xb8;
	[tilespmem:$0x1D000] =	vst v63  }
0x158: {  	_ = 	snop  }
0x159: {  	[tilespmem:s18], [sflag:$0x2] =	stream.indirect.gather [hbm4b:s4+s16], $0x80, s16, s16, $0xb8;
	[tilespmem:$0x1D000] =	vst v63  }
0x15a: {  	_ =	swait.ge [sflag:s19], $0x4000  }
0x15b: {  	[sflag:s19] =	ssyncset.done $0x0  }
0x15c: {  	[sflag:s19] =	ssyncadd.s32 $0xFFFFC000  }
0x15d: {  	[spmem:s2] =	stream.indirect.scatter.add.f32 [tilespmem:s17], [sflag:$0x3], $0x80, s15, s16, $0xb8;
	[tilespmem:$0x1D000] =	vst v63  }
0x15e: {  	_ =	swait.ge [sflag:s10], $0x4000  }
0x15f: {  	[sflag:s10] =	ssyncset.done $0x0  }
0x160: {  	s6 =	rddreg [dreg:$0x6];
	[sflag:s10] =	ssyncadd.s32 $0xFFFFC000  }
0x161: {  	[tilespmem:s17], [sflag:$0x1] =	stream.indirect.gather [hbm4b:s4+s16], $0x80, s6, s16, $0xb8;
	[tilespmem:$0x1D000] =	vst v63  }
0x162: {  	_ =	swait.ge [sflag:s20], $0x4000  }
0x163: {  	[sflag:s20] =	ssyncset.done $0x0  }
0x164: {  	s9 =	rddreg [dreg:$0x7];
	[sflag:s20] =	ssyncadd.s32 $0xFFFFC000  }
0x165: {  	[spmem:s2] =	stream.indirect.scatter.add.f32 [tilespmem:s18], [sflag:$0x3], $0x80, s9, s16, $0xb8;
	[tilespmem:$0x1D000] =	vst v63  }
0x166: {  	_ =	swait.ge [sflag:s10], $0x4000  }
0x167: {  	[sflag:s10] =	ssyncset.done $0x0  }
0x168: {  	s14 =	rddreg [dreg:$0x8];
	[sflag:s10] =	ssyncadd.s32 $0xFFFFC000  }
0x169: {  	[tilespmem:s18], [sflag:$0x2] =	stream.indirect.gather [hbm4b:s4+s16], $0x80, s14, s16, $0xb8;
	[tilespmem:$0x1D000] =	vst v63  }
0x16a: {  	_ =	swait.ge [sflag:s19], $0x4000  }
0x16b: {  	[sflag:s19] =	ssyncset.done $0x0  }
0x16c: {  	s6 =	rddreg [dreg:$0x9];
	[sflag:s19] =	ssyncadd.s32 $0xFFFFC000  }
0x16d: {  	[spmem:s2] =	stream.indirect.scatter.add.f32 [tilespmem:s17], [sflag:$0x3], $0x80, s6, s16, $0xb8;
	[tilespmem:$0x1D000] =	vst v63  }
0x16e: {  	_ =	swait.ge [sflag:s10], $0x4000  }
0x16f: {  	[sflag:s10] =	ssyncset.done $0x0  }
0x170: {  	s9 =	rddreg [dreg:$0xa];
	[sflag:s10] =	ssyncadd.s32 $0xFFFFC000  }
0x171: {  	[tilespmem:s17], [sflag:$0x1] =	stream.indirect.gather [hbm4b:s4+s16], $0x80, s9, s16, $0xb8;
	[tilespmem:$0x1D000] =	vst v63  }
0x172: {  	_ =	swait.ge [sflag:s20], $0x4000  }
0x173: {  	[sflag:s20] =	ssyncset.done $0x0  }
0x174: {  	s14 =	rddreg [dreg:$0xb];
	[sflag:s20] =	ssyncadd.s32 $0xFFFFC000  }
0x175: {  	[spmem:s2] =	stream.indirect.scatter.add.f32 [tilespmem:s18], [sflag:$0x3], $0x80, s14, s16, $0xb8;
	[tilespmem:$0x1D000] =	vst v63  }
0x176: {  	_ =	swait.ge [sflag:s10], $0x4000  }
0x177: {  	[sflag:s10] =	ssyncset.done $0x0  }
0x178: {  	s6 =	rddreg [dreg:$0xc];
	[sflag:s10] =	ssyncadd.s32 $0xFFFFC000  }
0x179: {  	[tilespmem:s18], [sflag:$0x2] =	stream.indirect.gather [hbm4b:s4+s16], $0x80, s6, s16, $0xb8;
	[tilespmem:$0x1D000] =	vst v63  }
0x17a: {  	_ =	swait.ge [sflag:s19], $0x4000  }
0x17b: {  	[sflag:s19] =	ssyncset.done $0x0  }
0x17c: {  	s9 =	rddreg [dreg:$0xd];
	[sflag:s19] =	ssyncadd.s32 $0xFFFFC000  }
0x17d: {  	[spmem:s2] =	stream.indirect.scatter.add.f32 [tilespmem:s17], [sflag:$0x3], $0x80, s9, s16, $0xb8;
	[tilespmem:$0x1D000] =	vst v63  }
0x17e: {  	_ =	swait.ge [sflag:s10], $0x4000  }
0x17f: {  	[sflag:s10] =	ssyncset.done $0x0  }
0x180: {  	s14 =	rddreg [dreg:$0xe];
	[sflag:s10] =	ssyncadd.s32 $0xFFFFC000  }
0x181: {  	[tilespmem:s17], [sflag:$0x1] =	stream.indirect.gather [hbm4b:s4+s16], $0x80, s14, s16, $0xb8;
	[tilespmem:$0x1D000] =	vst v63  }
0x182: {  	_ =	swait.ge [sflag:s20], $0x4000  }
0x183: {  	[sflag:s20] =	ssyncset.done $0x0  }
0x184: {  	s6 =	rddreg [dreg:$0xf];
	[sflag:s20] =	ssyncadd.s32 $0xFFFFC000  }
0x185: {  	[spmem:s2] =	stream.indirect.scatter.add.f32 [tilespmem:s18], [sflag:$0x3], $0x80, s6, s16, $0xb8;
	[tilespmem:$0x1D000] =	vst v63  }
0x186: {  	_ =	swait.ge [sflag:s10], $0x4000  }
0x187: {  	[sflag:s10] =	ssyncset.done $0x0  }
0x188: {  	s9 =	rddreg [dreg:$0x10];
	[sflag:s10] =	ssyncadd.s32 $0xFFFFC000  }
0x189: {  	[tilespmem:s18], [sflag:$0x2] =	stream.indirect.gather [hbm4b:s4+s16], $0x80, s9, s16, $0xb8;
	[tilespmem:$0x1D000] =	vst v63  }
0x18a: {  	_ =	swait.ge [sflag:s19], $0x4000  }
0x18b: {  	[sflag:s19] =	ssyncset.done $0x0  }
0x18c: {  	s14 =	rddreg [dreg:$0x11];
	[sflag:s19] =	ssyncadd.s32 $0xFFFFC000  }
0x18d: {  	[spmem:s2] =	stream.indirect.scatter.add.f32 [tilespmem:s17], [sflag:$0x3], $0x80, s14, s16, $0xb8;
	[tilespmem:$0x1D000] =	vst v63  }
0x18e: {  	_ =	swait.ge [sflag:s10], $0x4000  }
0x18f: {  	[sflag:s10] =	ssyncset.done $0x0  }
0x190: {  	[sflag:s10] =	ssyncadd.s32 $0xFFFFC000  }
0x191: {  	[tilespmem:s17], [sflag:$0x1] =	stream.indirect.gather [hbm4b:s4+s16], $0x80, s21, s16, $0xb8;
	[tilespmem:$0x1D000] =	vst v63  }
0x192: {  	_ =	swait.ge [sflag:s20], $0x4000  }
0x193: {  	[sflag:s20] =	ssyncset.done $0x0  }
0x194: {  	[sflag:s20] =	ssyncadd.s32 $0xFFFFC000  }
0x195: {  	[spmem:s2] =	stream.indirect.scatter.add.f32 [tilespmem:s18], [sflag:$0x3], $0x80, s22, s16, $0xb8;
	[tilespmem:$0x1D000] =	vst v63  }
0x196: {  	_ =	swait.ge [sflag:s10], $0x4000  }
0x197: {  	[sflag:s10] =	ssyncset.done $0x0  }
0x198: {  	[sflag:s10] =	ssyncadd.s32 $0xFFFFC000  }
0x199: {  	[tilespmem:s18], [sflag:$0x2] =	stream.indirect.gather [hbm4b:s4+s16], $0x80, s23, s16, $0xb8;
	[tilespmem:$0x1D000] =	vst v63  }
0x19a: {  	_ =	swait.ge [sflag:s19], $0x4000  }
0x19b: {  	[sflag:s19] =	ssyncset.done $0x0  }
0x19c: {  	[sflag:s19] =	ssyncadd.s32 $0xFFFFC000  }
0x19d: {  	[spmem:s2] =	stream.indirect.scatter.add.f32 [tilespmem:s17], [sflag:$0x3], $0x80, s24, s16, $0xb8;
	[tilespmem:$0x1D000] =	vst v63  }
0x19e: {  	_ =	swait.ge [sflag:s10], $0x4000  }
0x19f: {  	[sflag:s10] =	ssyncset.done $0x0  }
0x1a0: {  	[sflag:s10] =	ssyncadd.s32 $0xFFFFC000  }
0x1a1: {  	[tilespmem:s17], [sflag:$0x1] =	stream.indirect.gather [hbm4b:s4+s16], $0x80, s25, s16, $0xb8;
	[tilespmem:$0x1D000] =	vst v63  }
0x1a2: {  	_ =	swait.ge [sflag:s20], $0x4000  }
0x1a3: {  	[sflag:s20] =	ssyncset.done $0x0  }
0x1a4: {  	[sflag:s20] =	ssyncadd.s32 $0xFFFFC000  }
0x1a5: {  	[spmem:s2] =	stream.indirect.scatter.add.f32 [tilespmem:s18], [sflag:$0x3], $0x80, s26, s16, $0xb8;
	[tilespmem:$0x1D000] =	vst v63  }
0x1a6: {  	_ =	swait.ge [sflag:s10], $0x4000  }
0x1a7: {  	[sflag:s10] =	ssyncset.done $0x0  }
0x1a8: {  	[sflag:s10] =	ssyncadd.s32 $0xFFFFC000  }
0x1a9: {  	[tilespmem:s18], [sflag:$0x2] =	stream.indirect.gather [hbm4b:s4+s16], $0x80, s28, s16, $0xb8;
	[tilespmem:$0x1D000] =	vst v63  }
0x1aa: {  	_ =	swait.ge [sflag:s19], $0x4000  }
0x1ab: {  	[sflag:s19] =	ssyncset.done $0x0  }
0x1ac: {  	[sflag:s19] =	ssyncadd.s32 $0xFFFFC000  }
0x1ad: {  	[spmem:s2] =	stream.indirect.scatter.add.f32 [tilespmem:s17], [sflag:$0x3], $0x80, s29, s16, $0xb8;
	[tilespmem:$0x1D000] =	vst v63  }
0x1ae: {  	_ =	swait.ge [sflag:s10], $0x4000  }
0x1af: {  	[sflag:s10] =	ssyncset.done $0x0  }
0x1b0: {  	[sflag:s10] =	ssyncadd.s32 $0xFFFFC000  }
0x1b1: {  	[tilespmem:s17], [sflag:$0x1] =	stream.indirect.gather [hbm4b:s4+s16], $0x80, s30, s16, $0xb8;
	[tilespmem:$0x1D000] =	vst v63  }
0x1b2: {  	_ =	swait.ge [sflag:s20], $0x4000  }
0x1b3: {  	[sflag:s20] =	ssyncset.done $0x0  }
0x1b4: {  	[sflag:s20] =	ssyncadd.s32 $0xFFFFC000  }
0x1b5: {  	[spmem:s2] =	stream.indirect.scatter.add.f32 [tilespmem:s18], [sflag:$0x3], $0x80, s31, s16, $0xb8;
	[tilespmem:$0x1D000] =	vst v63  }
0x1b6: {  	_ =	swait.ge [sflag:s10], $0x4000  }
0x1b7: {  	[sflag:s10] =	ssyncset.done $0x0  }
0x1b8: {  	[sflag:s10] =	ssyncadd.s32 $0xFFFFC000  }
0x1b9: {  	[tilespmem:s18], [sflag:$0x2] =	stream.indirect.gather [hbm4b:s4+s16], $0x80, s1, s16, $0xb8;
	[tilespmem:$0x1D000] =	vst v63  }
0x1ba: {  	_ =	swait.ge [sflag:s19], $0x4000  }
0x1bb: {  	[sflag:s19] =	ssyncset.done $0x0  }
0x1bc: {  	[sflag:s19] =	ssyncadd.s32 $0xFFFFC000  }
0x1bd: {  	[spmem:s2] =	stream.indirect.scatter.add.f32 [tilespmem:s17], [sflag:$0x3], $0x80, s0, s16, $0xb8;
	[tilespmem:$0x1D000] =	vst v63  }
0x1be: {  	_ =	swait.ge [sflag:s10], $0x4000  }
0x1bf: {  	[sflag:s10] =	ssyncset.done $0x0  }
0x1c0: {  	[sflag:s10] =	ssyncadd.s32 $0xFFFFC000  }
0x1c1: {  	[tilespmem:s17], [sflag:$0x1] =	stream.indirect.gather [hbm4b:s4+s16], $0x80, s7, s16, $0xb8;
	[tilespmem:$0x1D000] =	vst v63  }
0x1c2: {  	_ =	swait.ge [sflag:s20], $0x4000  }
0x1c3: {  	[sflag:s20] =	ssyncset.done $0x0  }
0x1c4: {  	[sflag:s20] =	ssyncadd.s32 $0xFFFFC000  }
0x1c5: {  	[spmem:s2] =	stream.indirect.scatter.add.f32 [tilespmem:s18], [sflag:$0x3], $0x80, s8, s16, $0xb8;
	[tilespmem:$0x1D000] =	vst v63  }
0x1c6: {  	_ =	swait.ge [sflag:s10], $0x4000  }
0x1c7: {  	[sflag:s10] =	ssyncset.done $0x0  }
0x1c8: {  	[sflag:s10] =	ssyncadd.s32 $0xFFFFC000  }
0x1c9: {  	[tilespmem:s18], [sflag:$0x2] =	stream.indirect.gather [hbm4b:s4+s16], $0x80, s11, s16, $0xb8;
	[tilespmem:$0x1D000] =	vst v63  }
0x1ca: {  	_ =	swait.ge [sflag:s19], $0x4000  }
0x1cb: {  	[sflag:s19] =	ssyncset.done $0x0  }
0x1cc: {  	[sflag:s19] =	ssyncadd.s32 $0xFFFFC000  }
0x1cd: {  	[spmem:s2] =	stream.indirect.scatter.add.f32 [tilespmem:s17], [sflag:$0x3], $0x80, s12, s16, $0xb8;
	[tilespmem:$0x1D000] =	vst v63  }
0x1ce: {  	_ =	swait.ge [sflag:s10], $0x4000  }
0x1cf: {  	[sflag:s10] =	ssyncset.done $0x0  }
0x1d0: {  	[sflag:s10] =	ssyncadd.s32 $0xFFFFC000  }
0x1d1: {  	_ =	swait.ge [sflag:s20], $0x4000  }
0x1d2: {  	[sflag:s20] =	ssyncset.done $0x0  }
0x1d3: {  	[sflag:s20] =	ssyncadd.s32 $0xFFFFC000  }
0x1d4: {  	[spmem:s2] =	stream.indirect.scatter.add.f32 [tilespmem:s18], [sflag:$0x3], $0x80, s13, s16, $0xb8;
	[tilespmem:$0x1D000] =	vst v63  }
0x1d5: {  	_ =	swait.ge [sflag:s10], $0x4000  }
0x1d6: {  	[sflag:s10] =	ssyncset.done $0x0  }
0x1d7: {  	[sflag:s10] =	ssyncadd.s32 $0xFFFFC000  }
0x1d8: {  	[bflag:$0x0] =	sbarrier.arrive $0xFFFF  }
0x1d9: {  	s14 =	rddreg [dreg:$0x13]  }
0x1da: {  	s6 =	rddreg [dreg:$0x14]  }
0x1db: {  	s9 =	rddreg [dreg:$0x16]  }
0x1dc: {  	[hbm:s6], [sflag:s14] =	dma.local [spmem:s9], $0x2800  }
0x1dd: {  	_ =	swait.ge [sflag:s10], $0x2800  }
0x1de: {  	s5 =	rddreg [dreg:$0x1b]  }
0x1df: {  	s6 =	sadd.s32 $0x1, s5;
	s5 =	rddreg [dreg:$0x15]  }
0x1e0: {  	p0 =	sne.s32 s6, s5  }
.Ltmp1:
0x1e1: {  	_ = 	snop;
	(pc) =	sbr.rel @p0 .LBB2_1-.Ltmp1, $3  }
0x1e2: {  	_ =	sdelay $0x1  }
0x1e3: {  	[sflag:s10] =	ssyncset.done $0x0  }
0x1e4: {  	[sflag:s10] =	ssyncadd.s32 $0xFFFFD800  }
0x1e5: {  	_ =	sfence.sel $0x180000  }
0x1e6: {  	[bflag:$0x0] =	sbarrier.arrive $0xFFFF  }
0x1e7: {  	_ =	strace $0x90000050  }
0x1e8: {  	s0 =	stileid.u32;
	[bflag:$0x2] =	sbarrier.arrive $0xFFFF  }
0x1e9: {  	p0 =	sne.s32 s0, $0x0;
	s0 =	rddreg [dreg:$0x3]  }
0x1ea: {  	s0 =	sadd.s32 @!p0 $0x100000, s0  }
0x1eb: {  	[sflag:s0] =	ssyncadd.tile.s32 @!p0 $0x1;
	_ =	shalt  }
.Lfunc_end2:
_tile_overlayer_lowered:
.L_overlay_start_2:
0x1ec: {  	(tag) =	ssettag $0x2  }
0x1ed: {  	s0 =	rddreg [dreg:$0x0];
	s2 =	stileid.u32  }
0x1ee: {  	s1 =	rddreg [dreg:$0x1];
	p0 =	sne.s32 s2, $0x0  }
0x1ef: {  	s3 =	rddreg [dreg:$0x2];
	[bflag:$0x3] =	sbarrier.arrive $0xFFFF;
	s2 =	simm.s32 @!p0 $0x1C03  }
0x1f0: {  	[timem:s3], [sflag:s2] =	dma.local @!p0 [hbm:s0], s1  }
0x1f1: {  	s0 =	simm.s32 @!p0 $0x3  }
0x1f2: {  	_ =	swait.ge @!p0 [sflag:s0], s1  }
0x1f3: {  	s1 =	ssub.s32 @!p0 $0x0, s1;
	[sflag:s0] =	ssyncset.done @!p0 $0x0  }
0x1f4: {  	[sflag:s0] =	ssyncadd.s32 @!p0 s1  }
0x1f5: {  	[bflag:$0x3] =	sbarrier.arrive $0xFFFF  }
0x1f6: {  	_ =	shalt  }

</sc_bundles>
